<compile_context>
chip_gen: v7x
topology: tpu7x:2x2x1
jax: 0.10.2.dev20260603
libtpu: 0.0.44.dev20260713+nightly
codegen_flags: <defaults>
</compile_context>

<pallas_src>
import functools

import jax
import jax.numpy as jnp
from jax import lax
from jax.experimental import pallas as pl
from jax.experimental.pallas import tpu as pltpu
from jax.experimental.pallas import tpu_sc as plsc

N = 10000
E = 160000
DIN = 256
DH = 512
DOUT = 128

DC = 128
NC = 2
NS = 16
EB = 80
NB = E // NS // EB
RPT = 640
NPAD = RPT * NS
TAIL = N - RPT * (NS - 1)

BN = 2000
GN = N // BN



def _make_seg_sum(C):
    cpc = C // NC
    mesh = plsc.VectorSubcoreMesh(core_axis_name="c", subcore_axis_name="s",
                                  num_cores=NC, num_subcores=NS)

    @functools.partial(
        pl.kernel,
        out_type=jax.ShapeDtypeStruct((C, N, DC), jnp.float32),
        mesh=mesh,
        scratch_types=[
            pltpu.VMEM((NB, EB), jnp.int32),
            pltpu.VMEM((NB, EB), jnp.int32),
            pltpu.VMEM((EB,), jnp.int32),
            pltpu.VMEM((EB, DC), jnp.float32),
            pltpu.VMEM_SHARED((NPAD, DC), jnp.float32),
            pltpu.SemaphoreType.DMA,
        ],
    )
    def seg(x_hbm, src_hbm, dst_hbm, zeros_hbm, out_hbm,
            src_v, dst_v, sidx_v, rows_v, agg_sh, sem):
        cid = lax.axis_index("c")
        sid = lax.axis_index("s")
        full = pl.ds(sid * RPT, RPT)
        tail = pl.ds((NS - 1) * RPT, TAIL)
        pltpu.sync_copy(src_hbm.at[sid], src_v)
        pltpu.sync_copy(dst_hbm.at[sid], dst_v)

        for cc in range(cpc):
            c = cid * cpc + cc

            @pl.when(sid < NS - 1)
            def _():
                pltpu.sync_copy(zeros_hbm, agg_sh.at[full])

            @pl.when(sid == NS - 1)
            def _():
                pltpu.sync_copy(zeros_hbm.at[pl.ds(0, TAIL)], agg_sh.at[tail])

            plsc.subcore_barrier()

            def body(j, carry):
                for k in range(EB // 16):
                    sl = pl.ds(k * 16, 16)
                    sidx_v[sl] = src_v[j, sl] * C + c
                pltpu.async_copy(x_hbm.at[sidx_v], rows_v, sem).wait()
                pltpu.sync_copy(rows_v, agg_sh.at[dst_v.at[j]], add=True)
                return carry

            lax.fori_loop(0, NB, body, 0)
            plsc.subcore_barrier()

            @pl.when(sid < NS - 1)
            def _():
                pltpu.sync_copy(agg_sh.at[full], out_hbm.at[c].at[full])

            @pl.when(sid == NS - 1)
            def _():
                pltpu.sync_copy(agg_sh.at[tail], out_hbm.at[c].at[tail])

            plsc.subcore_barrier()

    return seg


_seg2 = _make_seg_sum(2)
_seg4 = _make_seg_sum(4)



def _mlp_a2_body(x_ref, agg_ref, w_ref, b_ref, h_ref, s1_ref, s2_ref):
    i = pl.program_id(0)
    agg = jnp.concatenate([agg_ref[0], agg_ref[1]], axis=-1)
    xa = x_ref[...] + agg
    h = jnp.dot(xa, w_ref[...], preferred_element_type=jnp.float32)
    h = h + b_ref[...]
    h_ref[...] = h

    @pl.when(i == 0)
    def _():
        s1_ref[...] = jnp.zeros_like(s1_ref)
        s2_ref[...] = jnp.zeros_like(s2_ref)

    s1_ref[...] += jnp.sum(h, axis=0, keepdims=True)
    s2_ref[...] += jnp.sum(h * h, axis=0, keepdims=True)


_mlp_a2 = pl.pallas_call(
    _mlp_a2_body,
    grid=(GN,),
    in_specs=[
        pl.BlockSpec((BN, DIN), lambda i: (i, 0)),
        pl.BlockSpec((NC, BN, DC), lambda i: (0, i, 0)),
        pl.BlockSpec((DIN, DH), lambda i: (0, 0)),
        pl.BlockSpec((1, DH), lambda i: (0, 0)),
    ],
    out_specs=[
        pl.BlockSpec((BN, DH), lambda i: (i, 0)),
        pl.BlockSpec((1, DH), lambda i: (0, 0)),
        pl.BlockSpec((1, DH), lambda i: (0, 0)),
    ],
    out_shape=[
        jax.ShapeDtypeStruct((N, DH), jnp.float32),
        jax.ShapeDtypeStruct((1, DH), jnp.float32),
        jax.ShapeDtypeStruct((1, DH), jnp.float32),
    ],
)


def _mlp_a4_body(x_ref, agg_ref, w_ref, b_ref, h_ref, s1_ref, s2_ref):
    i = pl.program_id(0)
    agg = jnp.concatenate(
        [agg_ref[0], agg_ref[1], agg_ref[2], agg_ref[3]], axis=-1)
    xa = x_ref[...] + agg
    h = jnp.dot(xa, w_ref[...], preferred_element_type=jnp.float32)
    h = h + b_ref[...]
    h_ref[...] = h

    @pl.when(i == 0)
    def _():
        s1_ref[...] = jnp.zeros_like(s1_ref)
        s2_ref[...] = jnp.zeros_like(s2_ref)

    s1_ref[...] += jnp.sum(h, axis=0, keepdims=True)
    s2_ref[...] += jnp.sum(h * h, axis=0, keepdims=True)


_mlp_a4 = pl.pallas_call(
    _mlp_a4_body,
    grid=(GN,),
    in_specs=[
        pl.BlockSpec((BN, DH), lambda i: (i, 0)),
        pl.BlockSpec((4, BN, DC), lambda i: (0, i, 0)),
        pl.BlockSpec((DH, DH), lambda i: (0, 0)),
        pl.BlockSpec((1, DH), lambda i: (0, 0)),
    ],
    out_specs=[
        pl.BlockSpec((BN, DH), lambda i: (i, 0)),
        pl.BlockSpec((1, DH), lambda i: (0, 0)),
        pl.BlockSpec((1, DH), lambda i: (0, 0)),
    ],
    out_shape=[
        jax.ShapeDtypeStruct((N, DH), jnp.float32),
        jax.ShapeDtypeStruct((1, DH), jnp.float32),
        jax.ShapeDtypeStruct((1, DH), jnp.float32),
    ],
)


def _mlp_b_body(h_ref, s1_ref, s2_ref, g_ref, be_ref, w_ref, b_ref, o_ref):
    mu = s1_ref[...] / N
    var = s2_ref[...] / N - mu * mu
    hn = (h_ref[...] - mu) * lax.rsqrt(var + 1e-5) * g_ref[...] + be_ref[...]
    hn = jnp.maximum(hn, 0.0)
    o = jnp.dot(hn, w_ref[...], preferred_element_type=jnp.float32)
    o_ref[...] = jnp.maximum(o + b_ref[...], 0.0)


_mlp_b = pl.pallas_call(
    _mlp_b_body,
    grid=(GN,),
    in_specs=[
        pl.BlockSpec((BN, DH), lambda i: (i, 0)),
        pl.BlockSpec((1, DH), lambda i: (0, 0)),
        pl.BlockSpec((1, DH), lambda i: (0, 0)),
        pl.BlockSpec((1, DH), lambda i: (0, 0)),
        pl.BlockSpec((1, DH), lambda i: (0, 0)),
        pl.BlockSpec((DH, DH), lambda i: (0, 0)),
        pl.BlockSpec((1, DH), lambda i: (0, 0)),
    ],
    out_specs=pl.BlockSpec((BN, DH), lambda i: (i, 0)),
    out_shape=jax.ShapeDtypeStruct((N, DH), jnp.float32),
)


def _final_body(h_ref, s1_ref, s2_ref, g_ref, be_ref, w2_ref, b2_ref,
                h1_ref, h2_ref, w_ref, b_ref, o_ref):
    mu = s1_ref[...] / N
    var = s2_ref[...] / N - mu * mu
    hn = (h_ref[...] - mu) * lax.rsqrt(var + 1e-5) * g_ref[...] + be_ref[...]
    hn = jnp.maximum(hn, 0.0)
    h3 = jnp.dot(hn, w2_ref[...], preferred_element_type=jnp.float32)
    h3 = jnp.maximum(h3 + b2_ref[...], 0.0)
    hcat = jnp.concatenate([h1_ref[...], h2_ref[...], h3], axis=-1)
    acc = jnp.dot(hcat, w_ref[...], preferred_element_type=jnp.float32)
    acc = acc + b_ref[...]
    m = jnp.max(acc, axis=1, keepdims=True)
    s = jnp.sum(jnp.exp(acc - m), axis=1, keepdims=True)
    o_ref[...] = acc - m - jnp.log(s)


_final = pl.pallas_call(
    _final_body,
    grid=(GN,),
    in_specs=[
        pl.BlockSpec((BN, DH), lambda i: (i, 0)),
        pl.BlockSpec((1, DH), lambda i: (0, 0)),
        pl.BlockSpec((1, DH), lambda i: (0, 0)),
        pl.BlockSpec((1, DH), lambda i: (0, 0)),
        pl.BlockSpec((1, DH), lambda i: (0, 0)),
        pl.BlockSpec((DH, DH), lambda i: (0, 0)),
        pl.BlockSpec((1, DH), lambda i: (0, 0)),
        pl.BlockSpec((BN, DH), lambda i: (i, 0)),
        pl.BlockSpec((BN, DH), lambda i: (i, 0)),
        pl.BlockSpec((3 * DH, DOUT), lambda i: (0, 0)),
        pl.BlockSpec((1, DOUT), lambda i: (0, 0)),
    ],
    out_specs=pl.BlockSpec((BN, DOUT), lambda i: (i, 0)),
    out_shape=jax.ShapeDtypeStruct((N, DOUT), jnp.float32),
)



def kernel(x, edge_index, c1_W1, c1_b1, c1_g, c1_be, c1_W2, c1_b2,
           c2_W1, c2_b1, c2_g, c2_be, c2_W2, c2_b2,
           c3_W1, c3_b1, c3_g, c3_be, c3_W2, c3_b2, lin_W, lin_b):
    src = edge_index[0].reshape(NS, NB, EB)
    dst = edge_index[1].reshape(NS, NB, EB)
    zeros = jnp.zeros((RPT, DC), jnp.float32)
    r = lambda v: v.reshape(1, -1)

    agg1 = _seg2(x.reshape(N * 2, DC), src, dst, zeros)
    h0, s1, s2 = _mlp_a2(x, agg1, c1_W1, r(c1_b1))
    h1 = _mlp_b(h0, s1, s2, r(c1_g), r(c1_be), c1_W2, r(c1_b2))

    agg2 = _seg4(h1.reshape(N * 4, DC), src, dst, zeros)
    h0, s1, s2 = _mlp_a4(h1, agg2, c2_W1, r(c2_b1))
    h2 = _mlp_b(h0, s1, s2, r(c2_g), r(c2_be), c2_W2, r(c2_b2))

    agg3 = _seg4(h2.reshape(N * 4, DC), src, dst, zeros)
    h0, s1, s2 = _mlp_a4(h2, agg3, c3_W1, r(c3_b1))
    return _final(h0, s1, s2, r(c3_g), r(c3_be), c3_W2, r(c3_b2),
                  h1, h2, lin_W, r(lin_b))

# --- scband reference (transcript-rebuilt; emitter-appended) ---
"""Pipeline reference for scband-gin-43791486550059 (READ-ONLY COPY).

The authoritative reference and input builder live on the scoring server;
editing this copy changes nothing except your own understanding.
"""

import jax, jax.numpy as jnp
import numpy as np

N = 10000
E = 160000
DIN = 256
DH = 512
DOUT = 128


def setup_inputs(seed: int = 0) -> dict:
    key = jax.random.key(seed)
    ks = jax.random.split(key, 16)
    inp = {}
    inp['x'] = jax.random.normal(ks[0], (N, DIN), dtype=jnp.float32)
    inp['edge_index'] = jax.random.randint(ks[1], (2, E), 0, N, dtype=jnp.int32)
    # conv1 MLP params
    inp['c1_W1'] = jax.random.normal(ks[2], (DIN, DH), dtype=jnp.float32) * 0.05
    inp['c1_b1'] = jnp.zeros((DH,), dtype=jnp.float32)
    inp['c1_g'] = jnp.ones((DH,), dtype=jnp.float32)
    inp['c1_be'] = jnp.zeros((DH,), dtype=jnp.float32)
    inp['c1_W2'] = jax.random.normal(ks[3], (DH, DH), dtype=jnp.float32) * 0.05
    inp['c1_b2'] = jnp.zeros((DH,), dtype=jnp.float32)
    # conv2 MLP params
    inp['c2_W1'] = jax.random.normal(ks[4], (DH, DH), dtype=jnp.float32) * 0.05
    inp['c2_b1'] = jnp.zeros((DH,), dtype=jnp.float32)
    inp['c2_g'] = jnp.ones((DH,), dtype=jnp.float32)
    inp['c2_be'] = jnp.zeros((DH,), dtype=jnp.float32)
    inp['c2_W2'] = jax.random.normal(ks[5], (DH, DH), dtype=jnp.float32) * 0.05
    inp['c2_b2'] = jnp.zeros((DH,), dtype=jnp.float32)
    # conv3 MLP params
    inp['c3_W1'] = jax.random.normal(ks[6], (DH, DH), dtype=jnp.float32) * 0.05
    inp['c3_b1'] = jnp.zeros((DH,), dtype=jnp.float32)
    inp['c3_g'] = jnp.ones((DH,), dtype=jnp.float32)
    inp['c3_be'] = jnp.zeros((DH,), dtype=jnp.float32)
    inp['c3_W2'] = jax.random.normal(ks[7], (DH, DH), dtype=jnp.float32) * 0.05
    inp['c3_b2'] = jnp.zeros((DH,), dtype=jnp.float32)
    # final linear (dim_h*3 -> dim_out)
    inp['lin_W'] = jax.random.normal(ks[8], (3 * DH, DOUT), dtype=jnp.float32) * 0.05
    inp['lin_b'] = jnp.zeros((DOUT,), dtype=jnp.float32)
    return inp


def _mlp(h, W1, b1, g, be, W2, b2):
    # Linear -> BatchNorm1d (training-mode batch stats) -> ReLU -> Linear -> ReLU
    h = h @ W1 + b1
    mu = jnp.mean(h, axis=0)
    var = jnp.var(h, axis=0)
    h = (h - mu) * jax.lax.rsqrt(var + 1e-5) * g + be
    h = jax.nn.relu(h)
    h = jax.nn.relu(h @ W2 + b2)
    return h


def _gin_conv(x, src, dst, W1, b1, g, be, W2, b2):
    # GINConv with eps=0: MLP((1+eps)*x + sum_{j->i} x_j)
    agg = jax.ops.segment_sum(x[src], dst, num_segments=N)
    return _mlp(x + agg, W1, b1, g, be, W2, b2)


def reference(x, edge_index, c1_W1, c1_b1, c1_g, c1_be, c1_W2, c1_b2, c2_W1, c2_b1, c2_g, c2_be, c2_W2, c2_b2, c3_W1, c3_b1, c3_g, c3_be, c3_W2, c3_b2, lin_W, lin_b):
    src = edge_index[0]
    dst = edge_index[1]
    h1 = _gin_conv(x, src, dst, c1_W1, c1_b1, c1_g, c1_be, c1_W2, c1_b2)
    h2 = _gin_conv(h1, src, dst, c2_W1, c2_b1, c2_g, c2_be, c2_W2, c2_b2)
    h3 = _gin_conv(h2, src, dst, c3_W1, c3_b1, c3_g, c3_be, c3_W2, c3_b2)
    h = jnp.concatenate((h1, h2, h3), axis=1)
    h = h @ lin_W + lin_b
    return jax.nn.log_softmax(h, axis=1)

if __name__ == "__main__":
    import jax
    _d = setup_inputs()
    print(jax.jit(kernel)(*tuple(_d.values())))

</pallas_src>

<mosaic_0001>
#map = affine_map<(d0, d1) -> (0, 0)>
#map1 = affine_map<(d0, d1) -> (0, 0, 0)>
module attributes {stable_mosaic.version = 14 : i64} {
  func.func @seg(%arg0: i32, %arg1: i32, %arg2: memref<40000x128xf32, #tpu.memory_space<hbm>>, %arg3: memref<16x125x80xi32, #tpu.memory_space<hbm>>, %arg4: memref<16x125x80xi32, #tpu.memory_space<hbm>>, %arg5: memref<640x128xf32, #tpu.memory_space<hbm>>, %arg6: memref<4x10000x128xf32, #tpu.memory_space<hbm>>, %arg7: memref<125x80xi32, #tpu.memory_space<vmem>>, %arg8: memref<125x80xi32, #tpu.memory_space<vmem>>, %arg9: memref<80xi32, #tpu.memory_space<vmem>>, %arg10: memref<80x128xf32, #tpu.memory_space<vmem>>, %arg11: memref<10240x128xf32, #tpu.memory_space<vmem_shared>>, %arg12: memref<!tpu.dma_semaphore, #tpu.memory_space<semaphore_mem>>) attributes {dimension_semantics = [#tpu.dimension_semantics<core_parallel>, #tpu.dimension_semantics<subcore_parallel>], iteration_bounds = array<i64: 2, 16>, scalar_prefetch = 0 : i64, scratch_operands = 6 : i64, tpu.core_type = #tpu.core_type<sc_vector_subcore>, window_params = [{transform_indices = #map}, {transform_indices = #map1}, {transform_indices = #map1}, {transform_indices = #map}, {transform_indices = #map1}]} {
    %mul3A = arith.constant 640 : i32
    %mul3A_0 = arith.muli %arg1, %mul3A : i32
    "tpu.region"() ({
      %run_scoped3A = tpu.sem_alloc : memref<!tpu.dma_semaphore, #tpu.memory_space<semaphore_mem>>
      %dma_start3A = arith.constant 0 : i32
      %dma_start3A_60 = arith.constant 0 : i32
      %dma_start3A_61 = tpu.memref_slice %arg3[%arg1, %dma_start3A, %dma_start3A_60] : memref<16x125x80xi32, #tpu.memory_space<hbm>> -> memref<1x125x80xi32, #tpu.memory_space<hbm>>
      %dma_start3A_62 = tpu.memref_squeeze %dma_start3A_61 : memref<1x125x80xi32, #tpu.memory_space<hbm>> -> memref<125x80xi32, #tpu.memory_space<hbm>>
      %dma_start3A_63 = arith.constant 0 : i32
      %dma_start3A_64 = arith.constant 0 : i32
      %dma_start3A_65 = tpu.memref_slice %arg3[%arg1, %dma_start3A_63, %dma_start3A_64] : memref<16x125x80xi32, #tpu.memory_space<hbm>> -> memref<1x125x80xi32, #tpu.memory_space<hbm>>
      %dma_start3A_66 = tpu.memref_squeeze %dma_start3A_65 : memref<1x125x80xi32, #tpu.memory_space<hbm>> -> memref<125x80xi32, #tpu.memory_space<hbm>>
      tpu.enqueue_dma source(%dma_start3A_66 : memref<125x80xi32, #tpu.memory_space<hbm>>) target(%arg7 : memref<125x80xi32, #tpu.memory_space<vmem>>) target_semaphore(%run_scoped3A : memref<!tpu.dma_semaphore, #tpu.memory_space<semaphore_mem>>)
      %dma_wait3A = arith.constant 0 : i32
      %dma_wait3A_67 = arith.constant 0 : i32
      %dma_wait3A_68 = tpu.memref_slice %arg3[%arg1, %dma_wait3A, %dma_wait3A_67] : memref<16x125x80xi32, #tpu.memory_space<hbm>> -> memref<1x125x80xi32, #tpu.memory_space<hbm>>
      %dma_wait3A_69 = tpu.memref_squeeze %dma_wait3A_68 : memref<1x125x80xi32, #tpu.memory_space<hbm>> -> memref<125x80xi32, #tpu.memory_space<hbm>>
      %dma_wait3A_70 = arith.constant 0 : i32
      %dma_wait3A_71 = arith.constant 0 : i32
      %dma_wait3A_72 = tpu.memref_slice %arg3[%arg1, %dma_wait3A_70, %dma_wait3A_71] : memref<16x125x80xi32, #tpu.memory_space<hbm>> -> memref<1x125x80xi32, #tpu.memory_space<hbm>>
      %dma_wait3A_73 = tpu.memref_squeeze %dma_wait3A_72 : memref<1x125x80xi32, #tpu.memory_space<hbm>> -> memref<125x80xi32, #tpu.memory_space<hbm>>
      tpu.wait_dma2 semaphore(%run_scoped3A : memref<!tpu.dma_semaphore, #tpu.memory_space<semaphore_mem>>) src(%dma_wait3A_73 : memref<125x80xi32, #tpu.memory_space<hbm>>) dst(%arg7 : memref<125x80xi32, #tpu.memory_space<vmem>>)
      tpu.yield
    }) : () -> ()
    "tpu.region"() ({
      %run_scoped3A = tpu.sem_alloc : memref<!tpu.dma_semaphore, #tpu.memory_space<semaphore_mem>>
      %dma_start3A = arith.constant 0 : i32
      %dma_start3A_60 = arith.constant 0 : i32
      %dma_start3A_61 = tpu.memref_slice %arg4[%arg1, %dma_start3A, %dma_start3A_60] : memref<16x125x80xi32, #tpu.memory_space<hbm>> -> memref<1x125x80xi32, #tpu.memory_space<hbm>>
      %dma_start3A_62 = tpu.memref_squeeze %dma_start3A_61 : memref<1x125x80xi32, #tpu.memory_space<hbm>> -> memref<125x80xi32, #tpu.memory_space<hbm>>
      %dma_start3A_63 = arith.constant 0 : i32
      %dma_start3A_64 = arith.constant 0 : i32
      %dma_start3A_65 = tpu.memref_slice %arg4[%arg1, %dma_start3A_63, %dma_start3A_64] : memref<16x125x80xi32, #tpu.memory_space<hbm>> -> memref<1x125x80xi32, #tpu.memory_space<hbm>>
      %dma_start3A_66 = tpu.memref_squeeze %dma_start3A_65 : memref<1x125x80xi32, #tpu.memory_space<hbm>> -> memref<125x80xi32, #tpu.memory_space<hbm>>
      tpu.enqueue_dma source(%dma_start3A_66 : memref<125x80xi32, #tpu.memory_space<hbm>>) target(%arg8 : memref<125x80xi32, #tpu.memory_space<vmem>>) target_semaphore(%run_scoped3A : memref<!tpu.dma_semaphore, #tpu.memory_space<semaphore_mem>>)
      %dma_wait3A = arith.constant 0 : i32
      %dma_wait3A_67 = arith.constant 0 : i32
      %dma_wait3A_68 = tpu.memref_slice %arg4[%arg1, %dma_wait3A, %dma_wait3A_67] : memref<16x125x80xi32, #tpu.memory_space<hbm>> -> memref<1x125x80xi32, #tpu.memory_space<hbm>>
      %dma_wait3A_69 = tpu.memref_squeeze %dma_wait3A_68 : memref<1x125x80xi32, #tpu.memory_space<hbm>> -> memref<125x80xi32, #tpu.memory_space<hbm>>
      %dma_wait3A_70 = arith.constant 0 : i32
      %dma_wait3A_71 = arith.constant 0 : i32
      %dma_wait3A_72 = tpu.memref_slice %arg4[%arg1, %dma_wait3A_70, %dma_wait3A_71] : memref<16x125x80xi32, #tpu.memory_space<hbm>> -> memref<1x125x80xi32, #tpu.memory_space<hbm>>
      %dma_wait3A_73 = tpu.memref_squeeze %dma_wait3A_72 : memref<1x125x80xi32, #tpu.memory_space<hbm>> -> memref<125x80xi32, #tpu.memory_space<hbm>>
      tpu.wait_dma2 semaphore(%run_scoped3A : memref<!tpu.dma_semaphore, #tpu.memory_space<semaphore_mem>>) src(%dma_wait3A_73 : memref<125x80xi32, #tpu.memory_space<hbm>>) dst(%arg8 : memref<125x80xi32, #tpu.memory_space<vmem>>)
      tpu.yield
    }) : () -> ()
    %mul3A_1 = arith.constant 2 : i32
    %mul3A_2 = arith.muli %arg0, %mul3A_1 : i32
    %add3A = arith.constant 0 : i32
    %add3A_3 = arith.addi %mul3A_2, %add3A : i32
    %lt3A = arith.constant 15 : i32
    %lt3A_4 = arith.cmpi slt, %arg1, %lt3A : i32
    %convert_element_type3A = arith.extui %lt3A_4 : i1 to i32
    %cond3A = arith.constant 0 : i32
    %cond3A_5 = arith.cmpi ne, %convert_element_type3A, %cond3A : i32
    scf.if %cond3A_5 {
      "tpu.region"() ({
        %run_scoped3A = tpu.sem_alloc : memref<!tpu.dma_semaphore, #tpu.memory_space<semaphore_mem>>
        %dma_start3A = arith.constant 0 : i32
        %dma_start3A_60 = tpu.memref_slice %arg11[%mul3A_0, %dma_start3A] : memref<10240x128xf32, #tpu.memory_space<vmem_shared>> -> memref<640x128xf32, #tpu.memory_space<vmem_shared>>
        tpu.enqueue_dma source(%arg5 : memref<640x128xf32, #tpu.memory_space<hbm>>) target(%dma_start3A_60 : memref<640x128xf32, #tpu.memory_space<vmem_shared>>) target_semaphore(%run_scoped3A : memref<!tpu.dma_semaphore, #tpu.memory_space<semaphore_mem>>)
        %dma_wait3A = arith.constant 0 : i32
        %dma_wait3A_61 = tpu.memref_slice %arg11[%mul3A_0, %dma_wait3A] : memref<10240x128xf32, #tpu.memory_space<vmem_shared>> -> memref<640x128xf32, #tpu.memory_space<vmem_shared>>
        tpu.wait_dma2 semaphore(%run_scoped3A : memref<!tpu.dma_semaphore, #tpu.memory_space<semaphore_mem>>) src(%arg5 : memref<640x128xf32, #tpu.memory_space<hbm>>) dst(%dma_wait3A_61 : memref<640x128xf32, #tpu.memory_space<vmem_shared>>)
        tpu.yield
      }) : () -> ()
    } else {
    }
    %eq3A = arith.constant 15 : i32
    %eq3A_6 = arith.cmpi eq, %arg1, %eq3A : i32
    %convert_element_type3A_7 = arith.extui %eq3A_6 : i1 to i32
    %cond3A_8 = arith.constant 0 : i32
    %cond3A_9 = arith.cmpi ne, %convert_element_type3A_7, %cond3A_8 : i32
    scf.if %cond3A_9 {
      "tpu.region"() ({
        %run_scoped3A = tpu.sem_alloc : memref<!tpu.dma_semaphore, #tpu.memory_space<semaphore_mem>>
        %dma_start3A = arith.constant 9600 : i32
        %dma_start3A_60 = arith.constant 0 : i32
        %dma_start3A_61 = tpu.memref_slice %arg11[%dma_start3A, %dma_start3A_60] : memref<10240x128xf32, #tpu.memory_space<vmem_shared>> -> memref<400x128xf32, #tpu.memory_space<vmem_shared>>
        %dma_start3A_62 = arith.constant 0 : i32
        %dma_start3A_63 = arith.constant 0 : i32
        %dma_start3A_64 = tpu.memref_slice %arg5[%dma_start3A_62, %dma_start3A_63] : memref<640x128xf32, #tpu.memory_space<hbm>> -> memref<400x128xf32, #tpu.memory_space<hbm>>
        tpu.enqueue_dma source(%dma_start3A_64 : memref<400x128xf32, #tpu.memory_space<hbm>>) target(%dma_start3A_61 : memref<400x128xf32, #tpu.memory_space<vmem_shared>>) target_semaphore(%run_scoped3A : memref<!tpu.dma_semaphore, #tpu.memory_space<semaphore_mem>>)
        %dma_wait3A = arith.constant 9600 : i32
        %dma_wait3A_65 = arith.constant 0 : i32
        %dma_wait3A_66 = tpu.memref_slice %arg11[%dma_wait3A, %dma_wait3A_65] : memref<10240x128xf32, #tpu.memory_space<vmem_shared>> -> memref<400x128xf32, #tpu.memory_space<vmem_shared>>
        %dma_wait3A_67 = arith.constant 0 : i32
        %dma_wait3A_68 = arith.constant 0 : i32
        %dma_wait3A_69 = tpu.memref_slice %arg5[%dma_wait3A_67, %dma_wait3A_68] : memref<640x128xf32, #tpu.memory_space<hbm>> -> memref<400x128xf32, #tpu.memory_space<hbm>>
        tpu.wait_dma2 semaphore(%run_scoped3A : memref<!tpu.dma_semaphore, #tpu.memory_space<semaphore_mem>>) src(%dma_wait3A_69 : memref<400x128xf32, #tpu.memory_space<hbm>>) dst(%dma_wait3A_66 : memref<400x128xf32, #tpu.memory_space<vmem_shared>>)
        tpu.yield
      }) : () -> ()
    } else {
    }
    %barrier3A = arith.constant 0 : index
    tpu.barrier barrier_id(%barrier3A)
    %scan3A = arith.constant 0 : i32
    %scan3A_10 = arith.constant 0 : i32
    %scan3A_11 = arith.constant 125 : i32
    %scan3A_12 = arith.addi %scan3A_10, %scan3A_11 : i32
    %scan3A_13 = arith.constant 1 : i32
    scf.for %scan3A_60 = %scan3A_10 to %scan3A_12 step %scan3A_13  : i32 {
      %get3A = arith.index_cast %scan3A_60 : i32 to index
      %get3A_61 = arith.constant 0 : index
      %get3A_62 = tpu.vector_load %arg7[%get3A, %get3A_61] {strides = array<i32>} : memref<125x80xi32, #tpu.memory_space<vmem>>, vector<1x16xi32>,
      %get3A_63 = vector.shape_cast %get3A_62 : vector<1x16xi32> to vector<16xi32>
      %mul3A_64 = arith.constant 4 : i32
      %mul3A_65 = vector.broadcast %mul3A_64 : i32 to vector<16xi32>
      %mul3A_66 = arith.muli %get3A_63, %mul3A_65 : vector<16xi32>
      %add3A_67 = vector.broadcast %add3A_3 : i32 to vector<16xi32>
      %add3A_68 = arith.addi %mul3A_66, %add3A_67 : vector<16xi32>
      %swap3A = arith.constant 0 : index
      %swap3A_69 = tpu.vector_load %arg9[%swap3A] {strides = array<i32>} : memref<80xi32, #tpu.memory_space<vmem>>, vector<16xi32>,
      %swap3A_70 = vector.shape_cast %swap3A_69 : vector<16xi32> to vector<16xi32>
      %swap3A_71 = vector.shape_cast %add3A_68 : vector<16xi32> to vector<16xi32>
      tpu.vector_store %arg9[%swap3A], %swap3A_71 {strides = array<i32>} : memref<80xi32, #tpu.memory_space<vmem>>, vector<16xi32>,
      %get3A_72 = arith.index_cast %scan3A_60 : i32 to index
      %get3A_73 = arith.constant 16 : index
      %get3A_74 = tpu.vector_load %arg7[%get3A_72, %get3A_73] {strides = array<i32>} : memref<125x80xi32, #tpu.memory_space<vmem>>, vector<1x16xi32>,
      %get3A_75 = vector.shape_cast %get3A_74 : vector<1x16xi32> to vector<16xi32>
      %mul3A_76 = arith.constant 4 : i32
      %mul3A_77 = vector.broadcast %mul3A_76 : i32 to vector<16xi32>
      %mul3A_78 = arith.muli %get3A_75, %mul3A_77 : vector<16xi32>
      %add3A_79 = vector.broadcast %add3A_3 : i32 to vector<16xi32>
      %add3A_80 = arith.addi %mul3A_78, %add3A_79 : vector<16xi32>
      %swap3A_81 = arith.constant 16 : index
      %swap3A_82 = tpu.vector_load %arg9[%swap3A_81] {strides = array<i32>} : memref<80xi32, #tpu.memory_space<vmem>>, vector<16xi32>,
      %swap3A_83 = vector.shape_cast %swap3A_82 : vector<16xi32> to vector<16xi32>
      %swap3A_84 = vector.shape_cast %add3A_80 : vector<16xi32> to vector<16xi32>
      tpu.vector_store %arg9[%swap3A_81], %swap3A_84 {strides = array<i32>} : memref<80xi32, #tpu.memory_space<vmem>>, vector<16xi32>,
      %get3A_85 = arith.index_cast %scan3A_60 : i32 to index
      %get3A_86 = arith.constant 32 : index
      %get3A_87 = tpu.vector_load %arg7[%get3A_85, %get3A_86] {strides = array<i32>} : memref<125x80xi32, #tpu.memory_space<vmem>>, vector<1x16xi32>,
      %get3A_88 = vector.shape_cast %get3A_87 : vector<1x16xi32> to vector<16xi32>
      %mul3A_89 = arith.constant 4 : i32
      %mul3A_90 = vector.broadcast %mul3A_89 : i32 to vector<16xi32>
      %mul3A_91 = arith.muli %get3A_88, %mul3A_90 : vector<16xi32>
      %add3A_92 = vector.broadcast %add3A_3 : i32 to vector<16xi32>
      %add3A_93 = arith.addi %mul3A_91, %add3A_92 : vector<16xi32>
      %swap3A_94 = arith.constant 32 : index
      %swap3A_95 = tpu.vector_load %arg9[%swap3A_94] {strides = array<i32>} : memref<80xi32, #tpu.memory_space<vmem>>, vector<16xi32>,
      %swap3A_96 = vector.shape_cast %swap3A_95 : vector<16xi32> to vector<16xi32>
      %swap3A_97 = vector.shape_cast %add3A_93 : vector<16xi32> to vector<16xi32>
      tpu.vector_store %arg9[%swap3A_94], %swap3A_97 {strides = array<i32>} : memref<80xi32, #tpu.memory_space<vmem>>, vector<16xi32>,
      %get3A_98 = arith.index_cast %scan3A_60 : i32 to index
      %get3A_99 = arith.constant 48 : index
      %get3A_100 = tpu.vector_load %arg7[%get3A_98, %get3A_99] {strides = array<i32>} : memref<125x80xi32, #tpu.memory_space<vmem>>, vector<1x16xi32>,
      %get3A_101 = vector.shape_cast %get3A_100 : vector<1x16xi32> to vector<16xi32>
      %mul3A_102 = arith.constant 4 : i32
      %mul3A_103 = vector.broadcast %mul3A_102 : i32 to vector<16xi32>
      %mul3A_104 = arith.muli %get3A_101, %mul3A_103 : vector<16xi32>
      %add3A_105 = vector.broadcast %add3A_3 : i32 to vector<16xi32>
      %add3A_106 = arith.addi %mul3A_104, %add3A_105 : vector<16xi32>
      %swap3A_107 = arith.constant 48 : index
      %swap3A_108 = tpu.vector_load %arg9[%swap3A_107] {strides = array<i32>} : memref<80xi32, #tpu.memory_space<vmem>>, vector<16xi32>,
      %swap3A_109 = vector.shape_cast %swap3A_108 : vector<16xi32> to vector<16xi32>
      %swap3A_110 = vector.shape_cast %add3A_106 : vector<16xi32> to vector<16xi32>
      tpu.vector_store %arg9[%swap3A_107], %swap3A_110 {strides = array<i32>} : memref<80xi32, #tpu.memory_space<vmem>>, vector<16xi32>,
      %get3A_111 = arith.index_cast %scan3A_60 : i32 to index
      %get3A_112 = arith.constant 64 : index
      %get3A_113 = tpu.vector_load %arg7[%get3A_111, %get3A_112] {strides = array<i32>} : memref<125x80xi32, #tpu.memory_space<vmem>>, vector<1x16xi32>,
      %get3A_114 = vector.shape_cast %get3A_113 : vector<1x16xi32> to vector<16xi32>
      %mul3A_115 = arith.constant 4 : i32
      %mul3A_116 = vector.broadcast %mul3A_115 : i32 to vector<16xi32>
      %mul3A_117 = arith.muli %get3A_114, %mul3A_116 : vector<16xi32>
      %add3A_118 = vector.broadcast %add3A_3 : i32 to vector<16xi32>
      %add3A_119 = arith.addi %mul3A_117, %add3A_118 : vector<16xi32>
      %swap3A_120 = arith.constant 64 : index
      %swap3A_121 = tpu.vector_load %arg9[%swap3A_120] {strides = array<i32>} : memref<80xi32, #tpu.memory_space<vmem>>, vector<16xi32>,
      %swap3A_122 = vector.shape_cast %swap3A_121 : vector<16xi32> to vector<16xi32>
      %swap3A_123 = vector.shape_cast %add3A_119 : vector<16xi32> to vector<16xi32>
      tpu.vector_store %arg9[%swap3A_120], %swap3A_123 {strides = array<i32>} : memref<80xi32, #tpu.memory_space<vmem>>, vector<16xi32>,
      %dma_start3A = arith.constant 0 : i32
      %dma_start3A_124 = arith.constant 0 : i32
      %dma_start3A_125 = tpu.memref_slice %arg2[%dma_start3A, %dma_start3A_124] : memref<40000x128xf32, #tpu.memory_space<hbm>> -> memref<40000x128xf32, #tpu.memory_space<hbm>>
      tpu.enqueue_indirect_dma source(%dma_start3A_125 : memref<40000x128xf32, #tpu.memory_space<hbm>>) target(%arg10 : memref<80x128xf32, #tpu.memory_space<vmem>>) offsets(%arg9 : memref<80xi32, #tpu.memory_space<vmem>>) semaphore(%arg12 : memref<!tpu.dma_semaphore, #tpu.memory_space<semaphore_mem>>)
      %dma_wait3A = arith.constant 0 : i32
      %dma_wait3A_126 = arith.constant 0 : i32
      %dma_wait3A_127 = tpu.memref_slice %arg2[%dma_wait3A, %dma_wait3A_126] : memref<40000x128xf32, #tpu.memory_space<hbm>> -> memref<40000x128xf32, #tpu.memory_space<hbm>>
      tpu.wait_indirect_dma semaphore(%arg12 : memref<!tpu.dma_semaphore, #tpu.memory_space<semaphore_mem>>) src(%dma_wait3A_127 : memref<40000x128xf32, #tpu.memory_space<hbm>>) dst(%arg10 : memref<80x128xf32, #tpu.memory_space<vmem>>)
      "tpu.region"() ({
        %run_scoped3A = tpu.sem_alloc : memref<!tpu.dma_semaphore, #tpu.memory_space<semaphore_mem>>
        %dma_start3A_128 = arith.constant 0 : i32
        %dma_start3A_129 = tpu.memref_slice %arg8[%scan3A_60, %dma_start3A_128] : memref<125x80xi32, #tpu.memory_space<vmem>> -> memref<1x80xi32, #tpu.memory_space<vmem>>
        %dma_start3A_130 = tpu.memref_squeeze %dma_start3A_129 : memref<1x80xi32, #tpu.memory_space<vmem>> -> memref<80xi32, #tpu.memory_space<vmem>>
        %dma_start3A_131 = arith.constant 0 : i32
        %dma_start3A_132 = arith.constant 0 : i32
        %dma_start3A_133 = tpu.memref_slice %arg11[%dma_start3A_131, %dma_start3A_132] : memref<10240x128xf32, #tpu.memory_space<vmem_shared>> -> memref<10240x128xf32, #tpu.memory_space<vmem_shared>>
        tpu.enqueue_indirect_dma source(%arg10 : memref<80x128xf32, #tpu.memory_space<vmem>>) target(%dma_start3A_133 : memref<10240x128xf32, #tpu.memory_space<vmem_shared>>) offsets(%dma_start3A_130 : memref<80xi32, #tpu.memory_space<vmem>>) semaphore(%run_scoped3A : memref<!tpu.dma_semaphore, #tpu.memory_space<semaphore_mem>>) {add = true}
        %dma_wait3A_134 = arith.constant 0 : i32
        %dma_wait3A_135 = tpu.memref_slice %arg8[%scan3A_60, %dma_wait3A_134] : memref<125x80xi32, #tpu.memory_space<vmem>> -> memref<1x80xi32, #tpu.memory_space<vmem>>
        %dma_wait3A_136 = tpu.memref_squeeze %dma_wait3A_135 : memref<1x80xi32, #tpu.memory_space<vmem>> -> memref<80xi32, #tpu.memory_space<vmem>>
        %dma_wait3A_137 = arith.constant 0 : i32
        %dma_wait3A_138 = arith.constant 0 : i32
        %dma_wait3A_139 = tpu.memref_slice %arg11[%dma_wait3A_137, %dma_wait3A_138] : memref<10240x128xf32, #tpu.memory_space<vmem_shared>> -> memref<10240x128xf32, #tpu.memory_space<vmem_shared>>
        tpu.wait_indirect_dma semaphore(%run_scoped3A : memref<!tpu.dma_semaphore, #tpu.memory_space<semaphore_mem>>) src(%arg10 : memref<80x128xf32, #tpu.memory_space<vmem>>) dst(%dma_wait3A_139 : memref<10240x128xf32, #tpu.memory_space<vmem_shared>>)
        tpu.yield
      }) : () -> ()
    }
    %scan3A_14 = arith.constant 125 : i32
    %barrier3A_15 = arith.constant 0 : index
    tpu.barrier barrier_id(%barrier3A_15)
    %lt3A_16 = arith.constant 15 : i32
    %lt3A_17 = arith.cmpi slt, %arg1, %lt3A_16 : i32
    %convert_element_type3A_18 = arith.extui %lt3A_17 : i1 to i32
    %cond3A_19 = arith.constant 0 : i32
    %cond3A_20 = arith.cmpi ne, %convert_element_type3A_18, %cond3A_19 : i32
    scf.if %cond3A_20 {
      "tpu.region"() ({
        %run_scoped3A = tpu.sem_alloc : memref<!tpu.dma_semaphore, #tpu.memory_space<semaphore_mem>>
        %dma_start3A = arith.constant 0 : i32
        %dma_start3A_60 = arith.constant 0 : i32
        %dma_start3A_61 = tpu.memref_slice %arg6[%add3A_3, %dma_start3A, %dma_start3A_60] : memref<4x10000x128xf32, #tpu.memory_space<hbm>> -> memref<1x10000x128xf32, #tpu.memory_space<hbm>>
        %dma_start3A_62 = tpu.memref_squeeze %dma_start3A_61 : memref<1x10000x128xf32, #tpu.memory_space<hbm>> -> memref<10000x128xf32, #tpu.memory_space<hbm>>
        %dma_start3A_63 = arith.constant 0 : i32
        %dma_start3A_64 = tpu.memref_slice %dma_start3A_62[%mul3A_0, %dma_start3A_63] : memref<10000x128xf32, #tpu.memory_space<hbm>> -> memref<640x128xf32, #tpu.memory_space<hbm>>
        %dma_start3A_65 = arith.constant 0 : i32
        %dma_start3A_66 = tpu.memref_slice %arg11[%mul3A_0, %dma_start3A_65] : memref<10240x128xf32, #tpu.memory_space<vmem_shared>> -> memref<640x128xf32, #tpu.memory_space<vmem_shared>>
        tpu.enqueue_dma source(%dma_start3A_66 : memref<640x128xf32, #tpu.memory_space<vmem_shared>>) target(%dma_start3A_64 : memref<640x128xf32, #tpu.memory_space<hbm>>) target_semaphore(%run_scoped3A : memref<!tpu.dma_semaphore, #tpu.memory_space<semaphore_mem>>)
        %dma_wait3A = arith.constant 0 : i32
        %dma_wait3A_67 = arith.constant 0 : i32
        %dma_wait3A_68 = tpu.memref_slice %arg6[%add3A_3, %dma_wait3A, %dma_wait3A_67] : memref<4x10000x128xf32, #tpu.memory_space<hbm>> -> memref<1x10000x128xf32, #tpu.memory_space<hbm>>
        %dma_wait3A_69 = tpu.memref_squeeze %dma_wait3A_68 : memref<1x10000x128xf32, #tpu.memory_space<hbm>> -> memref<10000x128xf32, #tpu.memory_space<hbm>>
        %dma_wait3A_70 = arith.constant 0 : i32
        %dma_wait3A_71 = tpu.memref_slice %dma_wait3A_69[%mul3A_0, %dma_wait3A_70] : memref<10000x128xf32, #tpu.memory_space<hbm>> -> memref<640x128xf32, #tpu.memory_space<hbm>>
        %dma_wait3A_72 = arith.constant 0 : i32
        %dma_wait3A_73 = tpu.memref_slice %arg11[%mul3A_0, %dma_wait3A_72] : memref<10240x128xf32, #tpu.memory_space<vmem_shared>> -> memref<640x128xf32, #tpu.memory_space<vmem_shared>>
        tpu.wait_dma2 semaphore(%run_scoped3A : memref<!tpu.dma_semaphore, #tpu.memory_space<semaphore_mem>>) src(%dma_wait3A_73 : memref<640x128xf32, #tpu.memory_space<vmem_shared>>) dst(%dma_wait3A_71 : memref<640x128xf32, #tpu.memory_space<hbm>>)
        tpu.yield
      }) : () -> ()
    } else {
    }
    %eq3A_21 = arith.constant 15 : i32
    %eq3A_22 = arith.cmpi eq, %arg1, %eq3A_21 : i32
    %convert_element_type3A_23 = arith.extui %eq3A_22 : i1 to i32
    %cond3A_24 = arith.constant 0 : i32
    %cond3A_25 = arith.cmpi ne, %convert_element_type3A_23, %cond3A_24 : i32
    scf.if %cond3A_25 {
      "tpu.region"() ({
        %run_scoped3A = tpu.sem_alloc : memref<!tpu.dma_semaphore, #tpu.memory_space<semaphore_mem>>
        %dma_start3A = arith.constant 0 : i32
        %dma_start3A_60 = arith.constant 0 : i32
        %dma_start3A_61 = tpu.memref_slice %arg6[%add3A_3, %dma_start3A, %dma_start3A_60] : memref<4x10000x128xf32, #tpu.memory_space<hbm>> -> memref<1x10000x128xf32, #tpu.memory_space<hbm>>
        %dma_start3A_62 = tpu.memref_squeeze %dma_start3A_61 : memref<1x10000x128xf32, #tpu.memory_space<hbm>> -> memref<10000x128xf32, #tpu.memory_space<hbm>>
        %dma_start3A_63 = arith.constant 9600 : i32
        %dma_start3A_64 = arith.constant 0 : i32
        %dma_start3A_65 = tpu.memref_slice %dma_start3A_62[%dma_start3A_63, %dma_start3A_64] : memref<10000x128xf32, #tpu.memory_space<hbm>> -> memref<400x128xf32, #tpu.memory_space<hbm>>
        %dma_start3A_66 = arith.constant 9600 : i32
        %dma_start3A_67 = arith.constant 0 : i32
        %dma_start3A_68 = tpu.memref_slice %arg11[%dma_start3A_66, %dma_start3A_67] : memref<10240x128xf32, #tpu.memory_space<vmem_shared>> -> memref<400x128xf32, #tpu.memory_space<vmem_shared>>
        tpu.enqueue_dma source(%dma_start3A_68 : memref<400x128xf32, #tpu.memory_space<vmem_shared>>) target(%dma_start3A_65 : memref<400x128xf32, #tpu.memory_space<hbm>>) target_semaphore(%run_scoped3A : memref<!tpu.dma_semaphore, #tpu.memory_space<semaphore_mem>>)
        %dma_wait3A = arith.constant 0 : i32
        %dma_wait3A_69 = arith.constant 0 : i32
        %dma_wait3A_70 = tpu.memref_slice %arg6[%add3A_3, %dma_wait3A, %dma_wait3A_69] : memref<4x10000x128xf32, #tpu.memory_space<hbm>> -> memref<1x10000x128xf32, #tpu.memory_space<hbm>>
        %dma_wait3A_71 = tpu.memref_squeeze %dma_wait3A_70 : memref<1x10000x128xf32, #tpu.memory_space<hbm>> -> memref<10000x128xf32, #tpu.memory_space<hbm>>
        %dma_wait3A_72 = arith.constant 9600 : i32
        %dma_wait3A_73 = arith.constant 0 : i32
        %dma_wait3A_74 = tpu.memref_slice %dma_wait3A_71[%dma_wait3A_72, %dma_wait3A_73] : memref<10000x128xf32, #tpu.memory_space<hbm>> -> memref<400x128xf32, #tpu.memory_space<hbm>>
        %dma_wait3A_75 = arith.constant 9600 : i32
        %dma_wait3A_76 = arith.constant 0 : i32
        %dma_wait3A_77 = tpu.memref_slice %arg11[%dma_wait3A_75, %dma_wait3A_76] : memref<10240x128xf32, #tpu.memory_space<vmem_shared>> -> memref<400x128xf32, #tpu.memory_space<vmem_shared>>
        tpu.wait_dma2 semaphore(%run_scoped3A : memref<!tpu.dma_semaphore, #tpu.memory_space<semaphore_mem>>) src(%dma_wait3A_77 : memref<400x128xf32, #tpu.memory_space<vmem_shared>>) dst(%dma_wait3A_74 : memref<400x128xf32, #tpu.memory_space<hbm>>)
        tpu.yield
      }) : () -> ()
    } else {
    }
    %barrier3A_26 = arith.constant 0 : index
    tpu.barrier barrier_id(%barrier3A_26)
    %mul3A_27 = arith.constant 2 : i32
    %mul3A_28 = arith.muli %arg0, %mul3A_27 : i32
    %add3A_29 = arith.constant 1 : i32
    %add3A_30 = arith.addi %mul3A_28, %add3A_29 : i32
    %lt3A_31 = arith.constant 15 : i32
    %lt3A_32 = arith.cmpi slt, %arg1, %lt3A_31 : i32
    %convert_element_type3A_33 = arith.extui %lt3A_32 : i1 to i32
    %cond3A_34 = arith.constant 0 : i32
    %cond3A_35 = arith.cmpi ne, %convert_element_type3A_33, %cond3A_34 : i32
    scf.if %cond3A_35 {
      "tpu.region"() ({
        %run_scoped3A = tpu.sem_alloc : memref<!tpu.dma_semaphore, #tpu.memory_space<semaphore_mem>>
        %dma_start3A = arith.constant 0 : i32
        %dma_start3A_60 = tpu.memref_slice %arg11[%mul3A_0, %dma_start3A] : memref<10240x128xf32, #tpu.memory_space<vmem_shared>> -> memref<640x128xf32, #tpu.memory_space<vmem_shared>>
        tpu.enqueue_dma source(%arg5 : memref<640x128xf32, #tpu.memory_space<hbm>>) target(%dma_start3A_60 : memref<640x128xf32, #tpu.memory_space<vmem_shared>>) target_semaphore(%run_scoped3A : memref<!tpu.dma_semaphore, #tpu.memory_space<semaphore_mem>>)
        %dma_wait3A = arith.constant 0 : i32
        %dma_wait3A_61 = tpu.memref_slice %arg11[%mul3A_0, %dma_wait3A] : memref<10240x128xf32, #tpu.memory_space<vmem_shared>> -> memref<640x128xf32, #tpu.memory_space<vmem_shared>>
        tpu.wait_dma2 semaphore(%run_scoped3A : memref<!tpu.dma_semaphore, #tpu.memory_space<semaphore_mem>>) src(%arg5 : memref<640x128xf32, #tpu.memory_space<hbm>>) dst(%dma_wait3A_61 : memref<640x128xf32, #tpu.memory_space<vmem_shared>>)
        tpu.yield
      }) : () -> ()
    } else {
    }
    %eq3A_36 = arith.constant 15 : i32
    %eq3A_37 = arith.cmpi eq, %arg1, %eq3A_36 : i32
    %convert_element_type3A_38 = arith.extui %eq3A_37 : i1 to i32
    %cond3A_39 = arith.constant 0 : i32
    %cond3A_40 = arith.cmpi ne, %convert_element_type3A_38, %cond3A_39 : i32
    scf.if %cond3A_40 {
      "tpu.region"() ({
        %run_scoped3A = tpu.sem_alloc : memref<!tpu.dma_semaphore, #tpu.memory_space<semaphore_mem>>
        %dma_start3A = arith.constant 9600 : i32
        %dma_start3A_60 = arith.constant 0 : i32
        %dma_start3A_61 = tpu.memref_slice %arg11[%dma_start3A, %dma_start3A_60] : memref<10240x128xf32, #tpu.memory_space<vmem_shared>> -> memref<400x128xf32, #tpu.memory_space<vmem_shared>>
        %dma_start3A_62 = arith.constant 0 : i32
        %dma_start3A_63 = arith.constant 0 : i32
        %dma_start3A_64 = tpu.memref_slice %arg5[%dma_start3A_62, %dma_start3A_63] : memref<640x128xf32, #tpu.memory_space<hbm>> -> memref<400x128xf32, #tpu.memory_space<hbm>>
        tpu.enqueue_dma source(%dma_start3A_64 : memref<400x128xf32, #tpu.memory_space<hbm>>) target(%dma_start3A_61 : memref<400x128xf32, #tpu.memory_space<vmem_shared>>) target_semaphore(%run_scoped3A : memref<!tpu.dma_semaphore, #tpu.memory_space<semaphore_mem>>)
        %dma_wait3A = arith.constant 9600 : i32
        %dma_wait3A_65 = arith.constant 0 : i32
        %dma_wait3A_66 = tpu.memref_slice %arg11[%dma_wait3A, %dma_wait3A_65] : memref<10240x128xf32, #tpu.memory_space<vmem_shared>> -> memref<400x128xf32, #tpu.memory_space<vmem_shared>>
        %dma_wait3A_67 = arith.constant 0 : i32
        %dma_wait3A_68 = arith.constant 0 : i32
        %dma_wait3A_69 = tpu.memref_slice %arg5[%dma_wait3A_67, %dma_wait3A_68] : memref<640x128xf32, #tpu.memory_space<hbm>> -> memref<400x128xf32, #tpu.memory_space<hbm>>
        tpu.wait_dma2 semaphore(%run_scoped3A : memref<!tpu.dma_semaphore, #tpu.memory_space<semaphore_mem>>) src(%dma_wait3A_69 : memref<400x128xf32, #tpu.memory_space<hbm>>) dst(%dma_wait3A_66 : memref<400x128xf32, #tpu.memory_space<vmem_shared>>)
        tpu.yield
      }) : () -> ()
    } else {
    }
    %barrier3A_41 = arith.constant 0 : index
    tpu.barrier barrier_id(%barrier3A_41)
    %scan3A_42 = arith.constant 0 : i32
    %scan3A_43 = arith.constant 0 : i32
    %scan3A_44 = arith.constant 125 : i32
    %scan3A_45 = arith.addi %scan3A_43, %scan3A_44 : i32
    %scan3A_46 = arith.constant 1 : i32
    scf.for %scan3A_60 = %scan3A_43 to %scan3A_45 step %scan3A_46  : i32 {
      %get3A = arith.index_cast %scan3A_60 : i32 to index
      %get3A_61 = arith.constant 0 : index
      %get3A_62 = tpu.vector_load %arg7[%get3A, %get3A_61] {strides = array<i32>} : memref<125x80xi32, #tpu.memory_space<vmem>>, vector<1x16xi32>,
      %get3A_63 = vector.shape_cast %get3A_62 : vector<1x16xi32> to vector<16xi32>
      %mul3A_64 = arith.constant 4 : i32
      %mul3A_65 = vector.broadcast %mul3A_64 : i32 to vector<16xi32>
      %mul3A_66 = arith.muli %get3A_63, %mul3A_65 : vector<16xi32>
      %add3A_67 = vector.broadcast %add3A_30 : i32 to vector<16xi32>
      %add3A_68 = arith.addi %mul3A_66, %add3A_67 : vector<16xi32>
      %swap3A = arith.constant 0 : index
      %swap3A_69 = tpu.vector_load %arg9[%swap3A] {strides = array<i32>} : memref<80xi32, #tpu.memory_space<vmem>>, vector<16xi32>,
      %swap3A_70 = vector.shape_cast %swap3A_69 : vector<16xi32> to vector<16xi32>
      %swap3A_71 = vector.shape_cast %add3A_68 : vector<16xi32> to vector<16xi32>
      tpu.vector_store %arg9[%swap3A], %swap3A_71 {strides = array<i32>} : memref<80xi32, #tpu.memory_space<vmem>>, vector<16xi32>,
      %get3A_72 = arith.index_cast %scan3A_60 : i32 to index
      %get3A_73 = arith.constant 16 : index
      %get3A_74 = tpu.vector_load %arg7[%get3A_72, %get3A_73] {strides = array<i32>} : memref<125x80xi32, #tpu.memory_space<vmem>>, vector<1x16xi32>,
      %get3A_75 = vector.shape_cast %get3A_74 : vector<1x16xi32> to vector<16xi32>
      %mul3A_76 = arith.constant 4 : i32
      %mul3A_77 = vector.broadcast %mul3A_76 : i32 to vector<16xi32>
      %mul3A_78 = arith.muli %get3A_75, %mul3A_77 : vector<16xi32>
      %add3A_79 = vector.broadcast %add3A_30 : i32 to vector<16xi32>
      %add3A_80 = arith.addi %mul3A_78, %add3A_79 : vector<16xi32>
      %swap3A_81 = arith.constant 16 : index
      %swap3A_82 = tpu.vector_load %arg9[%swap3A_81] {strides = array<i32>} : memref<80xi32, #tpu.memory_space<vmem>>, vector<16xi32>,
      %swap3A_83 = vector.shape_cast %swap3A_82 : vector<16xi32> to vector<16xi32>
      %swap3A_84 = vector.shape_cast %add3A_80 : vector<16xi32> to vector<16xi32>
      tpu.vector_store %arg9[%swap3A_81], %swap3A_84 {strides = array<i32>} : memref<80xi32, #tpu.memory_space<vmem>>, vector<16xi32>,
      %get3A_85 = arith.index_cast %scan3A_60 : i32 to index
      %get3A_86 = arith.constant 32 : index
      %get3A_87 = tpu.vector_load %arg7[%get3A_85, %get3A_86] {strides = array<i32>} : memref<125x80xi32, #tpu.memory_space<vmem>>, vector<1x16xi32>,
      %get3A_88 = vector.shape_cast %get3A_87 : vector<1x16xi32> to vector<16xi32>
      %mul3A_89 = arith.constant 4 : i32
      %mul3A_90 = vector.broadcast %mul3A_89 : i32 to vector<16xi32>
      %mul3A_91 = arith.muli %get3A_88, %mul3A_90 : vector<16xi32>
      %add3A_92 = vector.broadcast %add3A_30 : i32 to vector<16xi32>
      %add3A_93 = arith.addi %mul3A_91, %add3A_92 : vector<16xi32>
      %swap3A_94 = arith.constant 32 : index
      %swap3A_95 = tpu.vector_load %arg9[%swap3A_94] {strides = array<i32>} : memref<80xi32, #tpu.memory_space<vmem>>, vector<16xi32>,
      %swap3A_96 = vector.shape_cast %swap3A_95 : vector<16xi32> to vector<16xi32>
      %swap3A_97 = vector.shape_cast %add3A_93 : vector<16xi32> to vector<16xi32>
      tpu.vector_store %arg9[%swap3A_94], %swap3A_97 {strides = array<i32>} : memref<80xi32, #tpu.memory_space<vmem>>, vector<16xi32>,
      %get3A_98 = arith.index_cast %scan3A_60 : i32 to index
      %get3A_99 = arith.constant 48 : index
      %get3A_100 = tpu.vector_load %arg7[%get3A_98, %get3A_99] {strides = array<i32>} : memref<125x80xi32, #tpu.memory_space<vmem>>, vector<1x16xi32>,
      %get3A_101 = vector.shape_cast %get3A_100 : vector<1x16xi32> to vector<16xi32>
      %mul3A_102 = arith.constant 4 : i32
      %mul3A_103 = vector.broadcast %mul3A_102 : i32 to vector<16xi32>
      %mul3A_104 = arith.muli %get3A_101, %mul3A_103 : vector<16xi32>
      %add3A_105 = vector.broadcast %add3A_30 : i32 to vector<16xi32>
      %add3A_106 = arith.addi %mul3A_104, %add3A_105 : vector<16xi32>
      %swap3A_107 = arith.constant 48 : index
      %swap3A_108 = tpu.vector_load %arg9[%swap3A_107] {strides = array<i32>} : memref<80xi32, #tpu.memory_space<vmem>>, vector<16xi32>,
      %swap3A_109 = vector.shape_cast %swap3A_108 : vector<16xi32> to vector<16xi32>
      %swap3A_110 = vector.shape_cast %add3A_106 : vector<16xi32> to vector<16xi32>
      tpu.vector_store %arg9[%swap3A_107], %swap3A_110 {strides = array<i32>} : memref<80xi32, #tpu.memory_space<vmem>>, vector<16xi32>,
      %get3A_111 = arith.index_cast %scan3A_60 : i32 to index
      %get3A_112 = arith.constant 64 : index
      %get3A_113 = tpu.vector_load %arg7[%get3A_111, %get3A_112] {strides = array<i32>} : memref<125x80xi32, #tpu.memory_space<vmem>>, vector<1x16xi32>,
      %get3A_114 = vector.shape_cast %get3A_113 : vector<1x16xi32> to vector<16xi32>
      %mul3A_115 = arith.constant 4 : i32
      %mul3A_116 = vector.broadcast %mul3A_115 : i32 to vector<16xi32>
      %mul3A_117 = arith.muli %get3A_114, %mul3A_116 : vector<16xi32>
      %add3A_118 = vector.broadcast %add3A_30 : i32 to vector<16xi32>
      %add3A_119 = arith.addi %mul3A_117, %add3A_118 : vector<16xi32>
      %swap3A_120 = arith.constant 64 : index
      %swap3A_121 = tpu.vector_load %arg9[%swap3A_120] {strides = array<i32>} : memref<80xi32, #tpu.memory_space<vmem>>, vector<16xi32>,
      %swap3A_122 = vector.shape_cast %swap3A_121 : vector<16xi32> to vector<16xi32>
      %swap3A_123 = vector.shape_cast %add3A_119 : vector<16xi32> to vector<16xi32>
      tpu.vector_store %arg9[%swap3A_120], %swap3A_123 {strides = array<i32>} : memref<80xi32, #tpu.memory_space<vmem>>, vector<16xi32>,
      %dma_start3A = arith.constant 0 : i32
      %dma_start3A_124 = arith.constant 0 : i32
      %dma_start3A_125 = tpu.memref_slice %arg2[%dma_start3A, %dma_start3A_124] : memref<40000x128xf32, #tpu.memory_space<hbm>> -> memref<40000x128xf32, #tpu.memory_space<hbm>>
      tpu.enqueue_indirect_dma source(%dma_start3A_125 : memref<40000x128xf32, #tpu.memory_space<hbm>>) target(%arg10 : memref<80x128xf32, #tpu.memory_space<vmem>>) offsets(%arg9 : memref<80xi32, #tpu.memory_space<vmem>>) semaphore(%arg12 : memref<!tpu.dma_semaphore, #tpu.memory_space<semaphore_mem>>)
      %dma_wait3A = arith.constant 0 : i32
      %dma_wait3A_126 = arith.constant 0 : i32
      %dma_wait3A_127 = tpu.memref_slice %arg2[%dma_wait3A, %dma_wait3A_126] : memref<40000x128xf32, #tpu.memory_space<hbm>> -> memref<40000x128xf32, #tpu.memory_space<hbm>>
      tpu.wait_indirect_dma semaphore(%arg12 : memref<!tpu.dma_semaphore, #tpu.memory_space<semaphore_mem>>) src(%dma_wait3A_127 : memref<40000x128xf32, #tpu.memory_space<hbm>>) dst(%arg10 : memref<80x128xf32, #tpu.memory_space<vmem>>)
      "tpu.region"() ({
        %run_scoped3A = tpu.sem_alloc : memref<!tpu.dma_semaphore, #tpu.memory_space<semaphore_mem>>
        %dma_start3A_128 = arith.constant 0 : i32
        %dma_start3A_129 = tpu.memref_slice %arg8[%scan3A_60, %dma_start3A_128] : memref<125x80xi32, #tpu.memory_space<vmem>> -> memref<1x80xi32, #tpu.memory_space<vmem>>
        %dma_start3A_130 = tpu.memref_squeeze %dma_start3A_129 : memref<1x80xi32, #tpu.memory_space<vmem>> -> memref<80xi32, #tpu.memory_space<vmem>>
        %dma_start3A_131 = arith.constant 0 : i32
        %dma_start3A_132 = arith.constant 0 : i32
        %dma_start3A_133 = tpu.memref_slice %arg11[%dma_start3A_131, %dma_start3A_132] : memref<10240x128xf32, #tpu.memory_space<vmem_shared>> -> memref<10240x128xf32, #tpu.memory_space<vmem_shared>>
        tpu.enqueue_indirect_dma source(%arg10 : memref<80x128xf32, #tpu.memory_space<vmem>>) target(%dma_start3A_133 : memref<10240x128xf32, #tpu.memory_space<vmem_shared>>) offsets(%dma_start3A_130 : memref<80xi32, #tpu.memory_space<vmem>>) semaphore(%run_scoped3A : memref<!tpu.dma_semaphore, #tpu.memory_space<semaphore_mem>>) {add = true}
        %dma_wait3A_134 = arith.constant 0 : i32
        %dma_wait3A_135 = tpu.memref_slice %arg8[%scan3A_60, %dma_wait3A_134] : memref<125x80xi32, #tpu.memory_space<vmem>> -> memref<1x80xi32, #tpu.memory_space<vmem>>
        %dma_wait3A_136 = tpu.memref_squeeze %dma_wait3A_135 : memref<1x80xi32, #tpu.memory_space<vmem>> -> memref<80xi32, #tpu.memory_space<vmem>>
        %dma_wait3A_137 = arith.constant 0 : i32
        %dma_wait3A_138 = arith.constant 0 : i32
        %dma_wait3A_139 = tpu.memref_slice %arg11[%dma_wait3A_137, %dma_wait3A_138] : memref<10240x128xf32, #tpu.memory_space<vmem_shared>> -> memref<10240x128xf32, #tpu.memory_space<vmem_shared>>
        tpu.wait_indirect_dma semaphore(%run_scoped3A : memref<!tpu.dma_semaphore, #tpu.memory_space<semaphore_mem>>) src(%arg10 : memref<80x128xf32, #tpu.memory_space<vmem>>) dst(%dma_wait3A_139 : memref<10240x128xf32, #tpu.memory_space<vmem_shared>>)
        tpu.yield
      }) : () -> ()
    }
    %scan3A_47 = arith.constant 125 : i32
    %barrier3A_48 = arith.constant 0 : index
    tpu.barrier barrier_id(%barrier3A_48)
    %lt3A_49 = arith.constant 15 : i32
    %lt3A_50 = arith.cmpi slt, %arg1, %lt3A_49 : i32
    %convert_element_type3A_51 = arith.extui %lt3A_50 : i1 to i32
    %cond3A_52 = arith.constant 0 : i32
    %cond3A_53 = arith.cmpi ne, %convert_element_type3A_51, %cond3A_52 : i32
    scf.if %cond3A_53 {
      "tpu.region"() ({
        %run_scoped3A = tpu.sem_alloc : memref<!tpu.dma_semaphore, #tpu.memory_space<semaphore_mem>>
        %dma_start3A = arith.constant 0 : i32
        %dma_start3A_60 = arith.constant 0 : i32
        %dma_start3A_61 = tpu.memref_slice %arg6[%add3A_30, %dma_start3A, %dma_start3A_60] : memref<4x10000x128xf32, #tpu.memory_space<hbm>> -> memref<1x10000x128xf32, #tpu.memory_space<hbm>>
        %dma_start3A_62 = tpu.memref_squeeze %dma_start3A_61 : memref<1x10000x128xf32, #tpu.memory_space<hbm>> -> memref<10000x128xf32, #tpu.memory_space<hbm>>
        %dma_start3A_63 = arith.constant 0 : i32
        %dma_start3A_64 = tpu.memref_slice %dma_start3A_62[%mul3A_0, %dma_start3A_63] : memref<10000x128xf32, #tpu.memory_space<hbm>> -> memref<640x128xf32, #tpu.memory_space<hbm>>
        %dma_start3A_65 = arith.constant 0 : i32
        %dma_start3A_66 = tpu.memref_slice %arg11[%mul3A_0, %dma_start3A_65] : memref<10240x128xf32, #tpu.memory_space<vmem_shared>> -> memref<640x128xf32, #tpu.memory_space<vmem_shared>>
        tpu.enqueue_dma source(%dma_start3A_66 : memref<640x128xf32, #tpu.memory_space<vmem_shared>>) target(%dma_start3A_64 : memref<640x128xf32, #tpu.memory_space<hbm>>) target_semaphore(%run_scoped3A : memref<!tpu.dma_semaphore, #tpu.memory_space<semaphore_mem>>)
        %dma_wait3A = arith.constant 0 : i32
        %dma_wait3A_67 = arith.constant 0 : i32
        %dma_wait3A_68 = tpu.memref_slice %arg6[%add3A_30, %dma_wait3A, %dma_wait3A_67] : memref<4x10000x128xf32, #tpu.memory_space<hbm>> -> memref<1x10000x128xf32, #tpu.memory_space<hbm>>
        %dma_wait3A_69 = tpu.memref_squeeze %dma_wait3A_68 : memref<1x10000x128xf32, #tpu.memory_space<hbm>> -> memref<10000x128xf32, #tpu.memory_space<hbm>>
        %dma_wait3A_70 = arith.constant 0 : i32
        %dma_wait3A_71 = tpu.memref_slice %dma_wait3A_69[%mul3A_0, %dma_wait3A_70] : memref<10000x128xf32, #tpu.memory_space<hbm>> -> memref<640x128xf32, #tpu.memory_space<hbm>>
        %dma_wait3A_72 = arith.constant 0 : i32
        %dma_wait3A_73 = tpu.memref_slice %arg11[%mul3A_0, %dma_wait3A_72] : memref<10240x128xf32, #tpu.memory_space<vmem_shared>> -> memref<640x128xf32, #tpu.memory_space<vmem_shared>>
        tpu.wait_dma2 semaphore(%run_scoped3A : memref<!tpu.dma_semaphore, #tpu.memory_space<semaphore_mem>>) src(%dma_wait3A_73 : memref<640x128xf32, #tpu.memory_space<vmem_shared>>) dst(%dma_wait3A_71 : memref<640x128xf32, #tpu.memory_space<hbm>>)
        tpu.yield
      }) : () -> ()
    } else {
    }
    %eq3A_54 = arith.constant 15 : i32
    %eq3A_55 = arith.cmpi eq, %arg1, %eq3A_54 : i32
    %convert_element_type3A_56 = arith.extui %eq3A_55 : i1 to i32
    %cond3A_57 = arith.constant 0 : i32
    %cond3A_58 = arith.cmpi ne, %convert_element_type3A_56, %cond3A_57 : i32
    scf.if %cond3A_58 {
      "tpu.region"() ({
        %run_scoped3A = tpu.sem_alloc : memref<!tpu.dma_semaphore, #tpu.memory_space<semaphore_mem>>
        %dma_start3A = arith.constant 0 : i32
        %dma_start3A_60 = arith.constant 0 : i32
        %dma_start3A_61 = tpu.memref_slice %arg6[%add3A_30, %dma_start3A, %dma_start3A_60] : memref<4x10000x128xf32, #tpu.memory_space<hbm>> -> memref<1x10000x128xf32, #tpu.memory_space<hbm>>
        %dma_start3A_62 = tpu.memref_squeeze %dma_start3A_61 : memref<1x10000x128xf32, #tpu.memory_space<hbm>> -> memref<10000x128xf32, #tpu.memory_space<hbm>>
        %dma_start3A_63 = arith.constant 9600 : i32
        %dma_start3A_64 = arith.constant 0 : i32
        %dma_start3A_65 = tpu.memref_slice %dma_start3A_62[%dma_start3A_63, %dma_start3A_64] : memref<10000x128xf32, #tpu.memory_space<hbm>> -> memref<400x128xf32, #tpu.memory_space<hbm>>
        %dma_start3A_66 = arith.constant 9600 : i32
        %dma_start3A_67 = arith.constant 0 : i32
        %dma_start3A_68 = tpu.memref_slice %arg11[%dma_start3A_66, %dma_start3A_67] : memref<10240x128xf32, #tpu.memory_space<vmem_shared>> -> memref<400x128xf32, #tpu.memory_space<vmem_shared>>
        tpu.enqueue_dma source(%dma_start3A_68 : memref<400x128xf32, #tpu.memory_space<vmem_shared>>) target(%dma_start3A_65 : memref<400x128xf32, #tpu.memory_space<hbm>>) target_semaphore(%run_scoped3A : memref<!tpu.dma_semaphore, #tpu.memory_space<semaphore_mem>>)
        %dma_wait3A = arith.constant 0 : i32
        %dma_wait3A_69 = arith.constant 0 : i32
        %dma_wait3A_70 = tpu.memref_slice %arg6[%add3A_30, %dma_wait3A, %dma_wait3A_69] : memref<4x10000x128xf32, #tpu.memory_space<hbm>> -> memref<1x10000x128xf32, #tpu.memory_space<hbm>>
        %dma_wait3A_71 = tpu.memref_squeeze %dma_wait3A_70 : memref<1x10000x128xf32, #tpu.memory_space<hbm>> -> memref<10000x128xf32, #tpu.memory_space<hbm>>
        %dma_wait3A_72 = arith.constant 9600 : i32
        %dma_wait3A_73 = arith.constant 0 : i32
        %dma_wait3A_74 = tpu.memref_slice %dma_wait3A_71[%dma_wait3A_72, %dma_wait3A_73] : memref<10000x128xf32, #tpu.memory_space<hbm>> -> memref<400x128xf32, #tpu.memory_space<hbm>>
        %dma_wait3A_75 = arith.constant 9600 : i32
        %dma_wait3A_76 = arith.constant 0 : i32
        %dma_wait3A_77 = tpu.memref_slice %arg11[%dma_wait3A_75, %dma_wait3A_76] : memref<10240x128xf32, #tpu.memory_space<vmem_shared>> -> memref<400x128xf32, #tpu.memory_space<vmem_shared>>
        tpu.wait_dma2 semaphore(%run_scoped3A : memref<!tpu.dma_semaphore, #tpu.memory_space<semaphore_mem>>) src(%dma_wait3A_77 : memref<400x128xf32, #tpu.memory_space<vmem_shared>>) dst(%dma_wait3A_74 : memref<400x128xf32, #tpu.memory_space<hbm>>)
        tpu.yield
      }) : () -> ()
    } else {
    }
    %barrier3A_59 = arith.constant 0 : index
    tpu.barrier barrier_id(%barrier3A_59)
    return
  }
}

#map = affine_map<(d0, d1) -> (0, 0)>
#map1 = affine_map<(d0, d1) -> (0, 0, 0)>
module attributes {stable_mosaic.version = 14 : i64} {
  func.func @seg(%arg0: i32, %arg1: i32, %arg2: memref<40000x128xf32, #tpu.memory_space<hbm>>, %arg3: memref<16x125x80xi32, #tpu.memory_space<hbm>>, %arg4: memref<16x125x80xi32, #tpu.memory_space<hbm>>, %arg5: memref<640x128xf32, #tpu.memory_space<hbm>>, %arg6: memref<4x10000x128xf32, #tpu.memory_space<hbm>>, %arg7: memref<125x80xi32, #tpu.memory_space<vmem>>, %arg8: memref<125x80xi32, #tpu.memory_space<vmem>>, %arg9: memref<80xi32, #tpu.memory_space<vmem>>, %arg10: memref<80x128xf32, #tpu.memory_space<vmem>>, %arg11: memref<10240x128xf32, #tpu.memory_space<vmem_shared>>, %arg12: memref<!tpu.dma_semaphore, #tpu.memory_space<semaphore_mem>>) attributes {dimension_semantics = [#tpu.dimension_semantics<core_parallel>, #tpu.dimension_semantics<subcore_parallel>], iteration_bounds = array<i64: 2, 16>, scalar_prefetch = 0 : i64, scratch_operands = 6 : i64, tpu.core_type = #tpu.core_type<sc_vector_subcore>, window_params = [{transform_indices = #map}, {transform_indices = #map1}, {transform_indices = #map1}, {transform_indices = #map}, {transform_indices = #map1}]} {
    %mul3A = arith.constant 640 : i32
    %mul3A_0 = arith.muli %arg1, %mul3A : i32
    "tpu.region"() ({
      %run_scoped3A = tpu.sem_alloc : memref<!tpu.dma_semaphore, #tpu.memory_space<semaphore_mem>>
      %dma_start3A = arith.constant 0 : i32
      %dma_start3A_60 = arith.constant 0 : i32
      %dma_start3A_61 = tpu.memref_slice %arg3[%arg1, %dma_start3A, %dma_start3A_60] : memref<16x125x80xi32, #tpu.memory_space<hbm>> -> memref<1x125x80xi32, #tpu.memory_space<hbm>>
      %dma_start3A_62 = tpu.memref_squeeze %dma_start3A_61 : memref<1x125x80xi32, #tpu.memory_space<hbm>> -> memref<125x80xi32, #tpu.memory_space<hbm>>
      %dma_start3A_63 = arith.constant 0 : i32
      %dma_start3A_64 = arith.constant 0 : i32
      %dma_start3A_65 = tpu.memref_slice %arg3[%arg1, %dma_start3A_63, %dma_start3A_64] : memref<16x125x80xi32, #tpu.memory_space<hbm>> -> memref<1x125x80xi32, #tpu.memory_space<hbm>>
      %dma_start3A_66 = tpu.memref_squeeze %dma_start3A_65 : memref<1x125x80xi32, #tpu.memory_space<hbm>> -> memref<125x80xi32, #tpu.memory_space<hbm>>
      tpu.enqueue_dma source(%dma_start3A_66 : memref<125x80xi32, #tpu.memory_space<hbm>>) target(%arg7 : memref<125x80xi32, #tpu.memory_space<vmem>>) target_semaphore(%run_scoped3A : memref<!tpu.dma_semaphore, #tpu.memory_space<semaphore_mem>>)
      %dma_wait3A = arith.constant 0 : i32
      %dma_wait3A_67 = arith.constant 0 : i32
      %dma_wait3A_68 = tpu.memref_slice %arg3[%arg1, %dma_wait3A, %dma_wait3A_67] : memref<16x125x80xi32, #tpu.memory_space<hbm>> -> memref<1x125x80xi32, #tpu.memory_space<hbm>>
      %dma_wait3A_69 = tpu.memref_squeeze %dma_wait3A_68 : memref<1x125x80xi32, #tpu.memory_space<hbm>> -> memref<125x80xi32, #tpu.memory_space<hbm>>
      %dma_wait3A_70 = arith.constant 0 : i32
      %dma_wait3A_71 = arith.constant 0 : i32
      %dma_wait3A_72 = tpu.memref_slice %arg3[%arg1, %dma_wait3A_70, %dma_wait3A_71] : memref<16x125x80xi32, #tpu.memory_space<hbm>> -> memref<1x125x80xi32, #tpu.memory_space<hbm>>
      %dma_wait3A_73 = tpu.memref_squeeze %dma_wait3A_72 : memref<1x125x80xi32, #tpu.memory_space<hbm>> -> memref<125x80xi32, #tpu.memory_space<hbm>>
      tpu.wait_dma2 semaphore(%run_scoped3A : memref<!tpu.dma_semaphore, #tpu.memory_space<semaphore_mem>>) src(%dma_wait3A_73 : memref<125x80xi32, #tpu.memory_space<hbm>>) dst(%arg7 : memref<125x80xi32, #tpu.memory_space<vmem>>)
      tpu.yield
    }) : () -> ()
    "tpu.region"() ({
      %run_scoped3A = tpu.sem_alloc : memref<!tpu.dma_semaphore, #tpu.memory_space<semaphore_mem>>
      %dma_start3A = arith.constant 0 : i32
      %dma_start3A_60 = arith.constant 0 : i32
      %dma_start3A_61 = tpu.memref_slice %arg4[%arg1, %dma_start3A, %dma_start3A_60] : memref<16x125x80xi32, #tpu.memory_space<hbm>> -> memref<1x125x80xi32, #tpu.memory_space<hbm>>
      %dma_start3A_62 = tpu.memref_squeeze %dma_start3A_61 : memref<1x125x80xi32, #tpu.memory_space<hbm>> -> memref<125x80xi32, #tpu.memory_space<hbm>>
      %dma_start3A_63 = arith.constant 0 : i32
      %dma_start3A_64 = arith.constant 0 : i32
      %dma_start3A_65 = tpu.memref_slice %arg4[%arg1, %dma_start3A_63, %dma_start3A_64] : memref<16x125x80xi32, #tpu.memory_space<hbm>> -> memref<1x125x80xi32, #tpu.memory_space<hbm>>
      %dma_start3A_66 = tpu.memref_squeeze %dma_start3A_65 : memref<1x125x80xi32, #tpu.memory_space<hbm>> -> memref<125x80xi32, #tpu.memory_space<hbm>>
      tpu.enqueue_dma source(%dma_start3A_66 : memref<125x80xi32, #tpu.memory_space<hbm>>) target(%arg8 : memref<125x80xi32, #tpu.memory_space<vmem>>) target_semaphore(%run_scoped3A : memref<!tpu.dma_semaphore, #tpu.memory_space<semaphore_mem>>)
      %dma_wait3A = arith.constant 0 : i32
      %dma_wait3A_67 = arith.constant 0 : i32
      %dma_wait3A_68 = tpu.memref_slice %arg4[%arg1, %dma_wait3A, %dma_wait3A_67] : memref<16x125x80xi32, #tpu.memory_space<hbm>> -> memref<1x125x80xi32, #tpu.memory_space<hbm>>
      %dma_wait3A_69 = tpu.memref_squeeze %dma_wait3A_68 : memref<1x125x80xi32, #tpu.memory_space<hbm>> -> memref<125x80xi32, #tpu.memory_space<hbm>>
      %dma_wait3A_70 = arith.constant 0 : i32
      %dma_wait3A_71 = arith.constant 0 : i32
      %dma_wait3A_72 = tpu.memref_slice %arg4[%arg1, %dma_wait3A_70, %dma_wait3A_71] : memref<16x125x80xi32, #tpu.memory_space<hbm>> -> memref<1x125x80xi32, #tpu.memory_space<hbm>>
      %dma_wait3A_73 = tpu.memref_squeeze %dma_wait3A_72 : memref<1x125x80xi32, #tpu.memory_space<hbm>> -> memref<125x80xi32, #tpu.memory_space<hbm>>
      tpu.wait_dma2 semaphore(%run_scoped3A : memref<!tpu.dma_semaphore, #tpu.memory_space<semaphore_mem>>) src(%dma_wait3A_73 : memref<125x80xi32, #tpu.memory_space<hbm>>) dst(%arg8 : memref<125x80xi32, #tpu.memory_space<vmem>>)
      tpu.yield
    }) : () -> ()
    %mul3A_1 = arith.constant 2 : i32
    %mul3A_2 = arith.muli %arg0, %mul3A_1 : i32
    %add3A = arith.constant 0 : i32
    %add3A_3 = arith.addi %mul3A_2, %add3A : i32
    %lt3A = arith.constant 15 : i32
    %lt3A_4 = arith.cmpi slt, %arg1, %lt3A : i32
    %convert_element_type3A = arith.extui %lt3A_4 : i1 to i32
    %cond3A = arith.constant 0 : i32
    %cond3A_5 = arith.cmpi ne, %convert_element_type3A, %cond3A : i32
    scf.if %cond3A_5 {
      "tpu.region"() ({
        %run_scoped3A = tpu.sem_alloc : memref<!tpu.dma_semaphore, #tpu.memory_space<semaphore_mem>>
        %dma_start3A = arith.constant 0 : i32
        %dma_start3A_60 = tpu.memref_slice %arg11[%mul3A_0, %dma_start3A] : memref<10240x128xf32, #tpu.memory_space<vmem_shared>> -> memref<640x128xf32, #tpu.memory_space<vmem_shared>>
        tpu.enqueue_dma source(%arg5 : memref<640x128xf32, #tpu.memory_space<hbm>>) target(%dma_start3A_60 : memref<640x128xf32, #tpu.memory_space<vmem_shared>>) target_semaphore(%run_scoped3A : memref<!tpu.dma_semaphore, #tpu.memory_space<semaphore_mem>>)
        %dma_wait3A = arith.constant 0 : i32
        %dma_wait3A_61 = tpu.memref_slice %arg11[%mul3A_0, %dma_wait3A] : memref<10240x128xf32, #tpu.memory_space<vmem_shared>> -> memref<640x128xf32, #tpu.memory_space<vmem_shared>>
        tpu.wait_dma2 semaphore(%run_scoped3A : memref<!tpu.dma_semaphore, #tpu.memory_space<semaphore_mem>>) src(%arg5 : memref<640x128xf32, #tpu.memory_space<hbm>>) dst(%dma_wait3A_61 : memref<640x128xf32, #tpu.memory_space<vmem_shared>>)
        tpu.yield
      }) : () -> ()
    } else {
    }
    %eq3A = arith.constant 15 : i32
    %eq3A_6 = arith.cmpi eq, %arg1, %eq3A : i32
    %convert_element_type3A_7 = arith.extui %eq3A_6 : i1 to i32
    %cond3A_8 = arith.constant 0 : i32
    %cond3A_9 = arith.cmpi ne, %convert_element_type3A_7, %cond3A_8 : i32
    scf.if %cond3A_9 {
      "tpu.region"() ({
        %run_scoped3A = tpu.sem_alloc : memref<!tpu.dma_semaphore, #tpu.memory_space<semaphore_mem>>
        %dma_start3A = arith.constant 9600 : i32
        %dma_start3A_60 = arith.constant 0 : i32
        %dma_start3A_61 = tpu.memref_slice %arg11[%dma_start3A, %dma_start3A_60] : memref<10240x128xf32, #tpu.memory_space<vmem_shared>> -> memref<400x128xf32, #tpu.memory_space<vmem_shared>>
        %dma_start3A_62 = arith.constant 0 : i32
        %dma_start3A_63 = arith.constant 0 : i32
        %dma_start3A_64 = tpu.memref_slice %arg5[%dma_start3A_62, %dma_start3A_63] : memref<640x128xf32, #tpu.memory_space<hbm>> -> memref<400x128xf32, #tpu.memory_space<hbm>>
        tpu.enqueue_dma source(%dma_start3A_64 : memref<400x128xf32, #tpu.memory_space<hbm>>) target(%dma_start3A_61 : memref<400x128xf32, #tpu.memory_space<vmem_shared>>) target_semaphore(%run_scoped3A : memref<!tpu.dma_semaphore, #tpu.memory_space<semaphore_mem>>)
        %dma_wait3A = arith.constant 9600 : i32
        %dma_wait3A_65 = arith.constant 0 : i32
        %dma_wait3A_66 = tpu.memref_slice %arg11[%dma_wait3A, %dma_wait3A_65] : memref<10240x128xf32, #tpu.memory_space<vmem_shared>> -> memref<400x128xf32, #tpu.memory_space<vmem_shared>>
        %dma_wait3A_67 = arith.constant 0 : i32
        %dma_wait3A_68 = arith.constant 0 : i32
        %dma_wait3A_69 = tpu.memref_slice %arg5[%dma_wait3A_67, %dma_wait3A_68] : memref<640x128xf32, #tpu.memory_space<hbm>> -> memref<400x128xf32, #tpu.memory_space<hbm>>
        tpu.wait_dma2 semaphore(%run_scoped3A : memref<!tpu.dma_semaphore, #tpu.memory_space<semaphore_mem>>) src(%dma_wait3A_69 : memref<400x128xf32, #tpu.memory_space<hbm>>) dst(%dma_wait3A_66 : memref<400x128xf32, #tpu.memory_space<vmem_shared>>)
        tpu.yield
      }) : () -> ()
    } else {
    }
    %barrier3A = arith.constant 0 : index
    tpu.barrier barrier_id(%barrier3A)
    %scan3A = arith.constant 0 : i32
    %scan3A_10 = arith.constant 0 : i32
    %scan3A_11 = arith.constant 125 : i32
    %scan3A_12 = arith.addi %scan3A_10, %scan3A_11 : i32
    %scan3A_13 = arith.constant 1 : i32
    scf.for %scan3A_60 = %scan3A_10 to %scan3A_12 step %scan3A_13  : i32 {
      %get3A = arith.index_cast %scan3A_60 : i32 to index
      %get3A_61 = arith.constant 0 : index
      %get3A_62 = tpu.vector_load %arg7[%get3A, %get3A_61] {strides = array<i32>} : memref<125x80xi32, #tpu.memory_space<vmem>>, vector<1x16xi32>,
      %get3A_63 = vector.shape_cast %get3A_62 : vector<1x16xi32> to vector<16xi32>
      %mul3A_64 = arith.constant 4 : i32
      %mul3A_65 = vector.broadcast %mul3A_64 : i32 to vector<16xi32>
      %mul3A_66 = arith.muli %get3A_63, %mul3A_65 : vector<16xi32>
      %add3A_67 = vector.broadcast %add3A_3 : i32 to vector<16xi32>
      %add3A_68 = arith.addi %mul3A_66, %add3A_67 : vector<16xi32>
      %swap3A = arith.constant 0 : index
      %swap3A_69 = tpu.vector_load %arg9[%swap3A] {strides = array<i32>} : memref<80xi32, #tpu.memory_space<vmem>>, vector<16xi32>,
      %swap3A_70 = vector.shape_cast %swap3A_69 : vector<16xi32> to vector<16xi32>
      %swap3A_71 = vector.shape_cast %add3A_68 : vector<16xi32> to vector<16xi32>
      tpu.vector_store %arg9[%swap3A], %swap3A_71 {strides = array<i32>} : memref<80xi32, #tpu.memory_space<vmem>>, vector<16xi32>,
      %get3A_72 = arith.index_cast %scan3A_60 : i32 to index
      %get3A_73 = arith.constant 16 : index
      %get3A_74 = tpu.vector_load %arg7[%get3A_72, %get3A_73] {strides = array<i32>} : memref<125x80xi32, #tpu.memory_space<vmem>>, vector<1x16xi32>,
      %get3A_75 = vector.shape_cast %get3A_74 : vector<1x16xi32> to vector<16xi32>
      %mul3A_76 = arith.constant 4 : i32
      %mul3A_77 = vector.broadcast %mul3A_76 : i32 to vector<16xi32>
      %mul3A_78 = arith.muli %get3A_75, %mul3A_77 : vector<16xi32>
      %add3A_79 = vector.broadcast %add3A_3 : i32 to vector<16xi32>
      %add3A_80 = arith.addi %mul3A_78, %add3A_79 : vector<16xi32>
      %swap3A_81 = arith.constant 16 : index
      %swap3A_82 = tpu.vector_load %arg9[%swap3A_81] {strides = array<i32>} : memref<80xi32, #tpu.memory_space<vmem>>, vector<16xi32>,
      %swap3A_83 = vector.shape_cast %swap3A_82 : vector<16xi32> to vector<16xi32>
      %swap3A_84 = vector.shape_cast %add3A_80 : vector<16xi32> to vector<16xi32>
      tpu.vector_store %arg9[%swap3A_81], %swap3A_84 {strides = array<i32>} : memref<80xi32, #tpu.memory_space<vmem>>, vector<16xi32>,
      %get3A_85 = arith.index_cast %scan3A_60 : i32 to index
      %get3A_86 = arith.constant 32 : index
      %get3A_87 = tpu.vector_load %arg7[%get3A_85, %get3A_86] {strides = array<i32>} : memref<125x80xi32, #tpu.memory_space<vmem>>, vector<1x16xi32>,
      %get3A_88 = vector.shape_cast %get3A_87 : vector<1x16xi32> to vector<16xi32>
      %mul3A_89 = arith.constant 4 : i32
      %mul3A_90 = vector.broadcast %mul3A_89 : i32 to vector<16xi32>
      %mul3A_91 = arith.muli %get3A_88, %mul3A_90 : vector<16xi32>
      %add3A_92 = vector.broadcast %add3A_3 : i32 to vector<16xi32>
      %add3A_93 = arith.addi %mul3A_91, %add3A_92 : vector<16xi32>
      %swap3A_94 = arith.constant 32 : index
      %swap3A_95 = tpu.vector_load %arg9[%swap3A_94] {strides = array<i32>} : memref<80xi32, #tpu.memory_space<vmem>>, vector<16xi32>,
      %swap3A_96 = vector.shape_cast %swap3A_95 : vector<16xi32> to vector<16xi32>
      %swap3A_97 = vector.shape_cast %add3A_93 : vector<16xi32> to vector<16xi32>
      tpu.vector_store %arg9[%swap3A_94], %swap3A_97 {strides = array<i32>} : memref<80xi32, #tpu.memory_space<vmem>>, vector<16xi32>,
      %get3A_98 = arith.index_cast %scan3A_60 : i32 to index
      %get3A_99 = arith.constant 48 : index
      %get3A_100 = tpu.vector_load %arg7[%get3A_98, %get3A_99] {strides = array<i32>} : memref<125x80xi32, #tpu.memory_space<vmem>>, vector<1x16xi32>,
      %get3A_101 = vector.shape_cast %get3A_100 : vector<1x16xi32> to vector<16xi32>
      %mul3A_102 = arith.constant 4 : i32
      %mul3A_103 = vector.broadcast %mul3A_102 : i32 to vector<16xi32>
      %mul3A_104 = arith.muli %get3A_101, %mul3A_103 : vector<16xi32>
      %add3A_105 = vector.broadcast %add3A_3 : i32 to vector<16xi32>
      %add3A_106 = arith.addi %mul3A_104, %add3A_105 : vector<16xi32>
      %swap3A_107 = arith.constant 48 : index
      %swap3A_108 = tpu.vector_load %arg9[%swap3A_107] {strides = array<i32>} : memref<80xi32, #tpu.memory_space<vmem>>, vector<16xi32>,
      %swap3A_109 = vector.shape_cast %swap3A_108 : vector<16xi32> to vector<16xi32>
      %swap3A_110 = vector.shape_cast %add3A_106 : vector<16xi32> to vector<16xi32>
      tpu.vector_store %arg9[%swap3A_107], %swap3A_110 {strides = array<i32>} : memref<80xi32, #tpu.memory_space<vmem>>, vector<16xi32>,
      %get3A_111 = arith.index_cast %scan3A_60 : i32 to index
      %get3A_112 = arith.constant 64 : index
      %get3A_113 = tpu.vector_load %arg7[%get3A_111, %get3A_112] {strides = array<i32>} : memref<125x80xi32, #tpu.memory_space<vmem>>, vector<1x16xi32>,
      %get3A_114 = vector.shape_cast %get3A_113 : vector<1x16xi32> to vector<16xi32>
      %mul3A_115 = arith.constant 4 : i32
      %mul3A_116 = vector.broadcast %mul3A_115 : i32 to vector<16xi32>
      %mul3A_117 = arith.muli %get3A_114, %mul3A_116 : vector<16xi32>
      %add3A_118 = vector.broadcast %add3A_3 : i32 to vector<16xi32>
      %add3A_119 = arith.addi %mul3A_117, %add3A_118 : vector<16xi32>
      %swap3A_120 = arith.constant 64 : index
      %swap3A_121 = tpu.vector_load %arg9[%swap3A_120] {strides = array<i32>} : memref<80xi32, #tpu.memory_space<vmem>>, vector<16xi32>,
      %swap3A_122 = vector.shape_cast %swap3A_121 : vector<16xi32> to vector<16xi32>
      %swap3A_123 = vector.shape_cast %add3A_119 : vector<16xi32> to vector<16xi32>
      tpu.vector_store %arg9[%swap3A_120], %swap3A_123 {strides = array<i32>} : memref<80xi32, #tpu.memory_space<vmem>>, vector<16xi32>,
      %dma_start3A = arith.constant 0 : i32
      %dma_start3A_124 = arith.constant 0 : i32
      %dma_start3A_125 = tpu.memref_slice %arg2[%dma_start3A, %dma_start3A_124] : memref<40000x128xf32, #tpu.memory_space<hbm>> -> memref<40000x128xf32, #tpu.memory_space<hbm>>
      tpu.enqueue_indirect_dma source(%dma_start3A_125 : memref<40000x128xf32, #tpu.memory_space<hbm>>) target(%arg10 : memref<80x128xf32, #tpu.memory_space<vmem>>) offsets(%arg9 : memref<80xi32, #tpu.memory_space<vmem>>) semaphore(%arg12 : memref<!tpu.dma_semaphore, #tpu.memory_space<semaphore_mem>>)
      %dma_wait3A = arith.constant 0 : i32
      %dma_wait3A_126 = arith.constant 0 : i32
      %dma_wait3A_127 = tpu.memref_slice %arg2[%dma_wait3A, %dma_wait3A_126] : memref<40000x128xf32, #tpu.memory_space<hbm>> -> memref<40000x128xf32, #tpu.memory_space<hbm>>
      tpu.wait_indirect_dma semaphore(%arg12 : memref<!tpu.dma_semaphore, #tpu.memory_space<semaphore_mem>>) src(%dma_wait3A_127 : memref<40000x128xf32, #tpu.memory_space<hbm>>) dst(%arg10 : memref<80x128xf32, #tpu.memory_space<vmem>>)
      "tpu.region"() ({
        %run_scoped3A = tpu.sem_alloc : memref<!tpu.dma_semaphore, #tpu.memory_space<semaphore_mem>>
        %dma_start3A_128 = arith.constant 0 : i32
        %dma_start3A_129 = tpu.memref_slice %arg8[%scan3A_60, %dma_start3A_128] : memref<125x80xi32, #tpu.memory_space<vmem>> -> memref<1x80xi32, #tpu.memory_space<vmem>>
        %dma_start3A_130 = tpu.memref_squeeze %dma_start3A_129 : memref<1x80xi32, #tpu.memory_space<vmem>> -> memref<80xi32, #tpu.memory_space<vmem>>
        %dma_start3A_131 = arith.constant 0 : i32
        %dma_start3A_132 = arith.constant 0 : i32
        %dma_start3A_133 = tpu.memref_slice %arg11[%dma_start3A_131, %dma_start3A_132] : memref<10240x128xf32, #tpu.memory_space<vmem_shared>> -> memref<10240x128xf32, #tpu.memory_space<vmem_shared>>
        tpu.enqueue_indirect_dma source(%arg10 : memref<80x128xf32, #tpu.memory_space<vmem>>) target(%dma_start3A_133 : memref<10240x128xf32, #tpu.memory_space<vmem_shared>>) offsets(%dma_start3A_130 : memref<80xi32, #tpu.memory_space<vmem>>) semaphore(%run_scoped3A : memref<!tpu.dma_semaphore, #tpu.memory_space<semaphore_mem>>) {add = true}
        %dma_wait3A_134 = arith.constant 0 : i32
        %dma_wait3A_135 = tpu.memref_slice %arg8[%scan3A_60, %dma_wait3A_134] : memref<125x80xi32, #tpu.memory_space<vmem>> -> memref<1x80xi32, #tpu.memory_space<vmem>>
        %dma_wait3A_136 = tpu.memref_squeeze %dma_wait3A_135 : memref<1x80xi32, #tpu.memory_space<vmem>> -> memref<80xi32, #tpu.memory_space<vmem>>
        %dma_wait3A_137 = arith.constant 0 : i32
        %dma_wait3A_138 = arith.constant 0 : i32
        %dma_wait3A_139 = tpu.memref_slice %arg11[%dma_wait3A_137, %dma_wait3A_138] : memref<10240x128xf32, #tpu.memory_space<vmem_shared>> -> memref<10240x128xf32, #tpu.memory_space<vmem_shared>>
        tpu.wait_indirect_dma semaphore(%run_scoped3A : memref<!tpu.dma_semaphore, #tpu.memory_space<semaphore_mem>>) src(%arg10 : memref<80x128xf32, #tpu.memory_space<vmem>>) dst(%dma_wait3A_139 : memref<10240x128xf32, #tpu.memory_space<vmem_shared>>)
        tpu.yield
      }) : () -> ()
    }
    %scan3A_14 = arith.constant 125 : i32
    %barrier3A_15 = arith.constant 0 : index
    tpu.barrier barrier_id(%barrier3A_15)
    %lt3A_16 = arith.constant 15 : i32
    %lt3A_17 = arith.cmpi slt, %arg1, %lt3A_16 : i32
    %convert_element_type3A_18 = arith.extui %lt3A_17 : i1 to i32
    %cond3A_19 = arith.constant 0 : i32
    %cond3A_20 = arith.cmpi ne, %convert_element_type3A_18, %cond3A_19 : i32
    scf.if %cond3A_20 {
      "tpu.region"() ({
        %run_scoped3A = tpu.sem_alloc : memref<!tpu.dma_semaphore, #tpu.memory_space<semaphore_mem>>
        %dma_start3A = arith.constant 0 : i32
        %dma_start3A_60 = arith.constant 0 : i32
        %dma_start3A_61 = tpu.memref_slice %arg6[%add3A_3, %dma_start3A, %dma_start3A_60] : memref<4x10000x128xf32, #tpu.memory_space<hbm>> -> memref<1x10000x128xf32, #tpu.memory_space<hbm>>
        %dma_start3A_62 = tpu.memref_squeeze %dma_start3A_61 : memref<1x10000x128xf32, #tpu.memory_space<hbm>> -> memref<10000x128xf32, #tpu.memory_space<hbm>>
        %dma_start3A_63 = arith.constant 0 : i32
        %dma_start3A_64 = tpu.memref_slice %dma_start3A_62[%mul3A_0, %dma_start3A_63] : memref<10000x128xf32, #tpu.memory_space<hbm>> -> memref<640x128xf32, #tpu.memory_space<hbm>>
        %dma_start3A_65 = arith.constant 0 : i32
        %dma_start3A_66 = tpu.memref_slice %arg11[%mul3A_0, %dma_start3A_65] : memref<10240x128xf32, #tpu.memory_space<vmem_shared>> -> memref<640x128xf32, #tpu.memory_space<vmem_shared>>
        tpu.enqueue_dma source(%dma_start3A_66 : memref<640x128xf32, #tpu.memory_space<vmem_shared>>) target(%dma_start3A_64 : memref<640x128xf32, #tpu.memory_space<hbm>>) target_semaphore(%run_scoped3A : memref<!tpu.dma_semaphore, #tpu.memory_space<semaphore_mem>>)
        %dma_wait3A = arith.constant 0 : i32
        %dma_wait3A_67 = arith.constant 0 : i32
        %dma_wait3A_68 = tpu.memref_slice %arg6[%add3A_3, %dma_wait3A, %dma_wait3A_67] : memref<4x10000x128xf32, #tpu.memory_space<hbm>> -> memref<1x10000x128xf32, #tpu.memory_space<hbm>>
        %dma_wait3A_69 = tpu.memref_squeeze %dma_wait3A_68 : memref<1x10000x128xf32, #tpu.memory_space<hbm>> -> memref<10000x128xf32, #tpu.memory_space<hbm>>
        %dma_wait3A_70 = arith.constant 0 : i32
        %dma_wait3A_71 = tpu.memref_slice %dma_wait3A_69[%mul3A_0, %dma_wait3A_70] : memref<10000x128xf32, #tpu.memory_space<hbm>> -> memref<640x128xf32, #tpu.memory_space<hbm>>
        %dma_wait3A_72 = arith.constant 0 : i32
        %dma_wait3A_73 = tpu.memref_slice %arg11[%mul3A_0, %dma_wait3A_72] : memref<10240x128xf32, #tpu.memory_space<vmem_shared>> -> memref<640x128xf32, #tpu.memory_space<vmem_shared>>
        tpu.wait_dma2 semaphore(%run_scoped3A : memref<!tpu.dma_semaphore, #tpu.memory_space<semaphore_mem>>) src(%dma_wait3A_73 : memref<640x128xf32, #tpu.memory_space<vmem_shared>>) dst(%dma_wait3A_71 : memref<640x128xf32, #tpu.memory_space<hbm>>)
        tpu.yield
      }) : () -> ()
    } else {
    }
    %eq3A_21 = arith.constant 15 : i32
    %eq3A_22 = arith.cmpi eq, %arg1, %eq3A_21 : i32
    %convert_element_type3A_23 = arith.extui %eq3A_22 : i1 to i32
    %cond3A_24 = arith.constant 0 : i32
    %cond3A_25 = arith.cmpi ne, %convert_element_type3A_23, %cond3A_24 : i32
    scf.if %cond3A_25 {
      "tpu.region"() ({
        %run_scoped3A = tpu.sem_alloc : memref<!tpu.dma_semaphore, #tpu.memory_space<semaphore_mem>>
        %dma_start3A = arith.constant 0 : i32
        %dma_start3A_60 = arith.constant 0 : i32
        %dma_start3A_61 = tpu.memref_slice %arg6[%add3A_3, %dma_start3A, %dma_start3A_60] : memref<4x10000x128xf32, #tpu.memory_space<hbm>> -> memref<1x10000x128xf32, #tpu.memory_space<hbm>>
        %dma_start3A_62 = tpu.memref_squeeze %dma_start3A_61 : memref<1x10000x128xf32, #tpu.memory_space<hbm>> -> memref<10000x128xf32, #tpu.memory_space<hbm>>
        %dma_start3A_63 = arith.constant 9600 : i32
        %dma_start3A_64 = arith.constant 0 : i32
        %dma_start3A_65 = tpu.memref_slice %dma_start3A_62[%dma_start3A_63, %dma_start3A_64] : memref<10000x128xf32, #tpu.memory_space<hbm>> -> memref<400x128xf32, #tpu.memory_space<hbm>>
        %dma_start3A_66 = arith.constant 9600 : i32
        %dma_start3A_67 = arith.constant 0 : i32
        %dma_start3A_68 = tpu.memref_slice %arg11[%dma_start3A_66, %dma_start3A_67] : memref<10240x128xf32, #tpu.memory_space<vmem_shared>> -> memref<400x128xf32, #tpu.memory_space<vmem_shared>>
        tpu.enqueue_dma source(%dma_start3A_68 : memref<400x128xf32, #tpu.memory_space<vmem_shared>>) target(%dma_start3A_65 : memref<400x128xf32, #tpu.memory_space<hbm>>) target_semaphore(%run_scoped3A : memref<!tpu.dma_semaphore, #tpu.memory_space<semaphore_mem>>)
        %dma_wait3A = arith.constant 0 : i32
        %dma_wait3A_69 = arith.constant 0 : i32
        %dma_wait3A_70 = tpu.memref_slice %arg6[%add3A_3, %dma_wait3A, %dma_wait3A_69] : memref<4x10000x128xf32, #tpu.memory_space<hbm>> -> memref<1x10000x128xf32, #tpu.memory_space<hbm>>
        %dma_wait3A_71 = tpu.memref_squeeze %dma_wait3A_70 : memref<1x10000x128xf32, #tpu.memory_space<hbm>> -> memref<10000x128xf32, #tpu.memory_space<hbm>>
        %dma_wait3A_72 = arith.constant 9600 : i32
        %dma_wait3A_73 = arith.constant 0 : i32
        %dma_wait3A_74 = tpu.memref_slice %dma_wait3A_71[%dma_wait3A_72, %dma_wait3A_73] : memref<10000x128xf32, #tpu.memory_space<hbm>> -> memref<400x128xf32, #tpu.memory_space<hbm>>
        %dma_wait3A_75 = arith.constant 9600 : i32
        %dma_wait3A_76 = arith.constant 0 : i32
        %dma_wait3A_77 = tpu.memref_slice %arg11[%dma_wait3A_75, %dma_wait3A_76] : memref<10240x128xf32, #tpu.memory_space<vmem_shared>> -> memref<400x128xf32, #tpu.memory_space<vmem_shared>>
        tpu.wait_dma2 semaphore(%run_scoped3A : memref<!tpu.dma_semaphore, #tpu.memory_space<semaphore_mem>>) src(%dma_wait3A_77 : memref<400x128xf32, #tpu.memory_space<vmem_shared>>) dst(%dma_wait3A_74 : memref<400x128xf32, #tpu.memory_space<hbm>>)
        tpu.yield
      }) : () -> ()
    } else {
    }
    %barrier3A_26 = arith.constant 0 : index
    tpu.barrier barrier_id(%barrier3A_26)
    %mul3A_27 = arith.constant 2 : i32
    %mul3A_28 = arith.muli %arg0, %mul3A_27 : i32
    %add3A_29 = arith.constant 1 : i32
    %add3A_30 = arith.addi %mul3A_28, %add3A_29 : i32
    %lt3A_31 = arith.constant 15 : i32
    %lt3A_32 = arith.cmpi slt, %arg1, %lt3A_31 : i32
    %convert_element_type3A_33 = arith.extui %lt3A_32 : i1 to i32
    %cond3A_34 = arith.constant 0 : i32
    %cond3A_35 = arith.cmpi ne, %convert_element_type3A_33, %cond3A_34 : i32
    scf.if %cond3A_35 {
      "tpu.region"() ({
        %run_scoped3A = tpu.sem_alloc : memref<!tpu.dma_semaphore, #tpu.memory_space<semaphore_mem>>
        %dma_start3A = arith.constant 0 : i32
        %dma_start3A_60 = tpu.memref_slice %arg11[%mul3A_0, %dma_start3A] : memref<10240x128xf32, #tpu.memory_space<vmem_shared>> -> memref<640x128xf32, #tpu.memory_space<vmem_shared>>
        tpu.enqueue_dma source(%arg5 : memref<640x128xf32, #tpu.memory_space<hbm>>) target(%dma_start3A_60 : memref<640x128xf32, #tpu.memory_space<vmem_shared>>) target_semaphore(%run_scoped3A : memref<!tpu.dma_semaphore, #tpu.memory_space<semaphore_mem>>)
        %dma_wait3A = arith.constant 0 : i32
        %dma_wait3A_61 = tpu.memref_slice %arg11[%mul3A_0, %dma_wait3A] : memref<10240x128xf32, #tpu.memory_space<vmem_shared>> -> memref<640x128xf32, #tpu.memory_space<vmem_shared>>
        tpu.wait_dma2 semaphore(%run_scoped3A : memref<!tpu.dma_semaphore, #tpu.memory_space<semaphore_mem>>) src(%arg5 : memref<640x128xf32, #tpu.memory_space<hbm>>) dst(%dma_wait3A_61 : memref<640x128xf32, #tpu.memory_space<vmem_shared>>)
        tpu.yield
      }) : () -> ()
    } else {
    }
    %eq3A_36 = arith.constant 15 : i32
    %eq3A_37 = arith.cmpi eq, %arg1, %eq3A_36 : i32
    %convert_element_type3A_38 = arith.extui %eq3A_37 : i1 to i32
    %cond3A_39 = arith.constant 0 : i32
    %cond3A_40 = arith.cmpi ne, %convert_element_type3A_38, %cond3A_39 : i32
    scf.if %cond3A_40 {
      "tpu.region"() ({
        %run_scoped3A = tpu.sem_alloc : memref<!tpu.dma_semaphore, #tpu.memory_space<semaphore_mem>>
        %dma_start3A = arith.constant 9600 : i32
        %dma_start3A_60 = arith.constant 0 : i32
        %dma_start3A_61 = tpu.memref_slice %arg11[%dma_start3A, %dma_start3A_60] : memref<10240x128xf32, #tpu.memory_space<vmem_shared>> -> memref<400x128xf32, #tpu.memory_space<vmem_shared>>
        %dma_start3A_62 = arith.constant 0 : i32
        %dma_start3A_63 = arith.constant 0 : i32
        %dma_start3A_64 = tpu.memref_slice %arg5[%dma_start3A_62, %dma_start3A_63] : memref<640x128xf32, #tpu.memory_space<hbm>> -> memref<400x128xf32, #tpu.memory_space<hbm>>
        tpu.enqueue_dma source(%dma_start3A_64 : memref<400x128xf32, #tpu.memory_space<hbm>>) target(%dma_start3A_61 : memref<400x128xf32, #tpu.memory_space<vmem_shared>>) target_semaphore(%run_scoped3A : memref<!tpu.dma_semaphore, #tpu.memory_space<semaphore_mem>>)
        %dma_wait3A = arith.constant 9600 : i32
        %dma_wait3A_65 = arith.constant 0 : i32
        %dma_wait3A_66 = tpu.memref_slice %arg11[%dma_wait3A, %dma_wait3A_65] : memref<10240x128xf32, #tpu.memory_space<vmem_shared>> -> memref<400x128xf32, #tpu.memory_space<vmem_shared>>
        %dma_wait3A_67 = arith.constant 0 : i32
        %dma_wait3A_68 = arith.constant 0 : i32
        %dma_wait3A_69 = tpu.memref_slice %arg5[%dma_wait3A_67, %dma_wait3A_68] : memref<640x128xf32, #tpu.memory_space<hbm>> -> memref<400x128xf32, #tpu.memory_space<hbm>>
        tpu.wait_dma2 semaphore(%run_scoped3A : memref<!tpu.dma_semaphore, #tpu.memory_space<semaphore_mem>>) src(%dma_wait3A_69 : memref<400x128xf32, #tpu.memory_space<hbm>>) dst(%dma_wait3A_66 : memref<400x128xf32, #tpu.memory_space<vmem_shared>>)
        tpu.yield
      }) : () -> ()
    } else {
    }
    %barrier3A_41 = arith.constant 0 : index
    tpu.barrier barrier_id(%barrier3A_41)
    %scan3A_42 = arith.constant 0 : i32
    %scan3A_43 = arith.constant 0 : i32
    %scan3A_44 = arith.constant 125 : i32
    %scan3A_45 = arith.addi %scan3A_43, %scan3A_44 : i32
    %scan3A_46 = arith.constant 1 : i32
    scf.for %scan3A_60 = %scan3A_43 to %scan3A_45 step %scan3A_46  : i32 {
      %get3A = arith.index_cast %scan3A_60 : i32 to index
      %get3A_61 = arith.constant 0 : index
      %get3A_62 = tpu.vector_load %arg7[%get3A, %get3A_61] {strides = array<i32>} : memref<125x80xi32, #tpu.memory_space<vmem>>, vector<1x16xi32>,
      %get3A_63 = vector.shape_cast %get3A_62 : vector<1x16xi32> to vector<16xi32>
      %mul3A_64 = arith.constant 4 : i32
      %mul3A_65 = vector.broadcast %mul3A_64 : i32 to vector<16xi32>
      %mul3A_66 = arith.muli %get3A_63, %mul3A_65 : vector<16xi32>
      %add3A_67 = vector.broadcast %add3A_30 : i32 to vector<16xi32>
      %add3A_68 = arith.addi %mul3A_66, %add3A_67 : vector<16xi32>
      %swap3A = arith.constant 0 : index
      %swap3A_69 = tpu.vector_load %arg9[%swap3A] {strides = array<i32>} : memref<80xi32, #tpu.memory_space<vmem>>, vector<16xi32>,
      %swap3A_70 = vector.shape_cast %swap3A_69 : vector<16xi32> to vector<16xi32>
      %swap3A_71 = vector.shape_cast %add3A_68 : vector<16xi32> to vector<16xi32>
      tpu.vector_store %arg9[%swap3A], %swap3A_71 {strides = array<i32>} : memref<80xi32, #tpu.memory_space<vmem>>, vector<16xi32>,
      %get3A_72 = arith.index_cast %scan3A_60 : i32 to index
      %get3A_73 = arith.constant 16 : index
      %get3A_74 = tpu.vector_load %arg7[%get3A_72, %get3A_73] {strides = array<i32>} : memref<125x80xi32, #tpu.memory_space<vmem>>, vector<1x16xi32>,
      %get3A_75 = vector.shape_cast %get3A_74 : vector<1x16xi32> to vector<16xi32>
      %mul3A_76 = arith.constant 4 : i32
      %mul3A_77 = vector.broadcast %mul3A_76 : i32 to vector<16xi32>
      %mul3A_78 = arith.muli %get3A_75, %mul3A_77 : vector<16xi32>
      %add3A_79 = vector.broadcast %add3A_30 : i32 to vector<16xi32>
      %add3A_80 = arith.addi %mul3A_78, %add3A_79 : vector<16xi32>
      %swap3A_81 = arith.constant 16 : index
      %swap3A_82 = tpu.vector_load %arg9[%swap3A_81] {strides = array<i32>} : memref<80xi32, #tpu.memory_space<vmem>>, vector<16xi32>,
      %swap3A_83 = vector.shape_cast %swap3A_82 : vector<16xi32> to vector<16xi32>
      %swap3A_84 = vector.shape_cast %add3A_80 : vector<16xi32> to vector<16xi32>
      tpu.vector_store %arg9[%swap3A_81], %swap3A_84 {strides = array<i32>} : memref<80xi32, #tpu.memory_space<vmem>>, vector<16xi32>,
      %get3A_85 = arith.index_cast %scan3A_60 : i32 to index
      %get3A_86 = arith.constant 32 : index
      %get3A_87 = tpu.vector_load %arg7[%get3A_85, %get3A_86] {strides = array<i32>} : memref<125x80xi32, #tpu.memory_space<vmem>>, vector<1x16xi32>,
      %get3A_88 = vector.shape_cast %get3A_87 : vector<1x16xi32> to vector<16xi32>
      %mul3A_89 = arith.constant 4 : i32
      %mul3A_90 = vector.broadcast %mul3A_89 : i32 to vector<16xi32>
      %mul3A_91 = arith.muli %get3A_88, %mul3A_90 : vector<16xi32>
      %add3A_92 = vector.broadcast %add3A_30 : i32 to vector<16xi32>
      %add3A_93 = arith.addi %mul3A_91, %add3A_92 : vector<16xi32>
      %swap3A_94 = arith.constant 32 : index
      %swap3A_95 = tpu.vector_load %arg9[%swap3A_94] {strides = array<i32>} : memref<80xi32, #tpu.memory_space<vmem>>, vector<16xi32>,
      %swap3A_96 = vector.shape_cast %swap3A_95 : vector<16xi32> to vector<16xi32>
      %swap3A_97 = vector.shape_cast %add3A_93 : vector<16xi32> to vector<16xi32>
      tpu.vector_store %arg9[%swap3A_94], %swap3A_97 {strides = array<i32>} : memref<80xi32, #tpu.memory_space<vmem>>, vector<16xi32>,
      %get3A_98 = arith.index_cast %scan3A_60 : i32 to index
      %get3A_99 = arith.constant 48 : index
      %get3A_100 = tpu.vector_load %arg7[%get3A_98, %get3A_99] {strides = array<i32>} : memref<125x80xi32, #tpu.memory_space<vmem>>, vector<1x16xi32>,
      %get3A_101 = vector.shape_cast %get3A_100 : vector<1x16xi32> to vector<16xi32>
      %mul3A_102 = arith.constant 4 : i32
      %mul3A_103 = vector.broadcast %mul3A_102 : i32 to vector<16xi32>
      %mul3A_104 = arith.muli %get3A_101, %mul3A_103 : vector<16xi32>
      %add3A_105 = vector.broadcast %add3A_30 : i32 to vector<16xi32>
      %add3A_106 = arith.addi %mul3A_104, %add3A_105 : vector<16xi32>
      %swap3A_107 = arith.constant 48 : index
      %swap3A_108 = tpu.vector_load %arg9[%swap3A_107] {strides = array<i32>} : memref<80xi32, #tpu.memory_space<vmem>>, vector<16xi32>,
      %swap3A_109 = vector.shape_cast %swap3A_108 : vector<16xi32> to vector<16xi32>
      %swap3A_110 = vector.shape_cast %add3A_106 : vector<16xi32> to vector<16xi32>
      tpu.vector_store %arg9[%swap3A_107], %swap3A_110 {strides = array<i32>} : memref<80xi32, #tpu.memory_space<vmem>>, vector<16xi32>,
      %get3A_111 = arith.index_cast %scan3A_60 : i32 to index
      %get3A_112 = arith.constant 64 : index
      %get3A_113 = tpu.vector_load %arg7[%get3A_111, %get3A_112] {strides = array<i32>} : memref<125x80xi32, #tpu.memory_space<vmem>>, vector<1x16xi32>,
      %get3A_114 = vector.shape_cast %get3A_113 : vector<1x16xi32> to vector<16xi32>
      %mul3A_115 = arith.constant 4 : i32
      %mul3A_116 = vector.broadcast %mul3A_115 : i32 to vector<16xi32>
      %mul3A_117 = arith.muli %get3A_114, %mul3A_116 : vector<16xi32>
      %add3A_118 = vector.broadcast %add3A_30 : i32 to vector<16xi32>
      %add3A_119 = arith.addi %mul3A_117, %add3A_118 : vector<16xi32>
      %swap3A_120 = arith.constant 64 : index
      %swap3A_121 = tpu.vector_load %arg9[%swap3A_120] {strides = array<i32>} : memref<80xi32, #tpu.memory_space<vmem>>, vector<16xi32>,
      %swap3A_122 = vector.shape_cast %swap3A_121 : vector<16xi32> to vector<16xi32>
      %swap3A_123 = vector.shape_cast %add3A_119 : vector<16xi32> to vector<16xi32>
      tpu.vector_store %arg9[%swap3A_120], %swap3A_123 {strides = array<i32>} : memref<80xi32, #tpu.memory_space<vmem>>, vector<16xi32>,
      %dma_start3A = arith.constant 0 : i32
      %dma_start3A_124 = arith.constant 0 : i32
      %dma_start3A_125 = tpu.memref_slice %arg2[%dma_start3A, %dma_start3A_124] : memref<40000x128xf32, #tpu.memory_space<hbm>> -> memref<40000x128xf32, #tpu.memory_space<hbm>>
      tpu.enqueue_indirect_dma source(%dma_start3A_125 : memref<40000x128xf32, #tpu.memory_space<hbm>>) target(%arg10 : memref<80x128xf32, #tpu.memory_space<vmem>>) offsets(%arg9 : memref<80xi32, #tpu.memory_space<vmem>>) semaphore(%arg12 : memref<!tpu.dma_semaphore, #tpu.memory_space<semaphore_mem>>)
      %dma_wait3A = arith.constant 0 : i32
      %dma_wait3A_126 = arith.constant 0 : i32
      %dma_wait3A_127 = tpu.memref_slice %arg2[%dma_wait3A, %dma_wait3A_126] : memref<40000x128xf32, #tpu.memory_space<hbm>> -> memref<40000x128xf32, #tpu.memory_space<hbm>>
      tpu.wait_indirect_dma semaphore(%arg12 : memref<!tpu.dma_semaphore, #tpu.memory_space<semaphore_mem>>) src(%dma_wait3A_127 : memref<40000x128xf32, #tpu.memory_space<hbm>>) dst(%arg10 : memref<80x128xf32, #tpu.memory_space<vmem>>)
      "tpu.region"() ({
        %run_scoped3A = tpu.sem_alloc : memref<!tpu.dma_semaphore, #tpu.memory_space<semaphore_mem>>
        %dma_start3A_128 = arith.constant 0 : i32
        %dma_start3A_129 = tpu.memref_slice %arg8[%scan3A_60, %dma_start3A_128] : memref<125x80xi32, #tpu.memory_space<vmem>> -> memref<1x80xi32, #tpu.memory_space<vmem>>
        %dma_start3A_130 = tpu.memref_squeeze %dma_start3A_129 : memref<1x80xi32, #tpu.memory_space<vmem>> -> memref<80xi32, #tpu.memory_space<vmem>>
        %dma_start3A_131 = arith.constant 0 : i32
        %dma_start3A_132 = arith.constant 0 : i32
        %dma_start3A_133 = tpu.memref_slice %arg11[%dma_start3A_131, %dma_start3A_132] : memref<10240x128xf32, #tpu.memory_space<vmem_shared>> -> memref<10240x128xf32, #tpu.memory_space<vmem_shared>>
        tpu.enqueue_indirect_dma source(%arg10 : memref<80x128xf32, #tpu.memory_space<vmem>>) target(%dma_start3A_133 : memref<10240x128xf32, #tpu.memory_space<vmem_shared>>) offsets(%dma_start3A_130 : memref<80xi32, #tpu.memory_space<vmem>>) semaphore(%run_scoped3A : memref<!tpu.dma_semaphore, #tpu.memory_space<semaphore_mem>>) {add = true}
        %dma_wait3A_134 = arith.constant 0 : i32
        %dma_wait3A_135 = tpu.memref_slice %arg8[%scan3A_60, %dma_wait3A_134] : memref<125x80xi32, #tpu.memory_space<vmem>> -> memref<1x80xi32, #tpu.memory_space<vmem>>
        %dma_wait3A_136 = tpu.memref_squeeze %dma_wait3A_135 : memref<1x80xi32, #tpu.memory_space<vmem>> -> memref<80xi32, #tpu.memory_space<vmem>>
        %dma_wait3A_137 = arith.constant 0 : i32
        %dma_wait3A_138 = arith.constant 0 : i32
        %dma_wait3A_139 = tpu.memref_slice %arg11[%dma_wait3A_137, %dma_wait3A_138] : memref<10240x128xf32, #tpu.memory_space<vmem_shared>> -> memref<10240x128xf32, #tpu.memory_space<vmem_shared>>
        tpu.wait_indirect_dma semaphore(%run_scoped3A : memref<!tpu.dma_semaphore, #tpu.memory_space<semaphore_mem>>) src(%arg10 : memref<80x128xf32, #tpu.memory_space<vmem>>) dst(%dma_wait3A_139 : memref<10240x128xf32, #tpu.memory_space<vmem_shared>>)
        tpu.yield
      }) : () -> ()
    }
    %scan3A_47 = arith.constant 125 : i32
    %barrier3A_48 = arith.constant 0 : index
    tpu.barrier barrier_id(%barrier3A_48)
    %lt3A_49 = arith.constant 15 : i32
    %lt3A_50 = arith.cmpi slt, %arg1, %lt3A_49 : i32
    %convert_element_type3A_51 = arith.extui %lt3A_50 : i1 to i32
    %cond3A_52 = arith.constant 0 : i32
    %cond3A_53 = arith.cmpi ne, %convert_element_type3A_51, %cond3A_52 : i32
    scf.if %cond3A_53 {
      "tpu.region"() ({
        %run_scoped3A = tpu.sem_alloc : memref<!tpu.dma_semaphore, #tpu.memory_space<semaphore_mem>>
        %dma_start3A = arith.constant 0 : i32
        %dma_start3A_60 = arith.constant 0 : i32
        %dma_start3A_61 = tpu.memref_slice %arg6[%add3A_30, %dma_start3A, %dma_start3A_60] : memref<4x10000x128xf32, #tpu.memory_space<hbm>> -> memref<1x10000x128xf32, #tpu.memory_space<hbm>>
        %dma_start3A_62 = tpu.memref_squeeze %dma_start3A_61 : memref<1x10000x128xf32, #tpu.memory_space<hbm>> -> memref<10000x128xf32, #tpu.memory_space<hbm>>
        %dma_start3A_63 = arith.constant 0 : i32
        %dma_start3A_64 = tpu.memref_slice %dma_start3A_62[%mul3A_0, %dma_start3A_63] : memref<10000x128xf32, #tpu.memory_space<hbm>> -> memref<640x128xf32, #tpu.memory_space<hbm>>
        %dma_start3A_65 = arith.constant 0 : i32
        %dma_start3A_66 = tpu.memref_slice %arg11[%mul3A_0, %dma_start3A_65] : memref<10240x128xf32, #tpu.memory_space<vmem_shared>> -> memref<640x128xf32, #tpu.memory_space<vmem_shared>>
        tpu.enqueue_dma source(%dma_start3A_66 : memref<640x128xf32, #tpu.memory_space<vmem_shared>>) target(%dma_start3A_64 : memref<640x128xf32, #tpu.memory_space<hbm>>) target_semaphore(%run_scoped3A : memref<!tpu.dma_semaphore, #tpu.memory_space<semaphore_mem>>)
        %dma_wait3A = arith.constant 0 : i32
        %dma_wait3A_67 = arith.constant 0 : i32
        %dma_wait3A_68 = tpu.memref_slice %arg6[%add3A_30, %dma_wait3A, %dma_wait3A_67] : memref<4x10000x128xf32, #tpu.memory_space<hbm>> -> memref<1x10000x128xf32, #tpu.memory_space<hbm>>
        %dma_wait3A_69 = tpu.memref_squeeze %dma_wait3A_68 : memref<1x10000x128xf32, #tpu.memory_space<hbm>> -> memref<10000x128xf32, #tpu.memory_space<hbm>>
        %dma_wait3A_70 = arith.constant 0 : i32
        %dma_wait3A_71 = tpu.memref_slice %dma_wait3A_69[%mul3A_0, %dma_wait3A_70] : memref<10000x128xf32, #tpu.memory_space<hbm>> -> memref<640x128xf32, #tpu.memory_space<hbm>>
        %dma_wait3A_72 = arith.constant 0 : i32
        %dma_wait3A_73 = tpu.memref_slice %arg11[%mul3A_0, %dma_wait3A_72] : memref<10240x128xf32, #tpu.memory_space<vmem_shared>> -> memref<640x128xf32, #tpu.memory_space<vmem_shared>>
        tpu.wait_dma2 semaphore(%run_scoped3A : memref<!tpu.dma_semaphore, #tpu.memory_space<semaphore_mem>>) src(%dma_wait3A_73 : memref<640x128xf32, #tpu.memory_space<vmem_shared>>) dst(%dma_wait3A_71 : memref<640x128xf32, #tpu.memory_space<hbm>>)
        tpu.yield
      }) : () -> ()
    } else {
    }
    %eq3A_54 = arith.constant 15 : i32
    %eq3A_55 = arith.cmpi eq, %arg1, %eq3A_54 : i32
    %convert_element_type3A_56 = arith.extui %eq3A_55 : i1 to i32
    %cond3A_57 = arith.constant 0 : i32
    %cond3A_58 = arith.cmpi ne, %convert_element_type3A_56, %cond3A_57 : i32
    scf.if %cond3A_58 {
      "tpu.region"() ({
        %run_scoped3A = tpu.sem_alloc : memref<!tpu.dma_semaphore, #tpu.memory_space<semaphore_mem>>
        %dma_start3A = arith.constant 0 : i32
        %dma_start3A_60 = arith.constant 0 : i32
        %dma_start3A_61 = tpu.memref_slice %arg6[%add3A_30, %dma_start3A, %dma_start3A_60] : memref<4x10000x128xf32, #tpu.memory_space<hbm>> -> memref<1x10000x128xf32, #tpu.memory_space<hbm>>
        %dma_start3A_62 = tpu.memref_squeeze %dma_start3A_61 : memref<1x10000x128xf32, #tpu.memory_space<hbm>> -> memref<10000x128xf32, #tpu.memory_space<hbm>>
        %dma_start3A_63 = arith.constant 9600 : i32
        %dma_start3A_64 = arith.constant 0 : i32
        %dma_start3A_65 = tpu.memref_slice %dma_start3A_62[%dma_start3A_63, %dma_start3A_64] : memref<10000x128xf32, #tpu.memory_space<hbm>> -> memref<400x128xf32, #tpu.memory_space<hbm>>
        %dma_start3A_66 = arith.constant 9600 : i32
        %dma_start3A_67 = arith.constant 0 : i32
        %dma_start3A_68 = tpu.memref_slice %arg11[%dma_start3A_66, %dma_start3A_67] : memref<10240x128xf32, #tpu.memory_space<vmem_shared>> -> memref<400x128xf32, #tpu.memory_space<vmem_shared>>
        tpu.enqueue_dma source(%dma_start3A_68 : memref<400x128xf32, #tpu.memory_space<vmem_shared>>) target(%dma_start3A_65 : memref<400x128xf32, #tpu.memory_space<hbm>>) target_semaphore(%run_scoped3A : memref<!tpu.dma_semaphore, #tpu.memory_space<semaphore_mem>>)
        %dma_wait3A = arith.constant 0 : i32
        %dma_wait3A_69 = arith.constant 0 : i32
        %dma_wait3A_70 = tpu.memref_slice %arg6[%add3A_30, %dma_wait3A, %dma_wait3A_69] : memref<4x10000x128xf32, #tpu.memory_space<hbm>> -> memref<1x10000x128xf32, #tpu.memory_space<hbm>>
        %dma_wait3A_71 = tpu.memref_squeeze %dma_wait3A_70 : memref<1x10000x128xf32, #tpu.memory_space<hbm>> -> memref<10000x128xf32, #tpu.memory_space<hbm>>
        %dma_wait3A_72 = arith.constant 9600 : i32
        %dma_wait3A_73 = arith.constant 0 : i32
        %dma_wait3A_74 = tpu.memref_slice %dma_wait3A_71[%dma_wait3A_72, %dma_wait3A_73] : memref<10000x128xf32, #tpu.memory_space<hbm>> -> memref<400x128xf32, #tpu.memory_space<hbm>>
        %dma_wait3A_75 = arith.constant 9600 : i32
        %dma_wait3A_76 = arith.constant 0 : i32
        %dma_wait3A_77 = tpu.memref_slice %arg11[%dma_wait3A_75, %dma_wait3A_76] : memref<10240x128xf32, #tpu.memory_space<vmem_shared>> -> memref<400x128xf32, #tpu.memory_space<vmem_shared>>
        tpu.wait_dma2 semaphore(%run_scoped3A : memref<!tpu.dma_semaphore, #tpu.memory_space<semaphore_mem>>) src(%dma_wait3A_77 : memref<400x128xf32, #tpu.memory_space<vmem_shared>>) dst(%dma_wait3A_74 : memref<400x128xf32, #tpu.memory_space<hbm>>)
        tpu.yield
      }) : () -> ()
    } else {
    }
    %barrier3A_59 = arith.constant 0 : index
    tpu.barrier barrier_id(%barrier3A_59)
    return
  }
}

#map = affine_map<(d0, d1) -> (0, 0)>
#map1 = affine_map<(d0, d1) -> (0, 0, 0)>
module attributes {stable_mosaic.version = 14 : i64} {
  func.func @seg(%arg0: i32, %arg1: i32, %arg2: memref<20000x128xf32, #tpu.memory_space<hbm>>, %arg3: memref<16x125x80xi32, #tpu.memory_space<hbm>>, %arg4: memref<16x125x80xi32, #tpu.memory_space<hbm>>, %arg5: memref<640x128xf32, #tpu.memory_space<hbm>>, %arg6: memref<2x10000x128xf32, #tpu.memory_space<hbm>>, %arg7: memref<125x80xi32, #tpu.memory_space<vmem>>, %arg8: memref<125x80xi32, #tpu.memory_space<vmem>>, %arg9: memref<80xi32, #tpu.memory_space<vmem>>, %arg10: memref<80x128xf32, #tpu.memory_space<vmem>>, %arg11: memref<10240x128xf32, #tpu.memory_space<vmem_shared>>, %arg12: memref<!tpu.dma_semaphore, #tpu.memory_space<semaphore_mem>>) attributes {dimension_semantics = [#tpu.dimension_semantics<core_parallel>, #tpu.dimension_semantics<subcore_parallel>], iteration_bounds = array<i64: 2, 16>, scalar_prefetch = 0 : i64, scratch_operands = 6 : i64, tpu.core_type = #tpu.core_type<sc_vector_subcore>, window_params = [{transform_indices = #map}, {transform_indices = #map1}, {transform_indices = #map1}, {transform_indices = #map}, {transform_indices = #map1}]} {
    %mul3A = arith.constant 640 : i32
    %mul3A_0 = arith.muli %arg1, %mul3A : i32
    "tpu.region"() ({
      %run_scoped3A = tpu.sem_alloc : memref<!tpu.dma_semaphore, #tpu.memory_space<semaphore_mem>>
      %dma_start3A = arith.constant 0 : i32
      %dma_start3A_27 = arith.constant 0 : i32
      %dma_start3A_28 = tpu.memref_slice %arg3[%arg1, %dma_start3A, %dma_start3A_27] : memref<16x125x80xi32, #tpu.memory_space<hbm>> -> memref<1x125x80xi32, #tpu.memory_space<hbm>>
      %dma_start3A_29 = tpu.memref_squeeze %dma_start3A_28 : memref<1x125x80xi32, #tpu.memory_space<hbm>> -> memref<125x80xi32, #tpu.memory_space<hbm>>
      %dma_start3A_30 = arith.constant 0 : i32
      %dma_start3A_31 = arith.constant 0 : i32
      %dma_start3A_32 = tpu.memref_slice %arg3[%arg1, %dma_start3A_30, %dma_start3A_31] : memref<16x125x80xi32, #tpu.memory_space<hbm>> -> memref<1x125x80xi32, #tpu.memory_space<hbm>>
      %dma_start3A_33 = tpu.memref_squeeze %dma_start3A_32 : memref<1x125x80xi32, #tpu.memory_space<hbm>> -> memref<125x80xi32, #tpu.memory_space<hbm>>
      tpu.enqueue_dma source(%dma_start3A_33 : memref<125x80xi32, #tpu.memory_space<hbm>>) target(%arg7 : memref<125x80xi32, #tpu.memory_space<vmem>>) target_semaphore(%run_scoped3A : memref<!tpu.dma_semaphore, #tpu.memory_space<semaphore_mem>>)
      %dma_wait3A = arith.constant 0 : i32
      %dma_wait3A_34 = arith.constant 0 : i32
      %dma_wait3A_35 = tpu.memref_slice %arg3[%arg1, %dma_wait3A, %dma_wait3A_34] : memref<16x125x80xi32, #tpu.memory_space<hbm>> -> memref<1x125x80xi32, #tpu.memory_space<hbm>>
      %dma_wait3A_36 = tpu.memref_squeeze %dma_wait3A_35 : memref<1x125x80xi32, #tpu.memory_space<hbm>> -> memref<125x80xi32, #tpu.memory_space<hbm>>
      %dma_wait3A_37 = arith.constant 0 : i32
      %dma_wait3A_38 = arith.constant 0 : i32
      %dma_wait3A_39 = tpu.memref_slice %arg3[%arg1, %dma_wait3A_37, %dma_wait3A_38] : memref<16x125x80xi32, #tpu.memory_space<hbm>> -> memref<1x125x80xi32, #tpu.memory_space<hbm>>
      %dma_wait3A_40 = tpu.memref_squeeze %dma_wait3A_39 : memref<1x125x80xi32, #tpu.memory_space<hbm>> -> memref<125x80xi32, #tpu.memory_space<hbm>>
      tpu.wait_dma2 semaphore(%run_scoped3A : memref<!tpu.dma_semaphore, #tpu.memory_space<semaphore_mem>>) src(%dma_wait3A_40 : memref<125x80xi32, #tpu.memory_space<hbm>>) dst(%arg7 : memref<125x80xi32, #tpu.memory_space<vmem>>)
      tpu.yield
    }) : () -> ()
    "tpu.region"() ({
      %run_scoped3A = tpu.sem_alloc : memref<!tpu.dma_semaphore, #tpu.memory_space<semaphore_mem>>
      %dma_start3A = arith.constant 0 : i32
      %dma_start3A_27 = arith.constant 0 : i32
      %dma_start3A_28 = tpu.memref_slice %arg4[%arg1, %dma_start3A, %dma_start3A_27] : memref<16x125x80xi32, #tpu.memory_space<hbm>> -> memref<1x125x80xi32, #tpu.memory_space<hbm>>
      %dma_start3A_29 = tpu.memref_squeeze %dma_start3A_28 : memref<1x125x80xi32, #tpu.memory_space<hbm>> -> memref<125x80xi32, #tpu.memory_space<hbm>>
      %dma_start3A_30 = arith.constant 0 : i32
      %dma_start3A_31 = arith.constant 0 : i32
      %dma_start3A_32 = tpu.memref_slice %arg4[%arg1, %dma_start3A_30, %dma_start3A_31] : memref<16x125x80xi32, #tpu.memory_space<hbm>> -> memref<1x125x80xi32, #tpu.memory_space<hbm>>
      %dma_start3A_33 = tpu.memref_squeeze %dma_start3A_32 : memref<1x125x80xi32, #tpu.memory_space<hbm>> -> memref<125x80xi32, #tpu.memory_space<hbm>>
      tpu.enqueue_dma source(%dma_start3A_33 : memref<125x80xi32, #tpu.memory_space<hbm>>) target(%arg8 : memref<125x80xi32, #tpu.memory_space<vmem>>) target_semaphore(%run_scoped3A : memref<!tpu.dma_semaphore, #tpu.memory_space<semaphore_mem>>)
      %dma_wait3A = arith.constant 0 : i32
      %dma_wait3A_34 = arith.constant 0 : i32
      %dma_wait3A_35 = tpu.memref_slice %arg4[%arg1, %dma_wait3A, %dma_wait3A_34] : memref<16x125x80xi32, #tpu.memory_space<hbm>> -> memref<1x125x80xi32, #tpu.memory_space<hbm>>
      %dma_wait3A_36 = tpu.memref_squeeze %dma_wait3A_35 : memref<1x125x80xi32, #tpu.memory_space<hbm>> -> memref<125x80xi32, #tpu.memory_space<hbm>>
      %dma_wait3A_37 = arith.constant 0 : i32
      %dma_wait3A_38 = arith.constant 0 : i32
      %dma_wait3A_39 = tpu.memref_slice %arg4[%arg1, %dma_wait3A_37, %dma_wait3A_38] : memref<16x125x80xi32, #tpu.memory_space<hbm>> -> memref<1x125x80xi32, #tpu.memory_space<hbm>>
      %dma_wait3A_40 = tpu.memref_squeeze %dma_wait3A_39 : memref<1x125x80xi32, #tpu.memory_space<hbm>> -> memref<125x80xi32, #tpu.memory_space<hbm>>
      tpu.wait_dma2 semaphore(%run_scoped3A : memref<!tpu.dma_semaphore, #tpu.memory_space<semaphore_mem>>) src(%dma_wait3A_40 : memref<125x80xi32, #tpu.memory_space<hbm>>) dst(%arg8 : memref<125x80xi32, #tpu.memory_space<vmem>>)
      tpu.yield
    }) : () -> ()
    %mul3A_1 = arith.constant 1 : i32
    %mul3A_2 = arith.muli %arg0, %mul3A_1 : i32
    %add3A = arith.constant 0 : i32
    %add3A_3 = arith.addi %mul3A_2, %add3A : i32
    %lt3A = arith.constant 15 : i32
    %lt3A_4 = arith.cmpi slt, %arg1, %lt3A : i32
    %convert_element_type3A = arith.extui %lt3A_4 : i1 to i32
    %cond3A = arith.constant 0 : i32
    %cond3A_5 = arith.cmpi ne, %convert_element_type3A, %cond3A : i32
    scf.if %cond3A_5 {
      "tpu.region"() ({
        %run_scoped3A = tpu.sem_alloc : memref<!tpu.dma_semaphore, #tpu.memory_space<semaphore_mem>>
        %dma_start3A = arith.constant 0 : i32
        %dma_start3A_27 = tpu.memref_slice %arg11[%mul3A_0, %dma_start3A] : memref<10240x128xf32, #tpu.memory_space<vmem_shared>> -> memref<640x128xf32, #tpu.memory_space<vmem_shared>>
        tpu.enqueue_dma source(%arg5 : memref<640x128xf32, #tpu.memory_space<hbm>>) target(%dma_start3A_27 : memref<640x128xf32, #tpu.memory_space<vmem_shared>>) target_semaphore(%run_scoped3A : memref<!tpu.dma_semaphore, #tpu.memory_space<semaphore_mem>>)
        %dma_wait3A = arith.constant 0 : i32
        %dma_wait3A_28 = tpu.memref_slice %arg11[%mul3A_0, %dma_wait3A] : memref<10240x128xf32, #tpu.memory_space<vmem_shared>> -> memref<640x128xf32, #tpu.memory_space<vmem_shared>>
        tpu.wait_dma2 semaphore(%run_scoped3A : memref<!tpu.dma_semaphore, #tpu.memory_space<semaphore_mem>>) src(%arg5 : memref<640x128xf32, #tpu.memory_space<hbm>>) dst(%dma_wait3A_28 : memref<640x128xf32, #tpu.memory_space<vmem_shared>>)
        tpu.yield
      }) : () -> ()
    } else {
    }
    %eq3A = arith.constant 15 : i32
    %eq3A_6 = arith.cmpi eq, %arg1, %eq3A : i32
    %convert_element_type3A_7 = arith.extui %eq3A_6 : i1 to i32
    %cond3A_8 = arith.constant 0 : i32
    %cond3A_9 = arith.cmpi ne, %convert_element_type3A_7, %cond3A_8 : i32
    scf.if %cond3A_9 {
      "tpu.region"() ({
        %run_scoped3A = tpu.sem_alloc : memref<!tpu.dma_semaphore, #tpu.memory_space<semaphore_mem>>
        %dma_start3A = arith.constant 9600 : i32
        %dma_start3A_27 = arith.constant 0 : i32
        %dma_start3A_28 = tpu.memref_slice %arg11[%dma_start3A, %dma_start3A_27] : memref<10240x128xf32, #tpu.memory_space<vmem_shared>> -> memref<400x128xf32, #tpu.memory_space<vmem_shared>>
        %dma_start3A_29 = arith.constant 0 : i32
        %dma_start3A_30 = arith.constant 0 : i32
        %dma_start3A_31 = tpu.memref_slice %arg5[%dma_start3A_29, %dma_start3A_30] : memref<640x128xf32, #tpu.memory_space<hbm>> -> memref<400x128xf32, #tpu.memory_space<hbm>>
        tpu.enqueue_dma source(%dma_start3A_31 : memref<400x128xf32, #tpu.memory_space<hbm>>) target(%dma_start3A_28 : memref<400x128xf32, #tpu.memory_space<vmem_shared>>) target_semaphore(%run_scoped3A : memref<!tpu.dma_semaphore, #tpu.memory_space<semaphore_mem>>)
        %dma_wait3A = arith.constant 9600 : i32
        %dma_wait3A_32 = arith.constant 0 : i32
        %dma_wait3A_33 = tpu.memref_slice %arg11[%dma_wait3A, %dma_wait3A_32] : memref<10240x128xf32, #tpu.memory_space<vmem_shared>> -> memref<400x128xf32, #tpu.memory_space<vmem_shared>>
        %dma_wait3A_34 = arith.constant 0 : i32
        %dma_wait3A_35 = arith.constant 0 : i32
        %dma_wait3A_36 = tpu.memref_slice %arg5[%dma_wait3A_34, %dma_wait3A_35] : memref<640x128xf32, #tpu.memory_space<hbm>> -> memref<400x128xf32, #tpu.memory_space<hbm>>
        tpu.wait_dma2 semaphore(%run_scoped3A : memref<!tpu.dma_semaphore, #tpu.memory_space<semaphore_mem>>) src(%dma_wait3A_36 : memref<400x128xf32, #tpu.memory_space<hbm>>) dst(%dma_wait3A_33 : memref<400x128xf32, #tpu.memory_space<vmem_shared>>)
        tpu.yield
      }) : () -> ()
    } else {
    }
    %barrier3A = arith.constant 0 : index
    tpu.barrier barrier_id(%barrier3A)
    %scan3A = arith.constant 0 : i32
    %scan3A_10 = arith.constant 0 : i32
    %scan3A_11 = arith.constant 125 : i32
    %scan3A_12 = arith.addi %scan3A_10, %scan3A_11 : i32
    %scan3A_13 = arith.constant 1 : i32
    scf.for %scan3A_27 = %scan3A_10 to %scan3A_12 step %scan3A_13  : i32 {
      %get3A = arith.index_cast %scan3A_27 : i32 to index
      %get3A_28 = arith.constant 0 : index
      %get3A_29 = tpu.vector_load %arg7[%get3A, %get3A_28] {strides = array<i32>} : memref<125x80xi32, #tpu.memory_space<vmem>>, vector<1x16xi32>,
      %get3A_30 = vector.shape_cast %get3A_29 : vector<1x16xi32> to vector<16xi32>
      %mul3A_31 = arith.constant 2 : i32
      %mul3A_32 = vector.broadcast %mul3A_31 : i32 to vector<16xi32>
      %mul3A_33 = arith.muli %get3A_30, %mul3A_32 : vector<16xi32>
      %add3A_34 = vector.broadcast %add3A_3 : i32 to vector<16xi32>
      %add3A_35 = arith.addi %mul3A_33, %add3A_34 : vector<16xi32>
      %swap3A = arith.constant 0 : index
      %swap3A_36 = tpu.vector_load %arg9[%swap3A] {strides = array<i32>} : memref<80xi32, #tpu.memory_space<vmem>>, vector<16xi32>,
      %swap3A_37 = vector.shape_cast %swap3A_36 : vector<16xi32> to vector<16xi32>
      %swap3A_38 = vector.shape_cast %add3A_35 : vector<16xi32> to vector<16xi32>
      tpu.vector_store %arg9[%swap3A], %swap3A_38 {strides = array<i32>} : memref<80xi32, #tpu.memory_space<vmem>>, vector<16xi32>,
      %get3A_39 = arith.index_cast %scan3A_27 : i32 to index
      %get3A_40 = arith.constant 16 : index
      %get3A_41 = tpu.vector_load %arg7[%get3A_39, %get3A_40] {strides = array<i32>} : memref<125x80xi32, #tpu.memory_space<vmem>>, vector<1x16xi32>,
      %get3A_42 = vector.shape_cast %get3A_41 : vector<1x16xi32> to vector<16xi32>
      %mul3A_43 = arith.constant 2 : i32
      %mul3A_44 = vector.broadcast %mul3A_43 : i32 to vector<16xi32>
      %mul3A_45 = arith.muli %get3A_42, %mul3A_44 : vector<16xi32>
      %add3A_46 = vector.broadcast %add3A_3 : i32 to vector<16xi32>
      %add3A_47 = arith.addi %mul3A_45, %add3A_46 : vector<16xi32>
      %swap3A_48 = arith.constant 16 : index
      %swap3A_49 = tpu.vector_load %arg9[%swap3A_48] {strides = array<i32>} : memref<80xi32, #tpu.memory_space<vmem>>, vector<16xi32>,
      %swap3A_50 = vector.shape_cast %swap3A_49 : vector<16xi32> to vector<16xi32>
      %swap3A_51 = vector.shape_cast %add3A_47 : vector<16xi32> to vector<16xi32>
      tpu.vector_store %arg9[%swap3A_48], %swap3A_51 {strides = array<i32>} : memref<80xi32, #tpu.memory_space<vmem>>, vector<16xi32>,
      %get3A_52 = arith.index_cast %scan3A_27 : i32 to index
      %get3A_53 = arith.constant 32 : index
      %get3A_54 = tpu.vector_load %arg7[%get3A_52, %get3A_53] {strides = array<i32>} : memref<125x80xi32, #tpu.memory_space<vmem>>, vector<1x16xi32>,
      %get3A_55 = vector.shape_cast %get3A_54 : vector<1x16xi32> to vector<16xi32>
      %mul3A_56 = arith.constant 2 : i32
      %mul3A_57 = vector.broadcast %mul3A_56 : i32 to vector<16xi32>
      %mul3A_58 = arith.muli %get3A_55, %mul3A_57 : vector<16xi32>
      %add3A_59 = vector.broadcast %add3A_3 : i32 to vector<16xi32>
      %add3A_60 = arith.addi %mul3A_58, %add3A_59 : vector<16xi32>
      %swap3A_61 = arith.constant 32 : index
      %swap3A_62 = tpu.vector_load %arg9[%swap3A_61] {strides = array<i32>} : memref<80xi32, #tpu.memory_space<vmem>>, vector<16xi32>,
      %swap3A_63 = vector.shape_cast %swap3A_62 : vector<16xi32> to vector<16xi32>
      %swap3A_64 = vector.shape_cast %add3A_60 : vector<16xi32> to vector<16xi32>
      tpu.vector_store %arg9[%swap3A_61], %swap3A_64 {strides = array<i32>} : memref<80xi32, #tpu.memory_space<vmem>>, vector<16xi32>,
      %get3A_65 = arith.index_cast %scan3A_27 : i32 to index
      %get3A_66 = arith.constant 48 : index
      %get3A_67 = tpu.vector_load %arg7[%get3A_65, %get3A_66] {strides = array<i32>} : memref<125x80xi32, #tpu.memory_space<vmem>>, vector<1x16xi32>,
      %get3A_68 = vector.shape_cast %get3A_67 : vector<1x16xi32> to vector<16xi32>
      %mul3A_69 = arith.constant 2 : i32
      %mul3A_70 = vector.broadcast %mul3A_69 : i32 to vector<16xi32>
      %mul3A_71 = arith.muli %get3A_68, %mul3A_70 : vector<16xi32>
      %add3A_72 = vector.broadcast %add3A_3 : i32 to vector<16xi32>
      %add3A_73 = arith.addi %mul3A_71, %add3A_72 : vector<16xi32>
      %swap3A_74 = arith.constant 48 : index
      %swap3A_75 = tpu.vector_load %arg9[%swap3A_74] {strides = array<i32>} : memref<80xi32, #tpu.memory_space<vmem>>, vector<16xi32>,
      %swap3A_76 = vector.shape_cast %swap3A_75 : vector<16xi32> to vector<16xi32>
      %swap3A_77 = vector.shape_cast %add3A_73 : vector<16xi32> to vector<16xi32>
      tpu.vector_store %arg9[%swap3A_74], %swap3A_77 {strides = array<i32>} : memref<80xi32, #tpu.memory_space<vmem>>, vector<16xi32>,
      %get3A_78 = arith.index_cast %scan3A_27 : i32 to index
      %get3A_79 = arith.constant 64 : index
      %get3A_80 = tpu.vector_load %arg7[%get3A_78, %get3A_79] {strides = array<i32>} : memref<125x80xi32, #tpu.memory_space<vmem>>, vector<1x16xi32>,
      %get3A_81 = vector.shape_cast %get3A_80 : vector<1x16xi32> to vector<16xi32>
      %mul3A_82 = arith.constant 2 : i32
      %mul3A_83 = vector.broadcast %mul3A_82 : i32 to vector<16xi32>
      %mul3A_84 = arith.muli %get3A_81, %mul3A_83 : vector<16xi32>
      %add3A_85 = vector.broadcast %add3A_3 : i32 to vector<16xi32>
      %add3A_86 = arith.addi %mul3A_84, %add3A_85 : vector<16xi32>
      %swap3A_87 = arith.constant 64 : index
      %swap3A_88 = tpu.vector_load %arg9[%swap3A_87] {strides = array<i32>} : memref<80xi32, #tpu.memory_space<vmem>>, vector<16xi32>,
      %swap3A_89 = vector.shape_cast %swap3A_88 : vector<16xi32> to vector<16xi32>
      %swap3A_90 = vector.shape_cast %add3A_86 : vector<16xi32> to vector<16xi32>
      tpu.vector_store %arg9[%swap3A_87], %swap3A_90 {strides = array<i32>} : memref<80xi32, #tpu.memory_space<vmem>>, vector<16xi32>,
      %dma_start3A = arith.constant 0 : i32
      %dma_start3A_91 = arith.constant 0 : i32
      %dma_start3A_92 = tpu.memref_slice %arg2[%dma_start3A, %dma_start3A_91] : memref<20000x128xf32, #tpu.memory_space<hbm>> -> memref<20000x128xf32, #tpu.memory_space<hbm>>
      tpu.enqueue_indirect_dma source(%dma_start3A_92 : memref<20000x128xf32, #tpu.memory_space<hbm>>) target(%arg10 : memref<80x128xf32, #tpu.memory_space<vmem>>) offsets(%arg9 : memref<80xi32, #tpu.memory_space<vmem>>) semaphore(%arg12 : memref<!tpu.dma_semaphore, #tpu.memory_space<semaphore_mem>>)
      %dma_wait3A = arith.constant 0 : i32
      %dma_wait3A_93 = arith.constant 0 : i32
      %dma_wait3A_94 = tpu.memref_slice %arg2[%dma_wait3A, %dma_wait3A_93] : memref<20000x128xf32, #tpu.memory_space<hbm>> -> memref<20000x128xf32, #tpu.memory_space<hbm>>
      tpu.wait_indirect_dma semaphore(%arg12 : memref<!tpu.dma_semaphore, #tpu.memory_space<semaphore_mem>>) src(%dma_wait3A_94 : memref<20000x128xf32, #tpu.memory_space<hbm>>) dst(%arg10 : memref<80x128xf32, #tpu.memory_space<vmem>>)
      "tpu.region"() ({
        %run_scoped3A = tpu.sem_alloc : memref<!tpu.dma_semaphore, #tpu.memory_space<semaphore_mem>>
        %dma_start3A_95 = arith.constant 0 : i32
        %dma_start3A_96 = tpu.memref_slice %arg8[%scan3A_27, %dma_start3A_95] : memref<125x80xi32, #tpu.memory_space<vmem>> -> memref<1x80xi32, #tpu.memory_space<vmem>>
        %dma_start3A_97 = tpu.memref_squeeze %dma_start3A_96 : memref<1x80xi32, #tpu.memory_space<vmem>> -> memref<80xi32, #tpu.memory_space<vmem>>
        %dma_start3A_98 = arith.constant 0 : i32
        %dma_start3A_99 = arith.constant 0 : i32
        %dma_start3A_100 = tpu.memref_slice %arg11[%dma_start3A_98, %dma_start3A_99] : memref<10240x128xf32, #tpu.memory_space<vmem_shared>> -> memref<10240x128xf32, #tpu.memory_space<vmem_shared>>
        tpu.enqueue_indirect_dma source(%arg10 : memref<80x128xf32, #tpu.memory_space<vmem>>) target(%dma_start3A_100 : memref<10240x128xf32, #tpu.memory_space<vmem_shared>>) offsets(%dma_start3A_97 : memref<80xi32, #tpu.memory_space<vmem>>) semaphore(%run_scoped3A : memref<!tpu.dma_semaphore, #tpu.memory_space<semaphore_mem>>) {add = true}
        %dma_wait3A_101 = arith.constant 0 : i32
        %dma_wait3A_102 = tpu.memref_slice %arg8[%scan3A_27, %dma_wait3A_101] : memref<125x80xi32, #tpu.memory_space<vmem>> -> memref<1x80xi32, #tpu.memory_space<vmem>>
        %dma_wait3A_103 = tpu.memref_squeeze %dma_wait3A_102 : memref<1x80xi32, #tpu.memory_space<vmem>> -> memref<80xi32, #tpu.memory_space<vmem>>
        %dma_wait3A_104 = arith.constant 0 : i32
        %dma_wait3A_105 = arith.constant 0 : i32
        %dma_wait3A_106 = tpu.memref_slice %arg11[%dma_wait3A_104, %dma_wait3A_105] : memref<10240x128xf32, #tpu.memory_space<vmem_shared>> -> memref<10240x128xf32, #tpu.memory_space<vmem_shared>>
        tpu.wait_indirect_dma semaphore(%run_scoped3A : memref<!tpu.dma_semaphore, #tpu.memory_space<semaphore_mem>>) src(%arg10 : memref<80x128xf32, #tpu.memory_space<vmem>>) dst(%dma_wait3A_106 : memref<10240x128xf32, #tpu.memory_space<vmem_shared>>)
        tpu.yield
      }) : () -> ()
    }
    %scan3A_14 = arith.constant 125 : i32
    %barrier3A_15 = arith.constant 0 : index
    tpu.barrier barrier_id(%barrier3A_15)
    %lt3A_16 = arith.constant 15 : i32
    %lt3A_17 = arith.cmpi slt, %arg1, %lt3A_16 : i32
    %convert_element_type3A_18 = arith.extui %lt3A_17 : i1 to i32
    %cond3A_19 = arith.constant 0 : i32
    %cond3A_20 = arith.cmpi ne, %convert_element_type3A_18, %cond3A_19 : i32
    scf.if %cond3A_20 {
      "tpu.region"() ({
        %run_scoped3A = tpu.sem_alloc : memref<!tpu.dma_semaphore, #tpu.memory_space<semaphore_mem>>
        %dma_start3A = arith.constant 0 : i32
        %dma_start3A_27 = arith.constant 0 : i32
        %dma_start3A_28 = tpu.memref_slice %arg6[%add3A_3, %dma_start3A, %dma_start3A_27] : memref<2x10000x128xf32, #tpu.memory_space<hbm>> -> memref<1x10000x128xf32, #tpu.memory_space<hbm>>
        %dma_start3A_29 = tpu.memref_squeeze %dma_start3A_28 : memref<1x10000x128xf32, #tpu.memory_space<hbm>> -> memref<10000x128xf32, #tpu.memory_space<hbm>>
        %dma_start3A_30 = arith.constant 0 : i32
        %dma_start3A_31 = tpu.memref_slice %dma_start3A_29[%mul3A_0, %dma_start3A_30] : memref<10000x128xf32, #tpu.memory_space<hbm>> -> memref<640x128xf32, #tpu.memory_space<hbm>>
        %dma_start3A_32 = arith.constant 0 : i32
        %dma_start3A_33 = tpu.memref_slice %arg11[%mul3A_0, %dma_start3A_32] : memref<10240x128xf32, #tpu.memory_space<vmem_shared>> -> memref<640x128xf32, #tpu.memory_space<vmem_shared>>
        tpu.enqueue_dma source(%dma_start3A_33 : memref<640x128xf32, #tpu.memory_space<vmem_shared>>) target(%dma_start3A_31 : memref<640x128xf32, #tpu.memory_space<hbm>>) target_semaphore(%run_scoped3A : memref<!tpu.dma_semaphore, #tpu.memory_space<semaphore_mem>>)
        %dma_wait3A = arith.constant 0 : i32
        %dma_wait3A_34 = arith.constant 0 : i32
        %dma_wait3A_35 = tpu.memref_slice %arg6[%add3A_3, %dma_wait3A, %dma_wait3A_34] : memref<2x10000x128xf32, #tpu.memory_space<hbm>> -> memref<1x10000x128xf32, #tpu.memory_space<hbm>>
        %dma_wait3A_36 = tpu.memref_squeeze %dma_wait3A_35 : memref<1x10000x128xf32, #tpu.memory_space<hbm>> -> memref<10000x128xf32, #tpu.memory_space<hbm>>
        %dma_wait3A_37 = arith.constant 0 : i32
        %dma_wait3A_38 = tpu.memref_slice %dma_wait3A_36[%mul3A_0, %dma_wait3A_37] : memref<10000x128xf32, #tpu.memory_space<hbm>> -> memref<640x128xf32, #tpu.memory_space<hbm>>
        %dma_wait3A_39 = arith.constant 0 : i32
        %dma_wait3A_40 = tpu.memref_slice %arg11[%mul3A_0, %dma_wait3A_39] : memref<10240x128xf32, #tpu.memory_space<vmem_shared>> -> memref<640x128xf32, #tpu.memory_space<vmem_shared>>
        tpu.wait_dma2 semaphore(%run_scoped3A : memref<!tpu.dma_semaphore, #tpu.memory_space<semaphore_mem>>) src(%dma_wait3A_40 : memref<640x128xf32, #tpu.memory_space<vmem_shared>>) dst(%dma_wait3A_38 : memref<640x128xf32, #tpu.memory_space<hbm>>)
        tpu.yield
      }) : () -> ()
    } else {
    }
    %eq3A_21 = arith.constant 15 : i32
    %eq3A_22 = arith.cmpi eq, %arg1, %eq3A_21 : i32
    %convert_element_type3A_23 = arith.extui %eq3A_22 : i1 to i32
    %cond3A_24 = arith.constant 0 : i32
    %cond3A_25 = arith.cmpi ne, %convert_element_type3A_23, %cond3A_24 : i32
    scf.if %cond3A_25 {
      "tpu.region"() ({
        %run_scoped3A = tpu.sem_alloc : memref<!tpu.dma_semaphore, #tpu.memory_space<semaphore_mem>>
        %dma_start3A = arith.constant 0 : i32
        %dma_start3A_27 = arith.constant 0 : i32
        %dma_start3A_28 = tpu.memref_slice %arg6[%add3A_3, %dma_start3A, %dma_start3A_27] : memref<2x10000x128xf32, #tpu.memory_space<hbm>> -> memref<1x10000x128xf32, #tpu.memory_space<hbm>>
        %dma_start3A_29 = tpu.memref_squeeze %dma_start3A_28 : memref<1x10000x128xf32, #tpu.memory_space<hbm>> -> memref<10000x128xf32, #tpu.memory_space<hbm>>
        %dma_start3A_30 = arith.constant 9600 : i32
        %dma_start3A_31 = arith.constant 0 : i32
        %dma_start3A_32 = tpu.memref_slice %dma_start3A_29[%dma_start3A_30, %dma_start3A_31] : memref<10000x128xf32, #tpu.memory_space<hbm>> -> memref<400x128xf32, #tpu.memory_space<hbm>>
        %dma_start3A_33 = arith.constant 9600 : i32
        %dma_start3A_34 = arith.constant 0 : i32
        %dma_start3A_35 = tpu.memref_slice %arg11[%dma_start3A_33, %dma_start3A_34] : memref<10240x128xf32, #tpu.memory_space<vmem_shared>> -> memref<400x128xf32, #tpu.memory_space<vmem_shared>>
        tpu.enqueue_dma source(%dma_start3A_35 : memref<400x128xf32, #tpu.memory_space<vmem_shared>>) target(%dma_start3A_32 : memref<400x128xf32, #tpu.memory_space<hbm>>) target_semaphore(%run_scoped3A : memref<!tpu.dma_semaphore, #tpu.memory_space<semaphore_mem>>)
        %dma_wait3A = arith.constant 0 : i32
        %dma_wait3A_36 = arith.constant 0 : i32
        %dma_wait3A_37 = tpu.memref_slice %arg6[%add3A_3, %dma_wait3A, %dma_wait3A_36] : memref<2x10000x128xf32, #tpu.memory_space<hbm>> -> memref<1x10000x128xf32, #tpu.memory_space<hbm>>
        %dma_wait3A_38 = tpu.memref_squeeze %dma_wait3A_37 : memref<1x10000x128xf32, #tpu.memory_space<hbm>> -> memref<10000x128xf32, #tpu.memory_space<hbm>>
        %dma_wait3A_39 = arith.constant 9600 : i32
        %dma_wait3A_40 = arith.constant 0 : i32
        %dma_wait3A_41 = tpu.memref_slice %dma_wait3A_38[%dma_wait3A_39, %dma_wait3A_40] : memref<10000x128xf32, #tpu.memory_space<hbm>> -> memref<400x128xf32, #tpu.memory_space<hbm>>
        %dma_wait3A_42 = arith.constant 9600 : i32
        %dma_wait3A_43 = arith.constant 0 : i32
        %dma_wait3A_44 = tpu.memref_slice %arg11[%dma_wait3A_42, %dma_wait3A_43] : memref<10240x128xf32, #tpu.memory_space<vmem_shared>> -> memref<400x128xf32, #tpu.memory_space<vmem_shared>>
        tpu.wait_dma2 semaphore(%run_scoped3A : memref<!tpu.dma_semaphore, #tpu.memory_space<semaphore_mem>>) src(%dma_wait3A_44 : memref<400x128xf32, #tpu.memory_space<vmem_shared>>) dst(%dma_wait3A_41 : memref<400x128xf32, #tpu.memory_space<hbm>>)
        tpu.yield
      }) : () -> ()
    } else {
    }
    %barrier3A_26 = arith.constant 0 : index
    tpu.barrier barrier_id(%barrier3A_26)
    return
  }
}

module attributes {stable_mosaic.version = 14 : i64} {
  func.func @_mlp_a2_body(%arg0: i32, %arg1: memref<2000x256xf32, #tpu.memory_space<vmem>>, %arg2: memref<2x2000x128xf32, #tpu.memory_space<vmem>>, %arg3: memref<256x512xf32, #tpu.memory_space<vmem>>, %arg4: memref<1x512xf32, #tpu.memory_space<vmem>>, %arg5: memref<2000x512xf32, #tpu.memory_space<vmem>>, %arg6: memref<1x512xf32, #tpu.memory_space<vmem>>, %arg7: memref<1x512xf32, #tpu.memory_space<vmem>>) attributes {dimension_semantics = [#tpu.dimension_semantics<arbitrary>], iteration_bounds = array<i64: 5>, scalar_prefetch = 0 : i64, scratch_operands = 0 : i64, tpu.core_type = #tpu.core_type<tc>, window_params = [{transform_indices = @transform_0, window_bounds = array<i64: 2000, 256>}, {transform_indices = @transform_1, window_bounds = array<i64: 2, 2000, 128>}, {pipeline_mode = #tpu.pipeline_mode<synchronous>, transform_indices = @transform_2, window_bounds = array<i64: 256, 512>}, {pipeline_mode = #tpu.pipeline_mode<synchronous>, transform_indices = @transform_3, window_bounds = array<i64: 1, 512>}, {transform_indices = @transform_4, window_bounds = array<i64: 2000, 512>}, {pipeline_mode = #tpu.pipeline_mode<synchronous>, transform_indices = @transform_5, window_bounds = array<i64: 1, 512>}, {pipeline_mode = #tpu.pipeline_mode<synchronous>, transform_indices = @transform_6, window_bounds = array<i64: 1, 512>}]} {
    %get3A = arith.constant 0 : index
    %get3A_0 = arith.constant 0 : index
    %get3A_1 = arith.constant 0 : index
    %get3A_2 = vector.load %arg2[%get3A, %get3A_0, %get3A_1] : memref<2x2000x128xf32, #tpu.memory_space<vmem>>, vector<1x2000x128xf32>
    %get3A_3 = vector.shape_cast %get3A_2 : vector<1x2000x128xf32> to vector<2000x128xf32>
    %get3A_4 = arith.constant 1 : index
    %get3A_5 = arith.constant 0 : index
    %get3A_6 = arith.constant 0 : index
    %get3A_7 = vector.load %arg2[%get3A_4, %get3A_5, %get3A_6] : memref<2x2000x128xf32, #tpu.memory_space<vmem>>, vector<1x2000x128xf32>
    %get3A_8 = vector.shape_cast %get3A_7 : vector<1x2000x128xf32> to vector<2000x128xf32>
    %concatenate3A = tpu.concatenate %get3A_3, %get3A_8 in 1 : vector<2000x128xf32>, vector<2000x128xf32> -> vector<2000x256xf32>
    %get3A_9 = arith.constant 0 : index
    %get3A_10 = arith.constant 0 : index
    %get3A_11 = vector.load %arg1[%get3A_9, %get3A_10] : memref<2000x256xf32, #tpu.memory_space<vmem>>, vector<2000x256xf32>
    %add3A = arith.addf %get3A_11, %concatenate3A : vector<2000x256xf32>
    %get3A_12 = arith.constant 0 : index
    %get3A_13 = arith.constant 0 : index
    %get3A_14 = vector.load %arg3[%get3A_12, %get3A_13] : memref<256x512xf32, #tpu.memory_space<vmem>>, vector<256x512xf32>
    %dot_general3A = arith.constant dense<0.000000e+00> : vector<2000x512xf32>
    %dot_general3A_15 = tpu.matmul %add3A, %get3A_14, %dot_general3A {dimension_numbers = #tpu.dot_dimension_numbers<[1], [0], [0], [1], [0, 0, 1, 1], [], []>, transpose_lhs_hint = false} : vector<2000x256xf32>, vector<256x512xf32>, vector<2000x512xf32> -> vector<2000x512xf32>
    %get3A_16 = arith.constant 0 : index
    %get3A_17 = arith.constant 0 : index
    %get3A_18 = vector.load %arg4[%get3A_16, %get3A_17] : memref<1x512xf32, #tpu.memory_space<vmem>>, vector<1x512xf32>
    %add3A_19 = vector.broadcast %get3A_18 : vector<1x512xf32> to vector<2000x512xf32>
    %add3A_20 = arith.addf %dot_general3A_15, %add3A_19 : vector<2000x512xf32>
    %swap3A = arith.constant 0 : index
    %swap3A_21 = arith.constant 0 : index
    %swap3A_22 = vector.load %arg5[%swap3A, %swap3A_21] : memref<2000x512xf32, #tpu.memory_space<vmem>>, vector<2000x512xf32>
    tpu.vector_store %arg5[%swap3A, %swap3A_21], %add3A_20 {strides = array<i32>} : memref<2000x512xf32, #tpu.memory_space<vmem>>, vector<2000x512xf32>,
    %eq3A = arith.constant 0 : i32
    %eq3A_23 = arith.cmpi eq, %arg0, %eq3A : i32
    %convert_element_type3A = arith.extui %eq3A_23 : i1 to i32
    %cond3A = arith.constant 0 : i32
    %cond3A_24 = arith.cmpi ne, %convert_element_type3A, %cond3A : i32
    scf.if %cond3A_24 {
      %broadcast_in_dim3A_43 = arith.constant 0.000000e+00 : f32
      %broadcast_in_dim3A_44 = vector.broadcast %broadcast_in_dim3A_43 : f32 to vector<1x512xf32>
      %swap3A_45 = arith.constant 0 : index
      %swap3A_46 = arith.constant 0 : index
      %swap3A_47 = vector.load %arg6[%swap3A_45, %swap3A_46] : memref<1x512xf32, #tpu.memory_space<vmem>>, vector<1x512xf32>
      tpu.vector_store %arg6[%swap3A_45, %swap3A_46], %broadcast_in_dim3A_44 {strides = array<i32>} : memref<1x512xf32, #tpu.memory_space<vmem>>, vector<1x512xf32>,
      %broadcast_in_dim3A_48 = arith.constant 0.000000e+00 : f32
      %broadcast_in_dim3A_49 = vector.broadcast %broadcast_in_dim3A_48 : f32 to vector<1x512xf32>
      %swap3A_50 = arith.constant 0 : index
      %swap3A_51 = arith.constant 0 : index
      %swap3A_52 = vector.load %arg7[%swap3A_50, %swap3A_51] : memref<1x512xf32, #tpu.memory_space<vmem>>, vector<1x512xf32>
      tpu.vector_store %arg7[%swap3A_50, %swap3A_51], %broadcast_in_dim3A_49 {strides = array<i32>} : memref<1x512xf32, #tpu.memory_space<vmem>>, vector<1x512xf32>,
    } else {
    }
    %get3A_25 = arith.constant 0 : index
    %get3A_26 = arith.constant 0 : index
    %get3A_27 = vector.load %arg6[%get3A_25, %get3A_26] : memref<1x512xf32, #tpu.memory_space<vmem>>, vector<1x512xf32>
    %reduce_sum3A = arith.constant dense<0.000000e+00> : vector<512xf32>
    %reduce_sum3A_28 = vector.multi_reduction <add>, %add3A_20, %reduce_sum3A [0] : vector<2000x512xf32> to vector<512xf32>
    %broadcast_in_dim3A = vector.shape_cast %reduce_sum3A_28 : vector<512xf32> to vector<1x512xf32>
    %add3A_29 = arith.addf %get3A_27, %broadcast_in_dim3A : vector<1x512xf32>
    %swap3A_30 = arith.constant 0 : index
    %swap3A_31 = arith.constant 0 : index
    %swap3A_32 = vector.load %arg6[%swap3A_30, %swap3A_31] : memref<1x512xf32, #tpu.memory_space<vmem>>, vector<1x512xf32>
    tpu.vector_store %arg6[%swap3A_30, %swap3A_31], %add3A_29 {strides = array<i32>} : memref<1x512xf32, #tpu.memory_space<vmem>>, vector<1x512xf32>,
    %get3A_33 = arith.constant 0 : index
    %get3A_34 = arith.constant 0 : index
    %get3A_35 = vector.load %arg7[%get3A_33, %get3A_34] : memref<1x512xf32, #tpu.memory_space<vmem>>, vector<1x512xf32>
    %mul3A = arith.mulf %add3A_20, %add3A_20 : vector<2000x512xf32>
    %reduce_sum3A_36 = arith.constant dense<0.000000e+00> : vector<512xf32>
    %reduce_sum3A_37 = vector.multi_reduction <add>, %mul3A, %reduce_sum3A_36 [0] : vector<2000x512xf32> to vector<512xf32>
    %broadcast_in_dim3A_38 = vector.shape_cast %reduce_sum3A_37 : vector<512xf32> to vector<1x512xf32>
    %add3A_39 = arith.addf %get3A_35, %broadcast_in_dim3A_38 : vector<1x512xf32>
    %swap3A_40 = arith.constant 0 : index
    %swap3A_41 = arith.constant 0 : index
    %swap3A_42 = vector.load %arg7[%swap3A_40, %swap3A_41] : memref<1x512xf32, #tpu.memory_space<vmem>>, vector<1x512xf32>
    tpu.vector_store %arg7[%swap3A_40, %swap3A_41], %add3A_39 {strides = array<i32>} : memref<1x512xf32, #tpu.memory_space<vmem>>, vector<1x512xf32>,
    return
  }
  func.func @transform_0(%arg0: i32) -> (i32, i32) {
    %c0_i32 = arith.constant 0 : i32
    %c0_i32_0 = arith.constant 0 : i32
    return %arg0, %c0_i32 : i32, i32
  }
  func.func @transform_1(%arg0: i32) -> (i32, i32, i32) {
    %c0_i32 = arith.constant 0 : i32
    %c0_i32_0 = arith.constant 0 : i32
    %c0_i32_1 = arith.constant 0 : i32
    return %c0_i32, %arg0, %c0_i32_0 : i32, i32, i32
  }
  func.func @transform_2(%arg0: i32) -> (i32, i32) {
    %c0_i32 = arith.constant 0 : i32
    %c0_i32_0 = arith.constant 0 : i32
    %c0_i32_1 = arith.constant 0 : i32
    return %c0_i32, %c0_i32_0 : i32, i32
  }
  func.func @transform_3(%arg0: i32) -> (i32, i32) {
    %c0_i32 = arith.constant 0 : i32
    %c0_i32_0 = arith.constant 0 : i32
    %c0_i32_1 = arith.constant 0 : i32
    return %c0_i32, %c0_i32_0 : i32, i32
  }
  func.func @transform_4(%arg0: i32) -> (i32, i32) {
    %c0_i32 = arith.constant 0 : i32
    %c0_i32_0 = arith.constant 0 : i32
    return %arg0, %c0_i32 : i32, i32
  }
  func.func @transform_5(%arg0: i32) -> (i32, i32) {
    %c0_i32 = arith.constant 0 : i32
    %c0_i32_0 = arith.constant 0 : i32
    %c0_i32_1 = arith.constant 0 : i32
    return %c0_i32, %c0_i32_0 : i32, i32
  }
  func.func @transform_6(%arg0: i32) -> (i32, i32) {
    %c0_i32 = arith.constant 0 : i32
    %c0_i32_0 = arith.constant 0 : i32
    %c0_i32_1 = arith.constant 0 : i32
    return %c0_i32, %c0_i32_0 : i32, i32
  }
}

module attributes {stable_mosaic.version = 14 : i64} {
  func.func @_mlp_b_body(%arg0: i32, %arg1: memref<2000x512xf32, #tpu.memory_space<vmem>>, %arg2: memref<1x512xf32, #tpu.memory_space<vmem>>, %arg3: memref<1x512xf32, #tpu.memory_space<vmem>>, %arg4: memref<1x512xf32, #tpu.memory_space<vmem>>, %arg5: memref<1x512xf32, #tpu.memory_space<vmem>>, %arg6: memref<512x512xf32, #tpu.memory_space<vmem>>, %arg7: memref<1x512xf32, #tpu.memory_space<vmem>>, %arg8: memref<2000x512xf32, #tpu.memory_space<vmem>>) attributes {dimension_semantics = [#tpu.dimension_semantics<arbitrary>], iteration_bounds = array<i64: 5>, scalar_prefetch = 0 : i64, scratch_operands = 0 : i64, tpu.core_type = #tpu.core_type<tc>, window_params = [{transform_indices = @transform_0, window_bounds = array<i64: 2000, 512>}, {pipeline_mode = #tpu.pipeline_mode<synchronous>, transform_indices = @transform_1, window_bounds = array<i64: 1, 512>}, {pipeline_mode = #tpu.pipeline_mode<synchronous>, transform_indices = @transform_2, window_bounds = array<i64: 1, 512>}, {pipeline_mode = #tpu.pipeline_mode<synchronous>, transform_indices = @transform_3, window_bounds = array<i64: 1, 512>}, {pipeline_mode = #tpu.pipeline_mode<synchronous>, transform_indices = @transform_4, window_bounds = array<i64: 1, 512>}, {pipeline_mode = #tpu.pipeline_mode<synchronous>, transform_indices = @transform_5, window_bounds = array<i64: 512, 512>}, {pipeline_mode = #tpu.pipeline_mode<synchronous>, transform_indices = @transform_6, window_bounds = array<i64: 1, 512>}, {transform_indices = @transform_7, window_bounds = array<i64: 2000, 512>}]} {
    %get3A = arith.constant 0 : index
    %get3A_0 = arith.constant 0 : index
    %get3A_1 = vector.load %arg2[%get3A, %get3A_0] : memref<1x512xf32, #tpu.memory_space<vmem>>, vector<1x512xf32>
    %div3A = arith.constant 1.000000e+04 : f32
    %div3A_2 = vector.broadcast %div3A : f32 to vector<1x512xf32>
    %div3A_3 = arith.divf %get3A_1, %div3A_2 : vector<1x512xf32>
    %get3A_4 = arith.constant 0 : index
    %get3A_5 = arith.constant 0 : index
    %get3A_6 = vector.load %arg3[%get3A_4, %get3A_5] : memref<1x512xf32, #tpu.memory_space<vmem>>, vector<1x512xf32>
    %div3A_7 = arith.constant 1.000000e+04 : f32
    %div3A_8 = vector.broadcast %div3A_7 : f32 to vector<1x512xf32>
    %div3A_9 = arith.divf %get3A_6, %div3A_8 : vector<1x512xf32>
    %mul3A = arith.mulf %div3A_3, %div3A_3 : vector<1x512xf32>
    %sub3A = arith.subf %div3A_9, %mul3A : vector<1x512xf32>
    %get3A_10 = arith.constant 0 : index
    %get3A_11 = arith.constant 0 : index
    %get3A_12 = vector.load %arg1[%get3A_10, %get3A_11] : memref<2000x512xf32, #tpu.memory_space<vmem>>, vector<2000x512xf32>
    %sub3A_13 = vector.broadcast %div3A_3 : vector<1x512xf32> to vector<2000x512xf32>
    %sub3A_14 = arith.subf %get3A_12, %sub3A_13 : vector<2000x512xf32>
    %add3A = arith.constant 9.99999974E-6 : f32
    %add3A_15 = vector.broadcast %add3A : f32 to vector<1x512xf32>
    %add3A_16 = arith.addf %sub3A, %add3A_15 : vector<1x512xf32>
    %rsqrt3A = math.rsqrt %add3A_16 : vector<1x512xf32>
    %mul3A_17 = vector.broadcast %rsqrt3A : vector<1x512xf32> to vector<2000x512xf32>
    %mul3A_18 = arith.mulf %sub3A_14, %mul3A_17 : vector<2000x512xf32>
    %get3A_19 = arith.constant 0 : index
    %get3A_20 = arith.constant 0 : index
    %get3A_21 = vector.load %arg4[%get3A_19, %get3A_20] : memref<1x512xf32, #tpu.memory_space<vmem>>, vector<1x512xf32>
    %mul3A_22 = vector.broadcast %get3A_21 : vector<1x512xf32> to vector<2000x512xf32>
    %mul3A_23 = arith.mulf %mul3A_18, %mul3A_22 : vector<2000x512xf32>
    %get3A_24 = arith.constant 0 : index
    %get3A_25 = arith.constant 0 : index
    %get3A_26 = vector.load %arg5[%get3A_24, %get3A_25] : memref<1x512xf32, #tpu.memory_space<vmem>>, vector<1x512xf32>
    %add3A_27 = vector.broadcast %get3A_26 : vector<1x512xf32> to vector<2000x512xf32>
    %add3A_28 = arith.addf %mul3A_23, %add3A_27 : vector<2000x512xf32>
    %max3A = arith.constant 0.000000e+00 : f32
    %max3A_29 = vector.broadcast %max3A : f32 to vector<2000x512xf32>
    %max3A_30 = arith.maximumf %add3A_28, %max3A_29 : vector<2000x512xf32>
    %get3A_31 = arith.constant 0 : index
    %get3A_32 = arith.constant 0 : index
    %get3A_33 = vector.load %arg6[%get3A_31, %get3A_32] : memref<512x512xf32, #tpu.memory_space<vmem>>, vector<512x512xf32>
    %dot_general3A = arith.constant dense<0.000000e+00> : vector<2000x512xf32>
    %dot_general3A_34 = tpu.matmul %max3A_30, %get3A_33, %dot_general3A {dimension_numbers = #tpu.dot_dimension_numbers<[1], [0], [0], [1], [0, 0, 1, 1], [], []>, transpose_lhs_hint = false} : vector<2000x512xf32>, vector<512x512xf32>, vector<2000x512xf32> -> vector<2000x512xf32>
    %get3A_35 = arith.constant 0 : index
    %get3A_36 = arith.constant 0 : index
    %get3A_37 = vector.load %arg7[%get3A_35, %get3A_36] : memref<1x512xf32, #tpu.memory_space<vmem>>, vector<1x512xf32>
    %add3A_38 = vector.broadcast %get3A_37 : vector<1x512xf32> to vector<2000x512xf32>
    %add3A_39 = arith.addf %dot_general3A_34, %add3A_38 : vector<2000x512xf32>
    %max3A_40 = arith.constant 0.000000e+00 : f32
    %max3A_41 = vector.broadcast %max3A_40 : f32 to vector<2000x512xf32>
    %max3A_42 = arith.maximumf %add3A_39, %max3A_41 : vector<2000x512xf32>
    %swap3A = arith.constant 0 : index
    %swap3A_43 = arith.constant 0 : index
    %swap3A_44 = vector.load %arg8[%swap3A, %swap3A_43] : memref<2000x512xf32, #tpu.memory_space<vmem>>, vector<2000x512xf32>
    tpu.vector_store %arg8[%swap3A, %swap3A_43], %max3A_42 {strides = array<i32>} : memref<2000x512xf32, #tpu.memory_space<vmem>>, vector<2000x512xf32>,
    return
  }
  func.func @transform_0(%arg0: i32) -> (i32, i32) {
    %c0_i32 = arith.constant 0 : i32
    %c0_i32_0 = arith.constant 0 : i32
    return %arg0, %c0_i32 : i32, i32
  }
  func.func @transform_1(%arg0: i32) -> (i32, i32) {
    %c0_i32 = arith.constant 0 : i32
    %c0_i32_0 = arith.constant 0 : i32
    %c0_i32_1 = arith.constant 0 : i32
    return %c0_i32, %c0_i32_0 : i32, i32
  }
  func.func @transform_2(%arg0: i32) -> (i32, i32) {
    %c0_i32 = arith.constant 0 : i32
    %c0_i32_0 = arith.constant 0 : i32
    %c0_i32_1 = arith.constant 0 : i32
    return %c0_i32, %c0_i32_0 : i32, i32
  }
  func.func @transform_3(%arg0: i32) -> (i32, i32) {
    %c0_i32 = arith.constant 0 : i32
    %c0_i32_0 = arith.constant 0 : i32
    %c0_i32_1 = arith.constant 0 : i32
    return %c0_i32, %c0_i32_0 : i32, i32
  }
  func.func @transform_4(%arg0: i32) -> (i32, i32) {
    %c0_i32 = arith.constant 0 : i32
    %c0_i32_0 = arith.constant 0 : i32
    %c0_i32_1 = arith.constant 0 : i32
    return %c0_i32, %c0_i32_0 : i32, i32
  }
  func.func @transform_5(%arg0: i32) -> (i32, i32) {
    %c0_i32 = arith.constant 0 : i32
    %c0_i32_0 = arith.constant 0 : i32
    %c0_i32_1 = arith.constant 0 : i32
    return %c0_i32, %c0_i32_0 : i32, i32
  }
  func.func @transform_6(%arg0: i32) -> (i32, i32) {
    %c0_i32 = arith.constant 0 : i32
    %c0_i32_0 = arith.constant 0 : i32
    %c0_i32_1 = arith.constant 0 : i32
    return %c0_i32, %c0_i32_0 : i32, i32
  }
  func.func @transform_7(%arg0: i32) -> (i32, i32) {
    %c0_i32 = arith.constant 0 : i32
    %c0_i32_0 = arith.constant 0 : i32
    return %arg0, %c0_i32 : i32, i32
  }
}

module attributes {stable_mosaic.version = 14 : i64} {
  func.func @_mlp_a4_body(%arg0: i32, %arg1: memref<2000x512xf32, #tpu.memory_space<vmem>>, %arg2: memref<4x2000x128xf32, #tpu.memory_space<vmem>>, %arg3: memref<512x512xf32, #tpu.memory_space<vmem>>, %arg4: memref<1x512xf32, #tpu.memory_space<vmem>>, %arg5: memref<2000x512xf32, #tpu.memory_space<vmem>>, %arg6: memref<1x512xf32, #tpu.memory_space<vmem>>, %arg7: memref<1x512xf32, #tpu.memory_space<vmem>>) attributes {dimension_semantics = [#tpu.dimension_semantics<arbitrary>], iteration_bounds = array<i64: 5>, scalar_prefetch = 0 : i64, scratch_operands = 0 : i64, tpu.core_type = #tpu.core_type<tc>, window_params = [{transform_indices = @transform_0, window_bounds = array<i64: 2000, 512>}, {transform_indices = @transform_1, window_bounds = array<i64: 4, 2000, 128>}, {pipeline_mode = #tpu.pipeline_mode<synchronous>, transform_indices = @transform_2, window_bounds = array<i64: 512, 512>}, {pipeline_mode = #tpu.pipeline_mode<synchronous>, transform_indices = @transform_3, window_bounds = array<i64: 1, 512>}, {transform_indices = @transform_4, window_bounds = array<i64: 2000, 512>}, {pipeline_mode = #tpu.pipeline_mode<synchronous>, transform_indices = @transform_5, window_bounds = array<i64: 1, 512>}, {pipeline_mode = #tpu.pipeline_mode<synchronous>, transform_indices = @transform_6, window_bounds = array<i64: 1, 512>}]} {
    %get3A = arith.constant 0 : index
    %get3A_0 = arith.constant 0 : index
    %get3A_1 = arith.constant 0 : index
    %get3A_2 = vector.load %arg2[%get3A, %get3A_0, %get3A_1] : memref<4x2000x128xf32, #tpu.memory_space<vmem>>, vector<1x2000x128xf32>
    %get3A_3 = vector.shape_cast %get3A_2 : vector<1x2000x128xf32> to vector<2000x128xf32>
    %get3A_4 = arith.constant 1 : index
    %get3A_5 = arith.constant 0 : index
    %get3A_6 = arith.constant 0 : index
    %get3A_7 = vector.load %arg2[%get3A_4, %get3A_5, %get3A_6] : memref<4x2000x128xf32, #tpu.memory_space<vmem>>, vector<1x2000x128xf32>
    %get3A_8 = vector.shape_cast %get3A_7 : vector<1x2000x128xf32> to vector<2000x128xf32>
    %get3A_9 = arith.constant 2 : index
    %get3A_10 = arith.constant 0 : index
    %get3A_11 = arith.constant 0 : index
    %get3A_12 = vector.load %arg2[%get3A_9, %get3A_10, %get3A_11] : memref<4x2000x128xf32, #tpu.memory_space<vmem>>, vector<1x2000x128xf32>
    %get3A_13 = vector.shape_cast %get3A_12 : vector<1x2000x128xf32> to vector<2000x128xf32>
    %get3A_14 = arith.constant 3 : index
    %get3A_15 = arith.constant 0 : index
    %get3A_16 = arith.constant 0 : index
    %get3A_17 = vector.load %arg2[%get3A_14, %get3A_15, %get3A_16] : memref<4x2000x128xf32, #tpu.memory_space<vmem>>, vector<1x2000x128xf32>
    %get3A_18 = vector.shape_cast %get3A_17 : vector<1x2000x128xf32> to vector<2000x128xf32>
    %concatenate3A = tpu.concatenate %get3A_3, %get3A_8, %get3A_13, %get3A_18 in 1 : vector<2000x128xf32>, vector<2000x128xf32>, vector<2000x128xf32>, vector<2000x128xf32> -> vector<2000x512xf32>
    %get3A_19 = arith.constant 0 : index
    %get3A_20 = arith.constant 0 : index
    %get3A_21 = vector.load %arg1[%get3A_19, %get3A_20] : memref<2000x512xf32, #tpu.memory_space<vmem>>, vector<2000x512xf32>
    %add3A = arith.addf %get3A_21, %concatenate3A : vector<2000x512xf32>
    %get3A_22 = arith.constant 0 : index
    %get3A_23 = arith.constant 0 : index
    %get3A_24 = vector.load %arg3[%get3A_22, %get3A_23] : memref<512x512xf32, #tpu.memory_space<vmem>>, vector<512x512xf32>
    %dot_general3A = arith.constant dense<0.000000e+00> : vector<2000x512xf32>
    %dot_general3A_25 = tpu.matmul %add3A, %get3A_24, %dot_general3A {dimension_numbers = #tpu.dot_dimension_numbers<[1], [0], [0], [1], [0, 0, 1, 1], [], []>, transpose_lhs_hint = false} : vector<2000x512xf32>, vector<512x512xf32>, vector<2000x512xf32> -> vector<2000x512xf32>
    %get3A_26 = arith.constant 0 : index
    %get3A_27 = arith.constant 0 : index
    %get3A_28 = vector.load %arg4[%get3A_26, %get3A_27] : memref<1x512xf32, #tpu.memory_space<vmem>>, vector<1x512xf32>
    %add3A_29 = vector.broadcast %get3A_28 : vector<1x512xf32> to vector<2000x512xf32>
    %add3A_30 = arith.addf %dot_general3A_25, %add3A_29 : vector<2000x512xf32>
    %swap3A = arith.constant 0 : index
    %swap3A_31 = arith.constant 0 : index
    %swap3A_32 = vector.load %arg5[%swap3A, %swap3A_31] : memref<2000x512xf32, #tpu.memory_space<vmem>>, vector<2000x512xf32>
    tpu.vector_store %arg5[%swap3A, %swap3A_31], %add3A_30 {strides = array<i32>} : memref<2000x512xf32, #tpu.memory_space<vmem>>, vector<2000x512xf32>,
    %eq3A = arith.constant 0 : i32
    %eq3A_33 = arith.cmpi eq, %arg0, %eq3A : i32
    %convert_element_type3A = arith.extui %eq3A_33 : i1 to i32
    %cond3A = arith.constant 0 : i32
    %cond3A_34 = arith.cmpi ne, %convert_element_type3A, %cond3A : i32
    scf.if %cond3A_34 {
      %broadcast_in_dim3A_53 = arith.constant 0.000000e+00 : f32
      %broadcast_in_dim3A_54 = vector.broadcast %broadcast_in_dim3A_53 : f32 to vector<1x512xf32>
      %swap3A_55 = arith.constant 0 : index
      %swap3A_56 = arith.constant 0 : index
      %swap3A_57 = vector.load %arg6[%swap3A_55, %swap3A_56] : memref<1x512xf32, #tpu.memory_space<vmem>>, vector<1x512xf32>
      tpu.vector_store %arg6[%swap3A_55, %swap3A_56], %broadcast_in_dim3A_54 {strides = array<i32>} : memref<1x512xf32, #tpu.memory_space<vmem>>, vector<1x512xf32>,
      %broadcast_in_dim3A_58 = arith.constant 0.000000e+00 : f32
      %broadcast_in_dim3A_59 = vector.broadcast %broadcast_in_dim3A_58 : f32 to vector<1x512xf32>
      %swap3A_60 = arith.constant 0 : index
      %swap3A_61 = arith.constant 0 : index
      %swap3A_62 = vector.load %arg7[%swap3A_60, %swap3A_61] : memref<1x512xf32, #tpu.memory_space<vmem>>, vector<1x512xf32>
      tpu.vector_store %arg7[%swap3A_60, %swap3A_61], %broadcast_in_dim3A_59 {strides = array<i32>} : memref<1x512xf32, #tpu.memory_space<vmem>>, vector<1x512xf32>,
    } else {
    }
    %get3A_35 = arith.constant 0 : index
    %get3A_36 = arith.constant 0 : index
    %get3A_37 = vector.load %arg6[%get3A_35, %get3A_36] : memref<1x512xf32, #tpu.memory_space<vmem>>, vector<1x512xf32>
    %reduce_sum3A = arith.constant dense<0.000000e+00> : vector<512xf32>
    %reduce_sum3A_38 = vector.multi_reduction <add>, %add3A_30, %reduce_sum3A [0] : vector<2000x512xf32> to vector<512xf32>
    %broadcast_in_dim3A = vector.shape_cast %reduce_sum3A_38 : vector<512xf32> to vector<1x512xf32>
    %add3A_39 = arith.addf %get3A_37, %broadcast_in_dim3A : vector<1x512xf32>
    %swap3A_40 = arith.constant 0 : index
    %swap3A_41 = arith.constant 0 : index
    %swap3A_42 = vector.load %arg6[%swap3A_40, %swap3A_41] : memref<1x512xf32, #tpu.memory_space<vmem>>, vector<1x512xf32>
    tpu.vector_store %arg6[%swap3A_40, %swap3A_41], %add3A_39 {strides = array<i32>} : memref<1x512xf32, #tpu.memory_space<vmem>>, vector<1x512xf32>,
    %get3A_43 = arith.constant 0 : index
    %get3A_44 = arith.constant 0 : index
    %get3A_45 = vector.load %arg7[%get3A_43, %get3A_44] : memref<1x512xf32, #tpu.memory_space<vmem>>, vector<1x512xf32>
    %mul3A = arith.mulf %add3A_30, %add3A_30 : vector<2000x512xf32>
    %reduce_sum3A_46 = arith.constant dense<0.000000e+00> : vector<512xf32>
    %reduce_sum3A_47 = vector.multi_reduction <add>, %mul3A, %reduce_sum3A_46 [0] : vector<2000x512xf32> to vector<512xf32>
    %broadcast_in_dim3A_48 = vector.shape_cast %reduce_sum3A_47 : vector<512xf32> to vector<1x512xf32>
    %add3A_49 = arith.addf %get3A_45, %broadcast_in_dim3A_48 : vector<1x512xf32>
    %swap3A_50 = arith.constant 0 : index
    %swap3A_51 = arith.constant 0 : index
    %swap3A_52 = vector.load %arg7[%swap3A_50, %swap3A_51] : memref<1x512xf32, #tpu.memory_space<vmem>>, vector<1x512xf32>
    tpu.vector_store %arg7[%swap3A_50, %swap3A_51], %add3A_49 {strides = array<i32>} : memref<1x512xf32, #tpu.memory_space<vmem>>, vector<1x512xf32>,
    return
  }
  func.func @transform_0(%arg0: i32) -> (i32, i32) {
    %c0_i32 = arith.constant 0 : i32
    %c0_i32_0 = arith.constant 0 : i32
    return %arg0, %c0_i32 : i32, i32
  }
  func.func @transform_1(%arg0: i32) -> (i32, i32, i32) {
    %c0_i32 = arith.constant 0 : i32
    %c0_i32_0 = arith.constant 0 : i32
    %c0_i32_1 = arith.constant 0 : i32
    return %c0_i32, %arg0, %c0_i32_0 : i32, i32, i32
  }
  func.func @transform_2(%arg0: i32) -> (i32, i32) {
    %c0_i32 = arith.constant 0 : i32
    %c0_i32_0 = arith.constant 0 : i32
    %c0_i32_1 = arith.constant 0 : i32
    return %c0_i32, %c0_i32_0 : i32, i32
  }
  func.func @transform_3(%arg0: i32) -> (i32, i32) {
    %c0_i32 = arith.constant 0 : i32
    %c0_i32_0 = arith.constant 0 : i32
    %c0_i32_1 = arith.constant 0 : i32
    return %c0_i32, %c0_i32_0 : i32, i32
  }
  func.func @transform_4(%arg0: i32) -> (i32, i32) {
    %c0_i32 = arith.constant 0 : i32
    %c0_i32_0 = arith.constant 0 : i32
    return %arg0, %c0_i32 : i32, i32
  }
  func.func @transform_5(%arg0: i32) -> (i32, i32) {
    %c0_i32 = arith.constant 0 : i32
    %c0_i32_0 = arith.constant 0 : i32
    %c0_i32_1 = arith.constant 0 : i32
    return %c0_i32, %c0_i32_0 : i32, i32
  }
  func.func @transform_6(%arg0: i32) -> (i32, i32) {
    %c0_i32 = arith.constant 0 : i32
    %c0_i32_0 = arith.constant 0 : i32
    %c0_i32_1 = arith.constant 0 : i32
    return %c0_i32, %c0_i32_0 : i32, i32
  }
}

module attributes {stable_mosaic.version = 14 : i64} {
  func.func @_final_body(%arg0: i32, %arg1: memref<2000x512xf32, #tpu.memory_space<vmem>>, %arg2: memref<1x512xf32, #tpu.memory_space<vmem>>, %arg3: memref<1x512xf32, #tpu.memory_space<vmem>>, %arg4: memref<1x512xf32, #tpu.memory_space<vmem>>, %arg5: memref<1x512xf32, #tpu.memory_space<vmem>>, %arg6: memref<512x512xf32, #tpu.memory_space<vmem>>, %arg7: memref<1x512xf32, #tpu.memory_space<vmem>>, %arg8: memref<2000x512xf32, #tpu.memory_space<vmem>>, %arg9: memref<2000x512xf32, #tpu.memory_space<vmem>>, %arg10: memref<1536x128xf32, #tpu.memory_space<vmem>>, %arg11: memref<1x128xf32, #tpu.memory_space<vmem>>, %arg12: memref<2000x128xf32, #tpu.memory_space<vmem>>) attributes {dimension_semantics = [#tpu.dimension_semantics<arbitrary>], iteration_bounds = array<i64: 5>, scalar_prefetch = 0 : i64, scratch_operands = 0 : i64, tpu.core_type = #tpu.core_type<tc>, window_params = [{transform_indices = @transform_0, window_bounds = array<i64: 2000, 512>}, {pipeline_mode = #tpu.pipeline_mode<synchronous>, transform_indices = @transform_1, window_bounds = array<i64: 1, 512>}, {pipeline_mode = #tpu.pipeline_mode<synchronous>, transform_indices = @transform_2, window_bounds = array<i64: 1, 512>}, {pipeline_mode = #tpu.pipeline_mode<synchronous>, transform_indices = @transform_3, window_bounds = array<i64: 1, 512>}, {pipeline_mode = #tpu.pipeline_mode<synchronous>, transform_indices = @transform_4, window_bounds = array<i64: 1, 512>}, {pipeline_mode = #tpu.pipeline_mode<synchronous>, transform_indices = @transform_5, window_bounds = array<i64: 512, 512>}, {pipeline_mode = #tpu.pipeline_mode<synchronous>, transform_indices = @transform_6, window_bounds = array<i64: 1, 512>}, {transform_indices = @transform_7, window_bounds = array<i64: 2000, 512>}, {transform_indices = @transform_8, window_bounds = array<i64: 2000, 512>}, {pipeline_mode = #tpu.pipeline_mode<synchronous>, transform_indices = @transform_9, window_bounds = array<i64: 1536, 128>}, {pipeline_mode = #tpu.pipeline_mode<synchronous>, transform_indices = @transform_10, window_bounds = array<i64: 1, 128>}, {transform_indices = @transform_11, window_bounds = array<i64: 2000, 128>}]} {
    %get3A = arith.constant 0 : index
    %get3A_0 = arith.constant 0 : index
    %get3A_1 = vector.load %arg2[%get3A, %get3A_0] : memref<1x512xf32, #tpu.memory_space<vmem>>, vector<1x512xf32>
    %div3A = arith.constant 1.000000e+04 : f32
    %div3A_2 = vector.broadcast %div3A : f32 to vector<1x512xf32>
    %div3A_3 = arith.divf %get3A_1, %div3A_2 : vector<1x512xf32>
    %get3A_4 = arith.constant 0 : index
    %get3A_5 = arith.constant 0 : index
    %get3A_6 = vector.load %arg3[%get3A_4, %get3A_5] : memref<1x512xf32, #tpu.memory_space<vmem>>, vector<1x512xf32>
    %div3A_7 = arith.constant 1.000000e+04 : f32
    %div3A_8 = vector.broadcast %div3A_7 : f32 to vector<1x512xf32>
    %div3A_9 = arith.divf %get3A_6, %div3A_8 : vector<1x512xf32>
    %mul3A = arith.mulf %div3A_3, %div3A_3 : vector<1x512xf32>
    %sub3A = arith.subf %div3A_9, %mul3A : vector<1x512xf32>
    %get3A_10 = arith.constant 0 : index
    %get3A_11 = arith.constant 0 : index
    %get3A_12 = vector.load %arg1[%get3A_10, %get3A_11] : memref<2000x512xf32, #tpu.memory_space<vmem>>, vector<2000x512xf32>
    %sub3A_13 = vector.broadcast %div3A_3 : vector<1x512xf32> to vector<2000x512xf32>
    %sub3A_14 = arith.subf %get3A_12, %sub3A_13 : vector<2000x512xf32>
    %add3A = arith.constant 9.99999974E-6 : f32
    %add3A_15 = vector.broadcast %add3A : f32 to vector<1x512xf32>
    %add3A_16 = arith.addf %sub3A, %add3A_15 : vector<1x512xf32>
    %rsqrt3A = math.rsqrt %add3A_16 : vector<1x512xf32>
    %mul3A_17 = vector.broadcast %rsqrt3A : vector<1x512xf32> to vector<2000x512xf32>
    %mul3A_18 = arith.mulf %sub3A_14, %mul3A_17 : vector<2000x512xf32>
    %get3A_19 = arith.constant 0 : index
    %get3A_20 = arith.constant 0 : index
    %get3A_21 = vector.load %arg4[%get3A_19, %get3A_20] : memref<1x512xf32, #tpu.memory_space<vmem>>, vector<1x512xf32>
    %mul3A_22 = vector.broadcast %get3A_21 : vector<1x512xf32> to vector<2000x512xf32>
    %mul3A_23 = arith.mulf %mul3A_18, %mul3A_22 : vector<2000x512xf32>
    %get3A_24 = arith.constant 0 : index
    %get3A_25 = arith.constant 0 : index
    %get3A_26 = vector.load %arg5[%get3A_24, %get3A_25] : memref<1x512xf32, #tpu.memory_space<vmem>>, vector<1x512xf32>
    %add3A_27 = vector.broadcast %get3A_26 : vector<1x512xf32> to vector<2000x512xf32>
    %add3A_28 = arith.addf %mul3A_23, %add3A_27 : vector<2000x512xf32>
    %max3A = arith.constant 0.000000e+00 : f32
    %max3A_29 = vector.broadcast %max3A : f32 to vector<2000x512xf32>
    %max3A_30 = arith.maximumf %add3A_28, %max3A_29 : vector<2000x512xf32>
    %get3A_31 = arith.constant 0 : index
    %get3A_32 = arith.constant 0 : index
    %get3A_33 = vector.load %arg6[%get3A_31, %get3A_32] : memref<512x512xf32, #tpu.memory_space<vmem>>, vector<512x512xf32>
    %dot_general3A = arith.constant dense<0.000000e+00> : vector<2000x512xf32>
    %dot_general3A_34 = tpu.matmul %max3A_30, %get3A_33, %dot_general3A {dimension_numbers = #tpu.dot_dimension_numbers<[1], [0], [0], [1], [0, 0, 1, 1], [], []>, transpose_lhs_hint = false} : vector<2000x512xf32>, vector<512x512xf32>, vector<2000x512xf32> -> vector<2000x512xf32>
    %get3A_35 = arith.constant 0 : index
    %get3A_36 = arith.constant 0 : index
    %get3A_37 = vector.load %arg7[%get3A_35, %get3A_36] : memref<1x512xf32, #tpu.memory_space<vmem>>, vector<1x512xf32>
    %add3A_38 = vector.broadcast %get3A_37 : vector<1x512xf32> to vector<2000x512xf32>
    %add3A_39 = arith.addf %dot_general3A_34, %add3A_38 : vector<2000x512xf32>
    %max3A_40 = arith.constant 0.000000e+00 : f32
    %max3A_41 = vector.broadcast %max3A_40 : f32 to vector<2000x512xf32>
    %max3A_42 = arith.maximumf %add3A_39, %max3A_41 : vector<2000x512xf32>
    %get3A_43 = arith.constant 0 : index
    %get3A_44 = arith.constant 0 : index
    %get3A_45 = vector.load %arg8[%get3A_43, %get3A_44] : memref<2000x512xf32, #tpu.memory_space<vmem>>, vector<2000x512xf32>
    %get3A_46 = arith.constant 0 : index
    %get3A_47 = arith.constant 0 : index
    %get3A_48 = vector.load %arg9[%get3A_46, %get3A_47] : memref<2000x512xf32, #tpu.memory_space<vmem>>, vector<2000x512xf32>
    %concatenate3A = tpu.concatenate %get3A_45, %get3A_48, %max3A_42 in 1 : vector<2000x512xf32>, vector<2000x512xf32>, vector<2000x512xf32> -> vector<2000x1536xf32>
    %get3A_49 = arith.constant 0 : index
    %get3A_50 = arith.constant 0 : index
    %get3A_51 = vector.load %arg10[%get3A_49, %get3A_50] : memref<1536x128xf32, #tpu.memory_space<vmem>>, vector<1536x128xf32>
    %dot_general3A_52 = arith.constant dense<0.000000e+00> : vector<2000x128xf32>
    %dot_general3A_53 = tpu.matmul %concatenate3A, %get3A_51, %dot_general3A_52 {dimension_numbers = #tpu.dot_dimension_numbers<[1], [0], [0], [1], [0, 0, 1, 1], [], []>, transpose_lhs_hint = false} : vector<2000x1536xf32>, vector<1536x128xf32>, vector<2000x128xf32> -> vector<2000x128xf32>
    %get3A_54 = arith.constant 0 : index
    %get3A_55 = arith.constant 0 : index
    %get3A_56 = vector.load %arg11[%get3A_54, %get3A_55] : memref<1x128xf32, #tpu.memory_space<vmem>>, vector<1x128xf32>
    %add3A_57 = vector.broadcast %get3A_56 : vector<1x128xf32> to vector<2000x128xf32>
    %add3A_58 = arith.addf %dot_general3A_53, %add3A_57 : vector<2000x128xf32>
    %reduce_max3A = arith.constant dense<0xFF800000> : vector<2000xf32>
    %reduce_max3A_59 = vector.multi_reduction <maximumf>, %add3A_58, %reduce_max3A [1] : vector<2000x128xf32> to vector<2000xf32>
    %broadcast_in_dim3A = vector.shape_cast %reduce_max3A_59 : vector<2000xf32> to vector<2000x1xf32>
    %sub3A_60 = vector.broadcast %broadcast_in_dim3A : vector<2000x1xf32> to vector<2000x128xf32>
    %sub3A_61 = arith.subf %add3A_58, %sub3A_60 : vector<2000x128xf32>
    %exp3A = math.exp %sub3A_61 : vector<2000x128xf32>
    %reduce_sum3A = arith.constant dense<0.000000e+00> : vector<2000xf32>
    %reduce_sum3A_62 = vector.multi_reduction <add>, %exp3A, %reduce_sum3A [1] : vector<2000x128xf32> to vector<2000xf32>
    %broadcast_in_dim3A_63 = vector.shape_cast %reduce_sum3A_62 : vector<2000xf32> to vector<2000x1xf32>
    %sub3A_64 = vector.broadcast %broadcast_in_dim3A : vector<2000x1xf32> to vector<2000x128xf32>
    %sub3A_65 = arith.subf %add3A_58, %sub3A_64 : vector<2000x128xf32>
    %log3A = math.log %broadcast_in_dim3A_63 : vector<2000x1xf32>
    %sub3A_66 = vector.broadcast %log3A : vector<2000x1xf32> to vector<2000x128xf32>
    %sub3A_67 = arith.subf %sub3A_65, %sub3A_66 : vector<2000x128xf32>
    %swap3A = arith.constant 0 : index
    %swap3A_68 = arith.constant 0 : index
    %swap3A_69 = vector.load %arg12[%swap3A, %swap3A_68] : memref<2000x128xf32, #tpu.memory_space<vmem>>, vector<2000x128xf32>
    tpu.vector_store %arg12[%swap3A, %swap3A_68], %sub3A_67 {strides = array<i32>} : memref<2000x128xf32, #tpu.memory_space<vmem>>, vector<2000x128xf32>,
    return
  }
  func.func @transform_0(%arg0: i32) -> (i32, i32) {
    %c0_i32 = arith.constant 0 : i32
    %c0_i32_0 = arith.constant 0 : i32
    return %arg0, %c0_i32 : i32, i32
  }
  func.func @transform_1(%arg0: i32) -> (i32, i32) {
    %c0_i32 = arith.constant 0 : i32
    %c0_i32_0 = arith.constant 0 : i32
    %c0_i32_1 = arith.constant 0 : i32
    return %c0_i32, %c0_i32_0 : i32, i32
  }
  func.func @transform_2(%arg0: i32) -> (i32, i32) {
    %c0_i32 = arith.constant 0 : i32
    %c0_i32_0 = arith.constant 0 : i32
    %c0_i32_1 = arith.constant 0 : i32
    return %c0_i32, %c0_i32_0 : i32, i32
  }
  func.func @transform_3(%arg0: i32) -> (i32, i32) {
    %c0_i32 = arith.constant 0 : i32
    %c0_i32_0 = arith.constant 0 : i32
    %c0_i32_1 = arith.constant 0 : i32
    return %c0_i32, %c0_i32_0 : i32, i32
  }
  func.func @transform_4(%arg0: i32) -> (i32, i32) {
    %c0_i32 = arith.constant 0 : i32
    %c0_i32_0 = arith.constant 0 : i32
    %c0_i32_1 = arith.constant 0 : i32
    return %c0_i32, %c0_i32_0 : i32, i32
  }
  func.func @transform_5(%arg0: i32) -> (i32, i32) {
    %c0_i32 = arith.constant 0 : i32
    %c0_i32_0 = arith.constant 0 : i32
    %c0_i32_1 = arith.constant 0 : i32
    return %c0_i32, %c0_i32_0 : i32, i32
  }
  func.func @transform_6(%arg0: i32) -> (i32, i32) {
    %c0_i32 = arith.constant 0 : i32
    %c0_i32_0 = arith.constant 0 : i32
    %c0_i32_1 = arith.constant 0 : i32
    return %c0_i32, %c0_i32_0 : i32, i32
  }
  func.func @transform_7(%arg0: i32) -> (i32, i32) {
    %c0_i32 = arith.constant 0 : i32
    %c0_i32_0 = arith.constant 0 : i32
    return %arg0, %c0_i32 : i32, i32
  }
  func.func @transform_8(%arg0: i32) -> (i32, i32) {
    %c0_i32 = arith.constant 0 : i32
    %c0_i32_0 = arith.constant 0 : i32
    return %arg0, %c0_i32 : i32, i32
  }
  func.func @transform_9(%arg0: i32) -> (i32, i32) {
    %c0_i32 = arith.constant 0 : i32
    %c0_i32_0 = arith.constant 0 : i32
    %c0_i32_1 = arith.constant 0 : i32
    return %c0_i32, %c0_i32_0 : i32, i32
  }
  func.func @transform_10(%arg0: i32) -> (i32, i32) {
    %c0_i32 = arith.constant 0 : i32
    %c0_i32_0 = arith.constant 0 : i32
    %c0_i32_1 = arith.constant 0 : i32
    return %c0_i32, %c0_i32_0 : i32, i32
  }
  func.func @transform_11(%arg0: i32) -> (i32, i32) {
    %c0_i32 = arith.constant 0 : i32
    %c0_i32_0 = arith.constant 0 : i32
    return %arg0, %c0_i32 : i32, i32
  }
}

</mosaic_0001>

<sc_bundles>
// kernel: kernel.11.cloned.1.call-start
scs
__scs_entry_jumppad:
0x0: {  	(pc) =	sbr.rel $0x88, $3  }
0x1: {  	(tag) =	ssettag $0x0;
	lr =	simm.s32 $0x1  }
0x2: {  	[smem:$0x3F8B] =	sst lr;
	_ =	strace $0xD0000000  }
0x3: {  	_ = 	snop  }
0x4: {  	_ = 	snop  }
0x5: {  	_ = 	snop  }
0x6: {  	_ = 	snop  }
0x7: {  	_ = 	snop  }
__scs_overlays_trampoline_lowered:
0x8: {  	[smem:$0x3F9A] =	sst s0  }
0x9: {  	[smem:$0x3F9B] =	sst s1  }
0xa: {  	[smem:$0x3F9C] =	sst s2  }
0xb: {  	[smem:$0x3F9D] =	sst s3  }
0xc: {  	[smem:$0x3F9E] =	sst s4  }
0xd: {  	[smem:$0x3F9F] =	sst s5  }
0xe: {  	[smem:$0x3FA0] =	sst s6  }
0xf: {  	[smem:$0x3FA1] =	sst s7  }
0x10: {  	[smem:$0x3FA2] =	sst s8  }
0x11: {  	[smem:$0x3FA3] =	sst s9;
	s0 =	simm.s32 @!p0 $0x0  }
0x12: {  	s1 =	sld [smem:$0x3F89];
	s0 =	simm.s32 @p0 $0x1  }
0x13: {  	[smem:$0x3FA4] =	sst s0;
	s0 =	simm.s32 @!p1 $0x0  }
0x14: {  	s2 =	sld [smem:$0x3F88];
	s0 =	simm.s32 @p1 $0x1  }
0x15: {  	[smem:$0x3FA5] =	sst s0;
	s0 =	simm.s32 @!p2 $0x0  }
0x16: {  	s3 =	sld [smem:$0x3FDB];
	s0 =	simm.s32 @p2 $0x1  }
0x17: {  	s4 =	simm.s32 $0x1BF5;
	[smem:$0x3FA7] =	sst s0  }
0x18: {  	s0 =	sld [smem:$0x3F8A];
	_ =	swait.ge [sflag:s4], $0x0  }
0x19: {  	s7 =	sld [smem:$0x3F8B]  }
0x1a: {  	s8 =	sadd.s32 $0xFFFFE003, lr  }
0x1b: {  	s9 =	sadd.s32 $0xFFFFFEF7, lr;
	s5 =	simm.s32 $0xFFFFFFFF;
	p2 =	slt.u32 s8, $0xFFFFF086  }
0x1c: {  	p1 =	slt.u32 s9, $0xF7A;
	s5 =	simm.s32 @!p2 $0x0  }
0x1d: {  	s5 =	simm.s32 @p1 $0x1;
	p0 =	seq.s32 s7, s2  }
0x1e: {  	s7 =	smul.u32 @!p0 $0xF7A, s2;
	p2 =	seq.s32 @!p0 s5, $0x0  }
0x1f: {  	s9 =	smul.u32 $0xF7A, s1;
	s8 =	simm.s32 @!p0 $0x1BF5;
	p2 =	por !p2, p0  }
0x20: {  	[sflag:s8] =	ssyncset.s32 @!p0 $0xFFFFF086;
	s6 =	sadd.s32 @!p0 s3, s7;
	s7 =	simm.s32 @!p0 $0x108  }
0x21: {  	s3 =	sadd.s32 s3, s9;
	s6 =	sadd.s32 @!p0 $0x88, s6;
	s7 =	simm.s32 @p2 $0x1082  }
0x22: {  	[simem:s7], [sflag:s8] =	dma.local @!p0 [hbm:s6], $0xF7A  }
0x23: {  	s9 =	sor.u32 $0xD0000000, s2;
	s6 =	simm.s32 $0x108;
	_ =	swait.ge @!p0 [sflag:s8], $0x0  }
0x24: {  	s3 =	sadd.s32 $0x88, s3;
	s6 =	simm.s32 @!p1 $0x1082;
	[sflag:s4] =	ssyncset.s32 $0xFFFFF086  }
0x25: {  	[simem:s6], [sflag:s4] =	dma.local [hbm:s3], $0xF7A  }
0x26: {  	[smem:$0x3F8B] =	sst s1;
	(tag) =	ssettag s2;
	_ =	strace s9  }
0x27: {  	s1 =	sld [smem:$0x3F9B]  }
0x28: {  	s2 =	sld [smem:$0x3F9C]  }
0x29: {  	s4 =	sld [smem:$0x3F9E]  }
0x2a: {  	p0 =	seq.s32 s5, $0x0;
	s5 =	sld [smem:$0x3F9F]  }
0x2b: {  	s6 =	sld [smem:$0x3FA0]  }
0x2c: {  	s7 =	sld [smem:$0x3FA1]  }
0x2d: {  	s3 =	simm.s32 $0x108;
	s8 =	sld [smem:$0x3FA2]  }
0x2e: {  	s3 =	simm.s32 @!p0 $0x1082;
	s9 =	sld [smem:$0x3FA3]  }
0x2f: {  	lr =	sadd.s32 s0, s3;
	s0 =	sld [smem:$0x3F9A]  }
0x30: {  	s3 =	sld [smem:$0x3F9D]  }
0x31: {  	[smem:$0x3FA6] =	sst s10  }
0x32: {  	s10 =	sld [smem:$0x3FA4];
	_ =	sdelay $0x3  }
0x33: {  	p0 =	seq.s32 s10, $0x1;
	s10 =	sld [smem:$0x3FA6];
	_ =	sdelay $0x3  }
0x34: {  	[smem:$0x3FA6] =	sst s10  }
0x35: {  	s10 =	sld [smem:$0x3FA5];
	_ =	sdelay $0x3  }
0x36: {  	p1 =	seq.s32 s10, $0x1;
	s10 =	sld [smem:$0x3FA6];
	_ =	sdelay $0x3  }
0x37: {  	[smem:$0x3FA6] =	sst s10  }
0x38: {  	s10 =	sld [smem:$0x3FA7]  }
0x39: {  	_ = 	snop;
	(pc) =	sbr.ind lr, $3  }
0x3a: {  	_ = 	snop  }
0x3b: {  	_ = 	snop  }
0x3c: {  	p2 =	seq.s32 s10, $0x1;
	s10 =	sld [smem:$0x3FA6]  }
0x3d: {  	_ =	shalt  }
0x3e: {  	_ =	shalt  }
0x3f: {  	_ =	shalt  }
0x40: {  	_ =	shalt  }
0x41: {  	_ =	shalt  }
0x42: {  	_ =	shalt  }
0x43: {  	_ =	shalt  }
0x44: {  	_ =	shalt  }
0x45: {  	_ =	shalt  }
0x46: {  	_ =	shalt  }
0x47: {  	_ =	shalt  }
0x48: {  	_ =	shalt  }
0x49: {  	_ =	shalt  }
0x4a: {  	_ =	shalt  }
0x4b: {  	_ =	shalt  }
0x4c: {  	_ =	shalt  }
0x4d: {  	_ =	shalt  }
0x4e: {  	_ =	shalt  }
0x4f: {  	_ =	shalt  }
0x50: {  	_ =	shalt  }
0x51: {  	_ =	shalt  }
0x52: {  	_ =	shalt  }
0x53: {  	_ =	shalt  }
0x54: {  	_ =	shalt  }
0x55: {  	_ =	shalt  }
0x56: {  	_ =	shalt  }
0x57: {  	_ =	shalt  }
0x58: {  	_ =	shalt  }
0x59: {  	_ =	shalt  }
0x5a: {  	_ =	shalt  }
0x5b: {  	_ =	shalt  }
0x5c: {  	_ =	shalt  }
0x5d: {  	_ =	shalt  }
0x5e: {  	_ =	shalt  }
0x5f: {  	_ =	shalt  }
0x60: {  	_ =	shalt  }
0x61: {  	_ =	shalt  }
0x62: {  	_ =	shalt  }
0x63: {  	_ =	shalt  }
0x64: {  	_ =	shalt  }
0x65: {  	_ =	shalt  }
0x66: {  	_ =	shalt  }
0x67: {  	_ =	shalt  }
0x68: {  	_ =	shalt  }
0x69: {  	_ =	shalt  }
0x6a: {  	_ =	shalt  }
0x6b: {  	_ =	shalt  }
0x6c: {  	_ =	shalt  }
0x6d: {  	_ =	shalt  }
0x6e: {  	_ =	shalt  }
0x6f: {  	_ =	shalt  }
0x70: {  	_ =	shalt  }
0x71: {  	_ =	shalt  }
0x72: {  	_ =	shalt  }
0x73: {  	_ =	shalt  }
0x74: {  	_ =	shalt  }
0x75: {  	_ =	shalt  }
0x76: {  	_ =	shalt  }
0x77: {  	_ =	shalt  }
0x78: {  	_ =	shalt  }
0x79: {  	_ =	shalt  }
0x7a: {  	_ =	shalt  }
0x7b: {  	_ =	shalt  }
0x7c: {  	_ =	shalt  }
0x7d: {  	_ =	shalt  }
0x7e: {  	_ =	shalt  }
0x7f: {  	_ =	shalt  }
0x80: {  	_ =	shalt  }
0x81: {  	_ =	shalt  }
0x82: {  	_ =	shalt  }
0x83: {  	_ =	shalt  }
0x84: {  	_ =	shalt  }
0x85: {  	_ =	shalt  }
0x86: {  	_ =	shalt  }
0x87: {  	_ =	shalt  }
.Lfunc_end0:
.L_simem_size_0:
called_computation_lowered:
.L_overlay_start_0:
0x88: {  	s2 =	sld [smem:$0x3FD9]  }
0x89: {  	s3 =	sld [smem:$0x3FFE];
	_ =	sdelay $0x1  }
0x8a: {  	s1 =	srdreg.scid  }
0x8b: {  	s0 =	sand.u32 $0x1, s1  }
0x8c: {  	s17 =	sshll.u32 s0, $0xA;
	s2 =	sadd.s32 s3, s2  }
0x8d: {  	s2 =	sadd.s32 s2, s17  }
0x8e: {  	[smem:$0x3FB2] =	sst s2  }
0x8f: {  	_ = 	snop  }
0x90: {  	s2 =	sld [smem:$0x3FD0];
	(tm) =	ssettm $0x1  }
0x91: {  	s18 =	sld [smem:$0x3FFB];
	_ =	sdelay $0x3  }
0x92: {  	_ =	strace s18  }
0x93: {  	s3 =	sld [smem:$0x3FFC];
	_ =	sdelay $0x3  }
0x94: {  	_ =	strace s3  }
0x95: {  	s3 =	sld [smem:$0x3FFD];
	_ =	sdelay $0x3  }
0x96: {  	_ =	strace s3  }
0x97: {  	_ =	strace $0x8FFFFFFF  }
0x98: {  	s19 =	sld [smem:$0x3FDB];
	_ =	sdelay $0x1  }
0x99: {  	s4 =	simm.s32 $_scs_section_size  }
0x9a: {  	s5 =	simm.s32 $_size__tile_overlayer_lowered;
	s6 =	simm.s32 $_tile_overlayer_lowered  }
0x9b: {  	s22 =	simm.s32 $0x1BFF;
	s21 =	sshll.u32 s6, $0x1;
	s3 =	sadd.s32 s4, s19  }
0x9c: {  	s7 =	simm.s32 $0x0;
	s20 =	sshll.u32 s5, $0x1;
	s5 =	sadd.s32 s21, s3  }
0x9d: {  	[timem:s7], [sflag:s22] =	dma.local [hbm:s5], s20  }
0x9e: {  	_ =	swait.ge [sflag:s22], s20  }
0x9f: {  	s4 =	ssub.s32 $0x0, s20;
	[sflag:s22] =	ssyncset.done $0x0  }
0xa0: {  	[sflag:s22] =	ssyncadd.s32 s4;
	_ =	sdelay $0x1  }
0xa1: {  	s23 =	simm.s32 $0x1B8B  }
0xa2: {  	_ =	swait.ge [sflag:s23], $0x1  }
0xa3: {  	[sflag:s23] =	ssyncset.done $0x0  }
0xa4: {  	s25 =	simm.s32 $0x1B8E;
	s24 =	sld [smem:$0x3FFE];
	[sflag:s23] =	ssyncadd.s32 $0xFFFFFFFF  }
0xa5: {  	s26 =	simm.s32 $execute0_lowered;
	[smem:$0x3FD2] =	sst s25  }
0xa6: {  	s5 =	sshll.u32 s26, $0x1;
	_ =	strace $0x80000046;
	[dreg:$0x1] =	wrdreg $0xFFFFFFFF  }
0xa7: {  	s28 =	simm.s32 $_size_execute0_lowered;
	s3 =	sadd.s32 s3, s5;
	[dreg:$0x0] =	wrdreg $0x0  }
0xa8: {  	s5 =	sshll.u32 s28, $0x1;
	[dreg:$0x2] =	wrdreg s3  }
0xa9: {  	[dreg:$0x3] =	wrdreg s5  }
0xaa: {  	[dreg:$0x4] =	wrdreg $0xC0  }
0xab: {  	_ =	task [dreg:s7], $0x5FFFF  }
0xac: {  	[dreg:$0x1] =	wrdreg $0xFFFFFFFF  }
0xad: {  	[dreg:$0x0] =	wrdreg $0x60  }
0xae: {  	[dreg:$0x2] =	wrdreg s24  }
0xaf: {  	[dreg:$0x3] =	wrdreg s2  }
0xb0: {  	[dreg:$0x4] =	wrdreg $0xA8800  }
0xb1: {  	[dreg:$0x5] =	wrdreg $0x9  }
0xb2: {  	_ =	task.clear_ibuf [dreg:s7], $0x6FFFF;
	_ =	strace $0x90000046  }
0xb3: {  	s29 =	simm.s32 $0x9;
	_ =	strace $0x80000048  }
0xb4: {  	_ =	swait.ge [sflag:s29], $0x1  }
0xb5: {  	[sflag:s29] =	ssyncadd.s32 $0xFFFFFFFF  }
0xb6: {  	_ =	strace $0x90000048  }
0xb7: {  	_ =	sfence  }
0xb8: {  	s30 =	sld [smem:$0x0];
	_ =	sdelay $0x2  }
0xb9: {  	s31 =	sshll.u32 s1, $0xD;
	s1 =	sshrl.u32 s1, $0x2  }
0xba: {  	s3 =	sand.u32 $0x4000, s31;
	s1 =	sadd.s32 s1, s30  }
0xbb: {  	s0 =	sor.u32 s3, s0;
	s1 =	sshll.u32 s1, $0x11  }
0xbc: {  	s0 =	sor.u32 s1, s0  }
0xbd: {  	s0 =	sadd.s32 $0x8F2B, s0  }
0xbe: {  	[sflag:s0] =	ssyncadd.remote.s32 $0x1  }
0xbf: {  	_ =	sfence.sel $0xFFFF  }
0xc0: {  	[dreg:$0x0] =	wrdreg $0xFFFFFFFF;
	(pc) =	sbr.abs _section_cstart, $3  }
0xc1: {  	[dreg:$0x1] =	wrdreg $0xFFFFFFFF  }
0xc2: {  	_ =	task.clear_ibuf [dreg:s7], $0x2FFFF;
	_ =	strace $0x9FFFFFFF  }
0xc3: {  	(tm) =	ssettm $0x7FFFFFFF  }
tec
execute0_lowered:
.L_overlay_start_1:
0x0: {  	(tag) =	ssettag $0x1  }
0x1: {  	s6 =	rddreg [dreg:$0x0]  }
0x2: {  	s7 =	rddreg [dreg:$0x1]  }
0x3: {  	s1 =	rddreg [dreg:$0x2]  }
0x4: {  	s0 =	rddreg [dreg:$0x3];
	s2 =	simm.s32 $0x0;
	s3 =	srdreg.scid  }
0x5: {  	s14 =	simm.s32 $0x50;
	s15 =	simm.s32 $0x8000;
	s16 =	simm.s32 $0x8080  }
0x6: {  	s17 =	simm.s32 $0x1;
	[smem:$0x7FF] =	sst s2;
	s18 =	sand.u32 $0x1, s3  }
0x7: {  	s4 =	sadd.s32 $0xCA00, s6;
	s3 =	stileid.u32;
	s8 =	smul.u32 $0x27100, s18  }
0x8: {  	s5 =	sadd.s32 $0x5AC00, s6;
	_ =	strace $0x80000047;
	s11 =	smul.u32 $0x50000, s3  }
0x9: {  	s9 =	sshll.u32 s3, $0xB;
	s10 =	ssub.s32 $0x2, s18;
	s20 =	smul.u32 $0x2800, s3  }
0xa: {  	p0 =	seq.s32 s3, $0xF;
	s12 =	sadd.s32 s9, s6;
	s13 =	sshrl.u32 s10, $0x1  }
0xb: {  	s8 =	sadd.s32 s8, s6;
	s10 =	ssub.s32 s10, s13;
	s11 =	sshrl.u32 s11, $0x2  }
0xc: {  	s6 =	sadd.s32 s7, s9;
	s7 =	sadd.s32 $0x4A00, s12;
	s9 =	simm.s32 $0x2  }
0xd: {  	s12 =	sshll.u32 @!p0 s3, $0x6;
	s13 =	sadd.s32 s11, s1;
	s11 =	sadd.s32 $0x12C000, s1  }
0xe: {  	s19 =	sadd.s32 $0x5D400, s8;
	s8 =	smax.u32 s10, $0x1;
	s10 =	simm.s32 $0x4000  }
0xf: {  	s12 =	sor.u32 @!p0 $0x1C02, s12;
	s11 =	sshrl.u32 @p0 s11, $0x3;
	s13 =	sshrl.u32 @!p0 s13, $0x3  }
0x10: {  	v0 =	vmov s18;
	s18 =	sadd.s32 @p0 $0x25800, s19;
	s19 =	sadd.s32 @!p0 s20, s19;
	s20 =	simm.s32 $0x0  }
.LBB2_1:
0x11: {  	[tilespmem:s2], [sflag:$0x2] =	stream.linear.gather [hbm4b:s6+s2], $0x3E80, $0x38;
	[tilespmem:$0x1E880] =	vst v63  }
0x12: {  	_ =	swait.ge [sflag:s9], $0x3E80  }
0x13: {  	[sflag:s9] =	ssyncset.done $0x0  }
0x14: {  	[sflag:s9] =	ssyncadd.s32 $0xFFFFC180  }
0x15: {  	[tilespmem:s10], [sflag:$0x2] =	stream.linear.gather [hbm4b:s7+s2], $0x3E80, $0x38;
	[tilespmem:$0x1E880] =	vst v63  }
0x16: {  	_ =	swait.ge [sflag:s9], $0x3E80  }
0x17: {  	[sflag:s9] =	ssyncset.done $0x0  }
0x18: {  	s21 =	simm.s32 @p0 $0x1FC2;
	[sflag:s9] =	ssyncadd.s32 $0xFFFFC180  }
0x19: {  	[spmem:s11], [sflag:s21] =	dma.local @p0 [hbm:s5], $0x1900  }
0x1a: {  	s21 =	simm.s32 @p0 $0x2  }
0x1b: {  	_ =	swait.ge @p0 [sflag:s21], $0x1900  }
0x1c: {  	[sflag:s21] =	ssyncset.done @p0 $0x0  }
0x1d: {  	[sflag:s21] =	ssyncadd.s32 @p0 $0xFFFFE700;
	s21 =	simm.s32 @!p0 $0x2  }
0x1e: {  	[spmem:s13], [sflag:s12] =	dma.local @!p0 [hbm:s5], $0x2800  }
0x1f: {  	_ =	swait.ge @!p0 [sflag:s21], $0x2800  }
0x20: {  	[sflag:s21] =	ssyncset.done @!p0 $0x0  }
0x21: {  	[sflag:s21] =	ssyncadd.s32 @!p0 $0xFFFFD800  }
0x22: {  	s30 =	simm.s32 $0x0;
	[bflag:$0x0] =	sbarrier.arrive $0xFFFF  }
0x23: {  	v1 =	vld [tilespmem:s30+$0x0];
	_ =	sdelay $0x4  }
0x24: {  	v1 =	vshll.u32 v1, $0x1  }
0x25: {  	v1 =	vor.u32 v0, v1  }
0x26: {  	[tilespmem:$0x8000] =	vst v1  }
0x27: {  	v1 =	vld [tilespmem:s30+$0x10];
	_ =	sdelay $0x4  }
0x28: {  	v1 =	vshll.u32 v1, $0x1  }
0x29: {  	v1 =	vor.u32 v0, v1  }
0x2a: {  	[tilespmem:$0x8010] =	vst v1  }
0x2b: {  	v1 =	vld [tilespmem:s30+$0x20];
	_ =	sdelay $0x4  }
0x2c: {  	v1 =	vshll.u32 v1, $0x1  }
0x2d: {  	v1 =	vor.u32 v0, v1  }
0x2e: {  	[tilespmem:$0x8020] =	vst v1  }
0x2f: {  	v1 =	vld [tilespmem:s30+$0x30];
	_ =	sdelay $0x4  }
0x30: {  	v1 =	vshll.u32 v1, $0x1  }
0x31: {  	v1 =	vor.u32 v0, v1  }
0x32: {  	[tilespmem:$0x8030] =	vst v1  }
0x33: {  	v1 =	vld [tilespmem:s30+$0x40];
	_ =	sdelay $0x4  }
0x34: {  	v1 =	vshll.u32 v1, $0x1  }
0x35: {  	v1 =	vor.u32 v0, v1  }
0x36: {  	[tilespmem:$0x8040] =	vst v1  }
0x37: {  	[tilespmem:s16], [sflag:$0x1] =	stream.indirect.gather [hbm4b:s4+s14], $0x80, s15, s14, $0xb8;
	[tilespmem:$0x1E880] =	vst v63  }
0x38: {  	_ =	swait.ge [sflag:s17], $0x2800  }
0x39: {  	[sflag:s17] =	ssyncset.done $0x0  }
0x3a: {  	s31 =	simm.s32 $0x4000;
	[sflag:s17] =	ssyncadd.s32 $0xFFFFD800  }
0x3b: {  	[spmem:s1] =	stream.indirect.scatter.add.f32 [tilespmem:s16], [sflag:$0x2], $0x80, s31, s14, $0xb8;
	[tilespmem:$0x1E880] =	vst v63  }
0x3c: {  	_ =	swait.ge [sflag:s9], $0x2800  }
0x3d: {  	s24 =	simm.s32 $0x400;
	s21 =	simm.s32 $0x200;
	[sflag:s9] =	ssyncset.done $0x0  }
.LBB2_2:
0x3e: {  	s23 =	sshra.s32 s21, $0x2  }
0x3f: {  	[sflag:s9] =	ssyncadd.s32 $0xFFFFD800;
	s21 =	smov.u32 s24;
	s22 =	sadd.s32 $0x200, s24  }
0x40: {  	p1 =	sne.s32 s24, $0xF800;
	v1 =	vld [tilespmem:s23+$0x0];
	_ =	sdelay $0x4  }
0x41: {  	v1 =	vshll.u32 v1, $0x1  }
0x42: {  	v1 =	vor.u32 v0, v1  }
0x43: {  	[tilespmem:$0x8000] =	vst v1  }
0x44: {  	v1 =	vld [tilespmem:s23+$0x10];
	_ =	sdelay $0x4  }
0x45: {  	v1 =	vshll.u32 v1, $0x1  }
0x46: {  	v1 =	vor.u32 v0, v1  }
0x47: {  	[tilespmem:$0x8010] =	vst v1  }
0x48: {  	v1 =	vld [tilespmem:s23+$0x20];
	_ =	sdelay $0x4  }
0x49: {  	v1 =	vshll.u32 v1, $0x1  }
0x4a: {  	v1 =	vor.u32 v0, v1  }
0x4b: {  	[tilespmem:$0x8020] =	vst v1  }
0x4c: {  	v1 =	vld [tilespmem:s23+$0x30];
	_ =	sdelay $0x4  }
0x4d: {  	v1 =	vshll.u32 v1, $0x1  }
0x4e: {  	v1 =	vor.u32 v0, v1  }
0x4f: {  	[tilespmem:$0x8030] =	vst v1  }
0x50: {  	v1 =	vld [tilespmem:s23+$0x40];
	_ =	sdelay $0x4  }
0x51: {  	v1 =	vshll.u32 v1, $0x1  }
0x52: {  	v1 =	vor.u32 v0, v1  }
0x53: {  	[tilespmem:$0x8040] =	vst v1  }
0x54: {  	[tilespmem:s16], [sflag:$0x1] =	stream.indirect.gather [hbm4b:s4+s14], $0x80, s15, s14, $0xb8;
	[tilespmem:$0x1E880] =	vst v63  }
0x55: {  	_ =	swait.ge [sflag:s17], $0x2800  }
.Ltmp0:
0x56: {  	[sflag:s17] =	ssyncset.done $0x0;
	(pc) =	sbr.rel @p1 .LBB2_2-.Ltmp0, $4  }
0x57: {  	s23 =	sadd.s32 $0x4000, s23;
	[sflag:s17] =	ssyncadd.s32 $0xFFFFD800  }
0x58: {  	[spmem:s1] =	stream.indirect.scatter.add.f32 [tilespmem:s16], [sflag:$0x2], $0x80, s23, s14, $0xb8;
	[tilespmem:$0x1E880] =	vst v63  }
0x59: {  	_ =	swait.ge [sflag:s9], $0x2800  }
0x5a: {  	s24 =	smov.u32 s22;
	[sflag:s9] =	ssyncset.done $0x0  }
0x5b: {  	s21 =	sshra.s32 s21, $0x2;
	[sflag:s9] =	ssyncadd.s32 $0xFFFFD800  }
0x5c: {  	v1 =	vld [tilespmem:s21+$0x0];
	_ =	sdelay $0x4  }
0x5d: {  	v1 =	vshll.u32 v1, $0x1  }
0x5e: {  	v1 =	vor.u32 v0, v1  }
0x5f: {  	[tilespmem:$0x8000] =	vst v1  }
0x60: {  	v1 =	vld [tilespmem:s21+$0x10];
	_ =	sdelay $0x4  }
0x61: {  	v1 =	vshll.u32 v1, $0x1  }
0x62: {  	v1 =	vor.u32 v0, v1  }
0x63: {  	[tilespmem:$0x8010] =	vst v1  }
0x64: {  	v1 =	vld [tilespmem:s21+$0x20];
	_ =	sdelay $0x4  }
0x65: {  	v1 =	vshll.u32 v1, $0x1  }
0x66: {  	v1 =	vor.u32 v0, v1  }
0x67: {  	[tilespmem:$0x8020] =	vst v1  }
0x68: {  	v1 =	vld [tilespmem:s21+$0x30];
	_ =	sdelay $0x4  }
0x69: {  	v1 =	vshll.u32 v1, $0x1  }
0x6a: {  	v1 =	vor.u32 v0, v1  }
0x6b: {  	[tilespmem:$0x8030] =	vst v1  }
0x6c: {  	v1 =	vld [tilespmem:s21+$0x40];
	_ =	sdelay $0x4  }
0x6d: {  	v1 =	vshll.u32 v1, $0x1  }
0x6e: {  	v1 =	vor.u32 v0, v1  }
0x6f: {  	[tilespmem:$0x8040] =	vst v1  }
0x70: {  	[tilespmem:s16], [sflag:$0x1] =	stream.indirect.gather [hbm4b:s4+s14], $0x80, s15, s14, $0xb8;
	[tilespmem:$0x1E880] =	vst v63  }
0x71: {  	_ =	swait.ge [sflag:s17], $0x2800  }
0x72: {  	[sflag:s17] =	ssyncset.done $0x0  }
0x73: {  	s21 =	sadd.s32 $0x4000, s21;
	[sflag:s17] =	ssyncadd.s32 $0xFFFFD800  }
0x74: {  	[spmem:s1] =	stream.indirect.scatter.add.f32 [tilespmem:s16], [sflag:$0x2], $0x80, s21, s14, $0xb8;
	[tilespmem:$0x1E880] =	vst v63  }
0x75: {  	_ =	swait.ge [sflag:s9], $0x2800  }
0x76: {  	[sflag:s9] =	ssyncset.done $0x0  }
0x77: {  	[sflag:s9] =	ssyncadd.s32 $0xFFFFD800  }
0x78: {  	s21 =	simm.s32 @p0 $0x1FC2;
	[bflag:$0x0] =	sbarrier.arrive $0xFFFF  }
0x79: {  	[hbm:s18], [sflag:s21] =	dma.local @p0 [spmem:s11], $0x1900  }
0x7a: {  	s21 =	simm.s32 @p0 $0x2  }
0x7b: {  	_ =	swait.ge @p0 [sflag:s21], $0x1900  }
0x7c: {  	s20 =	sadd.s32 $0x1, s20;
	[sflag:s21] =	ssyncset.done @p0 $0x0  }
0x7d: {  	p1 =	sne.s32 s20, s8;
	[sflag:s21] =	ssyncadd.s32 @p0 $0xFFFFE700;
	s21 =	simm.s32 @!p0 $0x2  }
0x7e: {  	[hbm:s19], [sflag:s12] =	dma.local @!p0 [spmem:s13], $0x2800  }
.Ltmp1:
0x7f: {  	_ =	swait.ge @!p0 [sflag:s21], $0x2800;
	(pc) =	sbr.rel @p1 .LBB2_1-.Ltmp1, $3  }
0x80: {  	[sflag:s21] =	ssyncset.done @!p0 $0x0  }
0x81: {  	[sflag:s21] =	ssyncadd.s32 @!p0 $0xFFFFD800  }
0x82: {  	[bflag:$0x0] =	sbarrier.arrive $0xFFFF;
	_ =	sdelay $0x1  }
0x83: {  	_ =	sfence.sel $0x180000  }
0x84: {  	[bflag:$0x0] =	sbarrier.arrive $0xFFFF  }
0x85: {  	p0 =	sne.s32 s3, $0x0;
	_ =	strace $0x90000047  }
0x86: {  	s0 =	sadd.s32 @!p0 $0x100000, s0;
	[bflag:$0x2] =	sbarrier.arrive $0xFFFF  }
0x87: {  	[sflag:s0] =	ssyncadd.tile.s32 @!p0 $0x1;
	_ =	shalt  }
.Lfunc_end2:
_tile_overlayer_lowered:
.L_overlay_start_2:
0x88: {  	(tag) =	ssettag $0x2  }
0x89: {  	s0 =	rddreg [dreg:$0x0];
	s2 =	stileid.u32  }
0x8a: {  	s1 =	rddreg [dreg:$0x1];
	p0 =	sne.s32 s2, $0x0  }
0x8b: {  	s3 =	rddreg [dreg:$0x2];
	[bflag:$0x3] =	sbarrier.arrive $0xFFFF;
	s2 =	simm.s32 @!p0 $0x1C02  }
0x8c: {  	[timem:s3], [sflag:s2] =	dma.local @!p0 [hbm:s0], s1  }
0x8d: {  	s0 =	simm.s32 @!p0 $0x2  }
0x8e: {  	_ =	swait.ge @!p0 [sflag:s0], s1  }
0x8f: {  	s1 =	ssub.s32 @!p0 $0x0, s1;
	[sflag:s0] =	ssyncset.done @!p0 $0x0  }
0x90: {  	[sflag:s0] =	ssyncadd.s32 @!p0 s1  }
0x91: {  	[bflag:$0x3] =	sbarrier.arrive $0xFFFF  }
0x92: {  	_ =	shalt  }

// kernel: kernel.14.cloned.1.call-start
scs
__scs_entry_jumppad:
0x0: {  	(pc) =	sbr.rel $0x88, $3  }
0x1: {  	(tag) =	ssettag $0x0;
	lr =	simm.s32 $0x1  }
0x2: {  	[smem:$0x3F8B] =	sst lr;
	_ =	strace $0xD0000000  }
0x3: {  	_ = 	snop  }
0x4: {  	_ = 	snop  }
0x5: {  	_ = 	snop  }
0x6: {  	_ = 	snop  }
0x7: {  	_ = 	snop  }
__scs_overlays_trampoline_lowered:
0x8: {  	[smem:$0x3F9A] =	sst s0  }
0x9: {  	[smem:$0x3F9B] =	sst s1  }
0xa: {  	[smem:$0x3F9C] =	sst s2  }
0xb: {  	[smem:$0x3F9D] =	sst s3  }
0xc: {  	[smem:$0x3F9E] =	sst s4  }
0xd: {  	[smem:$0x3F9F] =	sst s5  }
0xe: {  	[smem:$0x3FA0] =	sst s6  }
0xf: {  	[smem:$0x3FA1] =	sst s7  }
0x10: {  	[smem:$0x3FA2] =	sst s8  }
0x11: {  	[smem:$0x3FA3] =	sst s9;
	s0 =	simm.s32 @!p0 $0x0  }
0x12: {  	s1 =	sld [smem:$0x3F89];
	s0 =	simm.s32 @p0 $0x1  }
0x13: {  	[smem:$0x3FA4] =	sst s0;
	s0 =	simm.s32 @!p1 $0x0  }
0x14: {  	s2 =	sld [smem:$0x3F88];
	s0 =	simm.s32 @p1 $0x1  }
0x15: {  	[smem:$0x3FA5] =	sst s0;
	s0 =	simm.s32 @!p2 $0x0  }
0x16: {  	s3 =	sld [smem:$0x3FDB];
	s0 =	simm.s32 @p2 $0x1  }
0x17: {  	s4 =	simm.s32 $0x1BF5;
	[smem:$0x3FA7] =	sst s0  }
0x18: {  	s0 =	sld [smem:$0x3F8A];
	_ =	swait.ge [sflag:s4], $0x0  }
0x19: {  	s7 =	sld [smem:$0x3F8B]  }
0x1a: {  	s8 =	sadd.s32 $0xFFFFE003, lr  }
0x1b: {  	s9 =	sadd.s32 $0xFFFFFEF7, lr;
	s5 =	simm.s32 $0xFFFFFFFF;
	p2 =	slt.u32 s8, $0xFFFFF086  }
0x1c: {  	p1 =	slt.u32 s9, $0xF7A;
	s5 =	simm.s32 @!p2 $0x0  }
0x1d: {  	s5 =	simm.s32 @p1 $0x1;
	p0 =	seq.s32 s7, s2  }
0x1e: {  	s7 =	smul.u32 @!p0 $0xF7A, s2;
	p2 =	seq.s32 @!p0 s5, $0x0  }
0x1f: {  	s9 =	smul.u32 $0xF7A, s1;
	s8 =	simm.s32 @!p0 $0x1BF5;
	p2 =	por !p2, p0  }
0x20: {  	[sflag:s8] =	ssyncset.s32 @!p0 $0xFFFFF086;
	s6 =	sadd.s32 @!p0 s3, s7;
	s7 =	simm.s32 @!p0 $0x108  }
0x21: {  	s3 =	sadd.s32 s3, s9;
	s6 =	sadd.s32 @!p0 $0x88, s6;
	s7 =	simm.s32 @p2 $0x1082  }
0x22: {  	[simem:s7], [sflag:s8] =	dma.local @!p0 [hbm:s6], $0xF7A  }
0x23: {  	s9 =	sor.u32 $0xD0000000, s2;
	s6 =	simm.s32 $0x108;
	_ =	swait.ge @!p0 [sflag:s8], $0x0  }
0x24: {  	s3 =	sadd.s32 $0x88, s3;
	s6 =	simm.s32 @!p1 $0x1082;
	[sflag:s4] =	ssyncset.s32 $0xFFFFF086  }
0x25: {  	[simem:s6], [sflag:s4] =	dma.local [hbm:s3], $0xF7A  }
0x26: {  	[smem:$0x3F8B] =	sst s1;
	(tag) =	ssettag s2;
	_ =	strace s9  }
0x27: {  	s1 =	sld [smem:$0x3F9B]  }
0x28: {  	s2 =	sld [smem:$0x3F9C]  }
0x29: {  	s4 =	sld [smem:$0x3F9E]  }
0x2a: {  	p0 =	seq.s32 s5, $0x0;
	s5 =	sld [smem:$0x3F9F]  }
0x2b: {  	s6 =	sld [smem:$0x3FA0]  }
0x2c: {  	s7 =	sld [smem:$0x3FA1]  }
0x2d: {  	s3 =	simm.s32 $0x108;
	s8 =	sld [smem:$0x3FA2]  }
0x2e: {  	s3 =	simm.s32 @!p0 $0x1082;
	s9 =	sld [smem:$0x3FA3]  }
0x2f: {  	lr =	sadd.s32 s0, s3;
	s0 =	sld [smem:$0x3F9A]  }
0x30: {  	s3 =	sld [smem:$0x3F9D]  }
0x31: {  	[smem:$0x3FA6] =	sst s10  }
0x32: {  	s10 =	sld [smem:$0x3FA4];
	_ =	sdelay $0x3  }
0x33: {  	p0 =	seq.s32 s10, $0x1;
	s10 =	sld [smem:$0x3FA6];
	_ =	sdelay $0x3  }
0x34: {  	[smem:$0x3FA6] =	sst s10  }
0x35: {  	s10 =	sld [smem:$0x3FA5];
	_ =	sdelay $0x3  }
0x36: {  	p1 =	seq.s32 s10, $0x1;
	s10 =	sld [smem:$0x3FA6];
	_ =	sdelay $0x3  }
0x37: {  	[smem:$0x3FA6] =	sst s10  }
0x38: {  	s10 =	sld [smem:$0x3FA7]  }
0x39: {  	_ = 	snop;
	(pc) =	sbr.ind lr, $3  }
0x3a: {  	_ = 	snop  }
0x3b: {  	_ = 	snop  }
0x3c: {  	p2 =	seq.s32 s10, $0x1;
	s10 =	sld [smem:$0x3FA6]  }
0x3d: {  	_ =	shalt  }
0x3e: {  	_ =	shalt  }
0x3f: {  	_ =	shalt  }
0x40: {  	_ =	shalt  }
0x41: {  	_ =	shalt  }
0x42: {  	_ =	shalt  }
0x43: {  	_ =	shalt  }
0x44: {  	_ =	shalt  }
0x45: {  	_ =	shalt  }
0x46: {  	_ =	shalt  }
0x47: {  	_ =	shalt  }
0x48: {  	_ =	shalt  }
0x49: {  	_ =	shalt  }
0x4a: {  	_ =	shalt  }
0x4b: {  	_ =	shalt  }
0x4c: {  	_ =	shalt  }
0x4d: {  	_ =	shalt  }
0x4e: {  	_ =	shalt  }
0x4f: {  	_ =	shalt  }
0x50: {  	_ =	shalt  }
0x51: {  	_ =	shalt  }
0x52: {  	_ =	shalt  }
0x53: {  	_ =	shalt  }
0x54: {  	_ =	shalt  }
0x55: {  	_ =	shalt  }
0x56: {  	_ =	shalt  }
0x57: {  	_ =	shalt  }
0x58: {  	_ =	shalt  }
0x59: {  	_ =	shalt  }
0x5a: {  	_ =	shalt  }
0x5b: {  	_ =	shalt  }
0x5c: {  	_ =	shalt  }
0x5d: {  	_ =	shalt  }
0x5e: {  	_ =	shalt  }
0x5f: {  	_ =	shalt  }
0x60: {  	_ =	shalt  }
0x61: {  	_ =	shalt  }
0x62: {  	_ =	shalt  }
0x63: {  	_ =	shalt  }
0x64: {  	_ =	shalt  }
0x65: {  	_ =	shalt  }
0x66: {  	_ =	shalt  }
0x67: {  	_ =	shalt  }
0x68: {  	_ =	shalt  }
0x69: {  	_ =	shalt  }
0x6a: {  	_ =	shalt  }
0x6b: {  	_ =	shalt  }
0x6c: {  	_ =	shalt  }
0x6d: {  	_ =	shalt  }
0x6e: {  	_ =	shalt  }
0x6f: {  	_ =	shalt  }
0x70: {  	_ =	shalt  }
0x71: {  	_ =	shalt  }
0x72: {  	_ =	shalt  }
0x73: {  	_ =	shalt  }
0x74: {  	_ =	shalt  }
0x75: {  	_ =	shalt  }
0x76: {  	_ =	shalt  }
0x77: {  	_ =	shalt  }
0x78: {  	_ =	shalt  }
0x79: {  	_ =	shalt  }
0x7a: {  	_ =	shalt  }
0x7b: {  	_ =	shalt  }
0x7c: {  	_ =	shalt  }
0x7d: {  	_ =	shalt  }
0x7e: {  	_ =	shalt  }
0x7f: {  	_ =	shalt  }
0x80: {  	_ =	shalt  }
0x81: {  	_ =	shalt  }
0x82: {  	_ =	shalt  }
0x83: {  	_ =	shalt  }
0x84: {  	_ =	shalt  }
0x85: {  	_ =	shalt  }
0x86: {  	_ =	shalt  }
0x87: {  	_ =	shalt  }
.Lfunc_end0:
.L_simem_size_0:
called_computation.1_lowered:
.L_overlay_start_0:
0x88: {  	s2 =	sld [smem:$0x3FD9]  }
0x89: {  	s3 =	sld [smem:$0x3FFE];
	_ =	sdelay $0x1  }
0x8a: {  	s1 =	srdreg.scid  }
0x8b: {  	s0 =	sand.u32 $0x1, s1  }
0x8c: {  	s17 =	sshll.u32 s0, $0xA;
	s2 =	sadd.s32 s3, s2  }
0x8d: {  	s2 =	sadd.s32 s2, s17  }
0x8e: {  	[smem:$0x3FB2] =	sst s2  }
0x8f: {  	_ = 	snop  }
0x90: {  	s2 =	sld [smem:$0x3FD0];
	(tm) =	ssettm $0x1  }
0x91: {  	s18 =	sld [smem:$0x3FFB];
	_ =	sdelay $0x3  }
0x92: {  	_ =	strace s18  }
0x93: {  	s3 =	sld [smem:$0x3FFC];
	_ =	sdelay $0x3  }
0x94: {  	_ =	strace s3  }
0x95: {  	s3 =	sld [smem:$0x3FFD];
	_ =	sdelay $0x3  }
0x96: {  	_ =	strace s3  }
0x97: {  	_ =	strace $0x8FFFFFFF  }
0x98: {  	s19 =	sld [smem:$0x3FDB];
	_ =	sdelay $0x1  }
0x99: {  	s4 =	simm.s32 $_scs_section_size  }
0x9a: {  	s5 =	simm.s32 $_size__tile_overlayer_lowered;
	s6 =	simm.s32 $_tile_overlayer_lowered  }
0x9b: {  	s22 =	simm.s32 $0x1BFF;
	s21 =	sshll.u32 s6, $0x1;
	s3 =	sadd.s32 s4, s19  }
0x9c: {  	s7 =	simm.s32 $0x0;
	s20 =	sshll.u32 s5, $0x1;
	s5 =	sadd.s32 s21, s3  }
0x9d: {  	[timem:s7], [sflag:s22] =	dma.local [hbm:s5], s20  }
0x9e: {  	_ =	swait.ge [sflag:s22], s20  }
0x9f: {  	s4 =	ssub.s32 $0x0, s20;
	[sflag:s22] =	ssyncset.done $0x0  }
0xa0: {  	[sflag:s22] =	ssyncadd.s32 s4;
	_ =	sdelay $0x1  }
0xa1: {  	s23 =	simm.s32 $0x1B8B  }
0xa2: {  	_ =	swait.ge [sflag:s23], $0x1  }
0xa3: {  	[sflag:s23] =	ssyncset.done $0x0  }
0xa4: {  	s25 =	simm.s32 $0x1B8E;
	s24 =	sld [smem:$0x3FFE];
	[sflag:s23] =	ssyncadd.s32 $0xFFFFFFFF  }
0xa5: {  	s26 =	simm.s32 $execute0_lowered;
	[smem:$0x3FD2] =	sst s25  }
0xa6: {  	s5 =	sshll.u32 s26, $0x1;
	_ =	strace $0x80000049;
	[dreg:$0x1] =	wrdreg $0xFFFFFFFF  }
0xa7: {  	s28 =	simm.s32 $_size_execute0_lowered;
	s3 =	sadd.s32 s3, s5;
	[dreg:$0x0] =	wrdreg $0x0  }
0xa8: {  	s5 =	sshll.u32 s28, $0x1;
	[dreg:$0x2] =	wrdreg s3  }
0xa9: {  	[dreg:$0x3] =	wrdreg s5  }
0xaa: {  	[dreg:$0x4] =	wrdreg $0xC0  }
0xab: {  	_ =	task [dreg:s7], $0x5FFFF  }
0xac: {  	[dreg:$0x1] =	wrdreg $0xFFFFFFFF  }
0xad: {  	[dreg:$0x0] =	wrdreg $0x60  }
0xae: {  	[dreg:$0x2] =	wrdreg s24  }
0xaf: {  	[dreg:$0x3] =	wrdreg s2  }
0xb0: {  	[dreg:$0x4] =	wrdreg $0xA8800  }
0xb1: {  	[dreg:$0x5] =	wrdreg $0x9  }
0xb2: {  	_ =	task.clear_ibuf [dreg:s7], $0x6FFFF;
	_ =	strace $0x90000049  }
0xb3: {  	s29 =	simm.s32 $0x9;
	_ =	strace $0x8000004B  }
0xb4: {  	_ =	swait.ge [sflag:s29], $0x1  }
0xb5: {  	[sflag:s29] =	ssyncadd.s32 $0xFFFFFFFF  }
0xb6: {  	_ =	strace $0x9000004B  }
0xb7: {  	_ =	sfence  }
0xb8: {  	s30 =	sld [smem:$0x0];
	_ =	sdelay $0x2  }
0xb9: {  	s31 =	sshll.u32 s1, $0xD;
	s1 =	sshrl.u32 s1, $0x2  }
0xba: {  	s3 =	sand.u32 $0x4000, s31;
	s1 =	sadd.s32 s1, s30  }
0xbb: {  	s0 =	sor.u32 s3, s0;
	s1 =	sshll.u32 s1, $0x11  }
0xbc: {  	s0 =	sor.u32 s1, s0  }
0xbd: {  	s0 =	sadd.s32 $0x8F2B, s0  }
0xbe: {  	[sflag:s0] =	ssyncadd.remote.s32 $0x1  }
0xbf: {  	_ =	sfence.sel $0xFFFF  }
0xc0: {  	[dreg:$0x0] =	wrdreg $0xFFFFFFFF;
	(pc) =	sbr.abs _section_cstart, $3  }
0xc1: {  	[dreg:$0x1] =	wrdreg $0xFFFFFFFF  }
0xc2: {  	_ =	task.clear_ibuf [dreg:s7], $0x2FFFF;
	_ =	strace $0x9FFFFFFF  }
0xc3: {  	(tm) =	ssettm $0x7FFFFFFF  }
tec
execute0_lowered:
.L_overlay_start_1:
0x0: {  	(tag) =	ssettag $0x1  }
0x1: {  	s6 =	rddreg [dreg:$0x0]  }
0x2: {  	s7 =	rddreg [dreg:$0x1]  }
0x3: {  	s1 =	rddreg [dreg:$0x2]  }
0x4: {  	s0 =	rddreg [dreg:$0x3]  }
0x5: {  	s3 =	simm.s32 $0x0;
	s4 =	srdreg.scid;
	s2 =	stileid.u32  }
0x6: {  	s16 =	simm.s32 $0x50;
	s17 =	simm.s32 $0x8000;
	s18 =	simm.s32 $0x8080  }
0x7: {  	s19 =	simm.s32 $0x1;
	[smem:$0x7FF] =	sst s3;
	s8 =	sand.u32 $0x1, s4  }
0x8: {  	s4 =	sadd.s32 $0xF9800, s6;
	s9 =	sshll.u32 s2, $0xB;
	s5 =	sadd.s32 $0x5AC00, s6  }
0x9: {  	s13 =	sadd.s32 $0x195C00, s6;
	s28 =	smul.u32 $0x50000, s2;
	s14 =	sadd.s32 $0x12C000, s1  }
0xa: {  	p0 =	seq.s32 s2, $0xF;
	_ =	strace $0x8000004A;
	s10 =	ssub.s32 $0x2, s8  }
0xb: {  	s11 =	sadd.s32 s9, s6;
	s6 =	sadd.s32 s7, s9;
	s29 =	smul.u32 $0x4E200, s8  }
0xc: {  	s20 =	sshllo.u32 s8, $0x1;
	s21 =	sshll.u32 s8, $0x1;
	s8 =	smul.u32 $0x2800, s2  }
0xd: {  	s12 =	sshrl.u32 s10, $0x1;
	s7 =	sadd.s32 $0x4A00, s11;
	s30 =	sshrl.u32 s28, $0x2  }
0xe: {  	s31 =	smul.u32 $0x27100, s20;
	s11 =	simm.s32 $0x2;
	s10 =	ssub.s32 s10, s12  }
0xf: {  	s15 =	sadd.s32 s30, s1;
	s22 =	sadd.s32 s13, s29;
	s12 =	simm.s32 $0x4000  }
0x10: {  	s9 =	sadd.s32 s13, s31;
	s10 =	smax.u32 s10, $0x1;
	s13 =	sshrl.u32 @p0 s14, $0x3  }
0x11: {  	v1 =	vmov s20;
	s14 =	sshll.u32 @!p0 s2, $0x6;
	s15 =	sshrl.u32 @!p0 s15, $0x3;
	s20 =	sadd.s32 @p0 $0x25800, s22  }
0x12: {  	v0 =	vmov s21;
	s21 =	sadd.s32 @!p0 s8, s22;
	s22 =	simm.s32 $0x0;
	s14 =	sor.u32 @!p0 $0x1C02, s14  }
.LBB2_1:
0x13: {  	[tilespmem:s3], [sflag:$0x2] =	stream.linear.gather [hbm4b:s6+s3], $0x3E80, $0x38;
	[tilespmem:$0x1E880] =	vst v63  }
0x14: {  	_ =	swait.ge [sflag:s11], $0x3E80  }
0x15: {  	[sflag:s11] =	ssyncset.done $0x0  }
0x16: {  	[sflag:s11] =	ssyncadd.s32 $0xFFFFC180  }
0x17: {  	[tilespmem:s12], [sflag:$0x2] =	stream.linear.gather [hbm4b:s7+s3], $0x3E80, $0x38;
	[tilespmem:$0x1E880] =	vst v63  }
0x18: {  	_ =	swait.ge [sflag:s11], $0x3E80  }
0x19: {  	[sflag:s11] =	ssyncset.done $0x0  }
0x1a: {  	s23 =	simm.s32 @p0 $0x1FC2;
	[sflag:s11] =	ssyncadd.s32 $0xFFFFC180  }
0x1b: {  	[spmem:s13], [sflag:s23] =	dma.local @p0 [hbm:s5], $0x1900  }
0x1c: {  	s23 =	simm.s32 @p0 $0x2  }
0x1d: {  	_ =	swait.ge @p0 [sflag:s23], $0x1900  }
0x1e: {  	[sflag:s23] =	ssyncset.done @p0 $0x0  }
0x1f: {  	[sflag:s23] =	ssyncadd.s32 @p0 $0xFFFFE700;
	s23 =	simm.s32 @!p0 $0x2  }
0x20: {  	[spmem:s15], [sflag:s14] =	dma.local @!p0 [hbm:s5], $0x2800  }
0x21: {  	_ =	swait.ge @!p0 [sflag:s23], $0x2800  }
0x22: {  	[sflag:s23] =	ssyncset.done @!p0 $0x0  }
0x23: {  	[sflag:s23] =	ssyncadd.s32 @!p0 $0xFFFFD800  }
0x24: {  	s30 =	simm.s32 $0x0;
	[bflag:$0x0] =	sbarrier.arrive $0xFFFF  }
0x25: {  	v2 =	vld [tilespmem:s30+$0x0];
	_ =	sdelay $0x4  }
0x26: {  	v2 =	vshll.u32 v2, $0x2  }
0x27: {  	v2 =	vor.u32 v0, v2  }
0x28: {  	[tilespmem:$0x8000] =	vst v2  }
0x29: {  	v2 =	vld [tilespmem:s30+$0x10];
	_ =	sdelay $0x4  }
0x2a: {  	v2 =	vshll.u32 v2, $0x2  }
0x2b: {  	v2 =	vor.u32 v0, v2  }
0x2c: {  	[tilespmem:$0x8010] =	vst v2  }
0x2d: {  	v2 =	vld [tilespmem:s30+$0x20];
	_ =	sdelay $0x4  }
0x2e: {  	v2 =	vshll.u32 v2, $0x2  }
0x2f: {  	v2 =	vor.u32 v0, v2  }
0x30: {  	[tilespmem:$0x8020] =	vst v2  }
0x31: {  	v2 =	vld [tilespmem:s30+$0x30];
	_ =	sdelay $0x4  }
0x32: {  	v2 =	vshll.u32 v2, $0x2  }
0x33: {  	v2 =	vor.u32 v0, v2  }
0x34: {  	[tilespmem:$0x8030] =	vst v2  }
0x35: {  	v2 =	vld [tilespmem:s30+$0x40];
	_ =	sdelay $0x4  }
0x36: {  	v2 =	vshll.u32 v2, $0x2  }
0x37: {  	v2 =	vor.u32 v0, v2  }
0x38: {  	[tilespmem:$0x8040] =	vst v2  }
0x39: {  	[tilespmem:s18], [sflag:$0x1] =	stream.indirect.gather [hbm4b:s4+s16], $0x80, s17, s16, $0xb8;
	[tilespmem:$0x1E880] =	vst v63  }
0x3a: {  	_ =	swait.ge [sflag:s19], $0x2800  }
0x3b: {  	[sflag:s19] =	ssyncset.done $0x0  }
0x3c: {  	s31 =	simm.s32 $0x4000;
	[sflag:s19] =	ssyncadd.s32 $0xFFFFD800  }
0x3d: {  	[spmem:s1] =	stream.indirect.scatter.add.f32 [tilespmem:s18], [sflag:$0x2], $0x80, s31, s16, $0xb8;
	[tilespmem:$0x1E880] =	vst v63  }
0x3e: {  	_ =	swait.ge [sflag:s11], $0x2800  }
0x3f: {  	s26 =	simm.s32 $0x400;
	s23 =	simm.s32 $0x200;
	[sflag:s11] =	ssyncset.done $0x0  }
.LBB2_2:
0x40: {  	s25 =	sshra.s32 s23, $0x2  }
0x41: {  	[sflag:s11] =	ssyncadd.s32 $0xFFFFD800;
	s23 =	smov.u32 s26;
	s24 =	sadd.s32 $0x200, s26  }
0x42: {  	p1 =	sne.s32 s26, $0xF800;
	v2 =	vld [tilespmem:s25+$0x0];
	_ =	sdelay $0x4  }
0x43: {  	v2 =	vshll.u32 v2, $0x2  }
0x44: {  	v2 =	vor.u32 v0, v2  }
0x45: {  	[tilespmem:$0x8000] =	vst v2  }
0x46: {  	v2 =	vld [tilespmem:s25+$0x10];
	_ =	sdelay $0x4  }
0x47: {  	v2 =	vshll.u32 v2, $0x2  }
0x48: {  	v2 =	vor.u32 v0, v2  }
0x49: {  	[tilespmem:$0x8010] =	vst v2  }
0x4a: {  	v2 =	vld [tilespmem:s25+$0x20];
	_ =	sdelay $0x4  }
0x4b: {  	v2 =	vshll.u32 v2, $0x2  }
0x4c: {  	v2 =	vor.u32 v0, v2  }
0x4d: {  	[tilespmem:$0x8020] =	vst v2  }
0x4e: {  	v2 =	vld [tilespmem:s25+$0x30];
	_ =	sdelay $0x4  }
0x4f: {  	v2 =	vshll.u32 v2, $0x2  }
0x50: {  	v2 =	vor.u32 v0, v2  }
0x51: {  	[tilespmem:$0x8030] =	vst v2  }
0x52: {  	v2 =	vld [tilespmem:s25+$0x40];
	_ =	sdelay $0x4  }
0x53: {  	v2 =	vshll.u32 v2, $0x2  }
0x54: {  	v2 =	vor.u32 v0, v2  }
0x55: {  	[tilespmem:$0x8040] =	vst v2  }
0x56: {  	[tilespmem:s18], [sflag:$0x1] =	stream.indirect.gather [hbm4b:s4+s16], $0x80, s17, s16, $0xb8;
	[tilespmem:$0x1E880] =	vst v63  }
0x57: {  	_ =	swait.ge [sflag:s19], $0x2800  }
.Ltmp0:
0x58: {  	[sflag:s19] =	ssyncset.done $0x0;
	(pc) =	sbr.rel @p1 .LBB2_2-.Ltmp0, $4  }
0x59: {  	s25 =	sadd.s32 $0x4000, s25;
	[sflag:s19] =	ssyncadd.s32 $0xFFFFD800  }
0x5a: {  	[spmem:s1] =	stream.indirect.scatter.add.f32 [tilespmem:s18], [sflag:$0x2], $0x80, s25, s16, $0xb8;
	[tilespmem:$0x1E880] =	vst v63  }
0x5b: {  	_ =	swait.ge [sflag:s11], $0x2800  }
0x5c: {  	s26 =	smov.u32 s24;
	[sflag:s11] =	ssyncset.done $0x0  }
0x5d: {  	s23 =	sshra.s32 s23, $0x2;
	[sflag:s11] =	ssyncadd.s32 $0xFFFFD800  }
0x5e: {  	v2 =	vld [tilespmem:s23+$0x0];
	_ =	sdelay $0x4  }
0x5f: {  	v2 =	vshll.u32 v2, $0x2  }
0x60: {  	v2 =	vor.u32 v0, v2  }
0x61: {  	[tilespmem:$0x8000] =	vst v2  }
0x62: {  	v2 =	vld [tilespmem:s23+$0x10];
	_ =	sdelay $0x4  }
0x63: {  	v2 =	vshll.u32 v2, $0x2  }
0x64: {  	v2 =	vor.u32 v0, v2  }
0x65: {  	[tilespmem:$0x8010] =	vst v2  }
0x66: {  	v2 =	vld [tilespmem:s23+$0x20];
	_ =	sdelay $0x4  }
0x67: {  	v2 =	vshll.u32 v2, $0x2  }
0x68: {  	v2 =	vor.u32 v0, v2  }
0x69: {  	[tilespmem:$0x8020] =	vst v2  }
0x6a: {  	v2 =	vld [tilespmem:s23+$0x30];
	_ =	sdelay $0x4  }
0x6b: {  	v2 =	vshll.u32 v2, $0x2  }
0x6c: {  	v2 =	vor.u32 v0, v2  }
0x6d: {  	[tilespmem:$0x8030] =	vst v2  }
0x6e: {  	v2 =	vld [tilespmem:s23+$0x40];
	_ =	sdelay $0x4  }
0x6f: {  	v2 =	vshll.u32 v2, $0x2  }
0x70: {  	v2 =	vor.u32 v0, v2  }
0x71: {  	[tilespmem:$0x8040] =	vst v2  }
0x72: {  	[tilespmem:s18], [sflag:$0x1] =	stream.indirect.gather [hbm4b:s4+s16], $0x80, s17, s16, $0xb8;
	[tilespmem:$0x1E880] =	vst v63  }
0x73: {  	_ =	swait.ge [sflag:s19], $0x2800  }
0x74: {  	[sflag:s19] =	ssyncset.done $0x0  }
0x75: {  	s23 =	sadd.s32 $0x4000, s23;
	[sflag:s19] =	ssyncadd.s32 $0xFFFFD800  }
0x76: {  	[spmem:s1] =	stream.indirect.scatter.add.f32 [tilespmem:s18], [sflag:$0x2], $0x80, s23, s16, $0xb8;
	[tilespmem:$0x1E880] =	vst v63  }
0x77: {  	_ =	swait.ge [sflag:s11], $0x2800  }
0x78: {  	[sflag:s11] =	ssyncset.done $0x0  }
0x79: {  	[sflag:s11] =	ssyncadd.s32 $0xFFFFD800  }
0x7a: {  	s24 =	simm.s32 @p0 $0x2;
	s23 =	simm.s32 @p0 $0x1FC2;
	[bflag:$0x0] =	sbarrier.arrive $0xFFFF  }
0x7b: {  	[hbm:s20], [sflag:s23] =	dma.local @p0 [spmem:s13], $0x1900  }
0x7c: {  	_ =	swait.ge @p0 [sflag:s24], $0x1900  }
0x7d: {  	[sflag:s24] =	ssyncset.done @p0 $0x0  }
0x7e: {  	[sflag:s24] =	ssyncadd.s32 @p0 $0xFFFFE700  }
0x7f: {  	[bflag:$0x0] =	sbarrier.arrive @p0 $0xFFFF  }
0x80: {  	[spmem:s13], [sflag:s23] =	dma.local @p0 [hbm:s5], $0x1900  }
0x81: {  	_ =	swait.ge @p0 [sflag:s24], $0x1900  }
0x82: {  	[sflag:s24] =	ssyncset.done @p0 $0x0  }
0x83: {  	s23 =	simm.s32 @!p0 $0x2;
	[sflag:s24] =	ssyncadd.s32 @p0 $0xFFFFE700  }
0x84: {  	[hbm:s21], [sflag:s14] =	dma.local @!p0 [spmem:s15], $0x2800  }
0x85: {  	_ =	swait.ge @!p0 [sflag:s23], $0x2800  }
0x86: {  	[sflag:s23] =	ssyncset.done @!p0 $0x0  }
0x87: {  	[sflag:s23] =	ssyncadd.s32 @!p0 $0xFFFFD800  }
0x88: {  	[bflag:$0x0] =	sbarrier.arrive @!p0 $0xFFFF  }
0x89: {  	[spmem:s15], [sflag:s14] =	dma.local @!p0 [hbm:s5], $0x2800  }
0x8a: {  	_ =	swait.ge @!p0 [sflag:s23], $0x2800  }
0x8b: {  	[sflag:s23] =	ssyncset.done @!p0 $0x0  }
0x8c: {  	[sflag:s23] =	ssyncadd.s32 @!p0 $0xFFFFD800  }
0x8d: {  	s30 =	simm.s32 $0x0;
	[bflag:$0x0] =	sbarrier.arrive $0xFFFF  }
0x8e: {  	v2 =	vld [tilespmem:s30+$0x0];
	_ =	sdelay $0x4  }
0x8f: {  	v2 =	vshll.u32 v2, $0x2  }
0x90: {  	v2 =	vor.u32 v1, v2  }
0x91: {  	[tilespmem:$0x8000] =	vst v2  }
0x92: {  	v2 =	vld [tilespmem:s30+$0x10];
	_ =	sdelay $0x4  }
0x93: {  	v2 =	vshll.u32 v2, $0x2  }
0x94: {  	v2 =	vor.u32 v1, v2  }
0x95: {  	[tilespmem:$0x8010] =	vst v2  }
0x96: {  	v2 =	vld [tilespmem:s30+$0x20];
	_ =	sdelay $0x4  }
0x97: {  	v2 =	vshll.u32 v2, $0x2  }
0x98: {  	v2 =	vor.u32 v1, v2  }
0x99: {  	[tilespmem:$0x8020] =	vst v2  }
0x9a: {  	v2 =	vld [tilespmem:s30+$0x30];
	_ =	sdelay $0x4  }
0x9b: {  	v2 =	vshll.u32 v2, $0x2  }
0x9c: {  	v2 =	vor.u32 v1, v2  }
0x9d: {  	[tilespmem:$0x8030] =	vst v2  }
0x9e: {  	v2 =	vld [tilespmem:s30+$0x40];
	_ =	sdelay $0x4  }
0x9f: {  	v2 =	vshll.u32 v2, $0x2  }
0xa0: {  	v2 =	vor.u32 v1, v2  }
0xa1: {  	[tilespmem:$0x8040] =	vst v2  }
0xa2: {  	[tilespmem:s18], [sflag:$0x1] =	stream.indirect.gather [hbm4b:s4+s16], $0x80, s17, s16, $0xb8;
	[tilespmem:$0x1E880] =	vst v63  }
0xa3: {  	_ =	swait.ge [sflag:s19], $0x2800  }
0xa4: {  	[sflag:s19] =	ssyncset.done $0x0  }
0xa5: {  	s31 =	simm.s32 $0x4000;
	[sflag:s19] =	ssyncadd.s32 $0xFFFFD800  }
0xa6: {  	[spmem:s1] =	stream.indirect.scatter.add.f32 [tilespmem:s18], [sflag:$0x2], $0x80, s31, s16, $0xb8;
	[tilespmem:$0x1E880] =	vst v63  }
0xa7: {  	_ =	swait.ge [sflag:s11], $0x2800  }
0xa8: {  	s26 =	simm.s32 $0x400;
	s23 =	simm.s32 $0x200;
	[sflag:s11] =	ssyncset.done $0x0  }
.LBB2_4:
0xa9: {  	s25 =	sshra.s32 s23, $0x2  }
0xaa: {  	[sflag:s11] =	ssyncadd.s32 $0xFFFFD800;
	s23 =	smov.u32 s26;
	s24 =	sadd.s32 $0x200, s26  }
0xab: {  	p1 =	sne.s32 s26, $0xF800;
	v2 =	vld [tilespmem:s25+$0x0];
	_ =	sdelay $0x4  }
0xac: {  	v2 =	vshll.u32 v2, $0x2  }
0xad: {  	v2 =	vor.u32 v1, v2  }
0xae: {  	[tilespmem:$0x8000] =	vst v2  }
0xaf: {  	v2 =	vld [tilespmem:s25+$0x10];
	_ =	sdelay $0x4  }
0xb0: {  	v2 =	vshll.u32 v2, $0x2  }
0xb1: {  	v2 =	vor.u32 v1, v2  }
0xb2: {  	[tilespmem:$0x8010] =	vst v2  }
0xb3: {  	v2 =	vld [tilespmem:s25+$0x20];
	_ =	sdelay $0x4  }
0xb4: {  	v2 =	vshll.u32 v2, $0x2  }
0xb5: {  	v2 =	vor.u32 v1, v2  }
0xb6: {  	[tilespmem:$0x8020] =	vst v2  }
0xb7: {  	v2 =	vld [tilespmem:s25+$0x30];
	_ =	sdelay $0x4  }
0xb8: {  	v2 =	vshll.u32 v2, $0x2  }
0xb9: {  	v2 =	vor.u32 v1, v2  }
0xba: {  	[tilespmem:$0x8030] =	vst v2  }
0xbb: {  	v2 =	vld [tilespmem:s25+$0x40];
	_ =	sdelay $0x4  }
0xbc: {  	v2 =	vshll.u32 v2, $0x2  }
0xbd: {  	v2 =	vor.u32 v1, v2  }
0xbe: {  	[tilespmem:$0x8040] =	vst v2  }
0xbf: {  	[tilespmem:s18], [sflag:$0x1] =	stream.indirect.gather [hbm4b:s4+s16], $0x80, s17, s16, $0xb8;
	[tilespmem:$0x1E880] =	vst v63  }
0xc0: {  	_ =	swait.ge [sflag:s19], $0x2800  }
.Ltmp1:
0xc1: {  	[sflag:s19] =	ssyncset.done $0x0;
	(pc) =	sbr.rel @p1 .LBB2_4-.Ltmp1, $4  }
0xc2: {  	s25 =	sadd.s32 $0x4000, s25;
	[sflag:s19] =	ssyncadd.s32 $0xFFFFD800  }
0xc3: {  	[spmem:s1] =	stream.indirect.scatter.add.f32 [tilespmem:s18], [sflag:$0x2], $0x80, s25, s16, $0xb8;
	[tilespmem:$0x1E880] =	vst v63  }
0xc4: {  	_ =	swait.ge [sflag:s11], $0x2800  }
0xc5: {  	s26 =	smov.u32 s24;
	[sflag:s11] =	ssyncset.done $0x0  }
0xc6: {  	s23 =	sshra.s32 s23, $0x2;
	[sflag:s11] =	ssyncadd.s32 $0xFFFFD800  }
0xc7: {  	v2 =	vld [tilespmem:s23+$0x0];
	_ =	sdelay $0x4  }
0xc8: {  	v2 =	vshll.u32 v2, $0x2  }
0xc9: {  	v2 =	vor.u32 v1, v2  }
0xca: {  	[tilespmem:$0x8000] =	vst v2  }
0xcb: {  	v2 =	vld [tilespmem:s23+$0x10];
	_ =	sdelay $0x4  }
0xcc: {  	v2 =	vshll.u32 v2, $0x2  }
0xcd: {  	v2 =	vor.u32 v1, v2  }
0xce: {  	[tilespmem:$0x8010] =	vst v2  }
0xcf: {  	v2 =	vld [tilespmem:s23+$0x20];
	_ =	sdelay $0x4  }
0xd0: {  	v2 =	vshll.u32 v2, $0x2  }
0xd1: {  	v2 =	vor.u32 v1, v2  }
0xd2: {  	[tilespmem:$0x8020] =	vst v2  }
0xd3: {  	v2 =	vld [tilespmem:s23+$0x30];
	_ =	sdelay $0x4  }
0xd4: {  	v2 =	vshll.u32 v2, $0x2  }
0xd5: {  	v2 =	vor.u32 v1, v2  }
0xd6: {  	[tilespmem:$0x8030] =	vst v2  }
0xd7: {  	v2 =	vld [tilespmem:s23+$0x40];
	_ =	sdelay $0x4  }
0xd8: {  	v2 =	vshll.u32 v2, $0x2  }
0xd9: {  	v2 =	vor.u32 v1, v2  }
0xda: {  	[tilespmem:$0x8040] =	vst v2  }
0xdb: {  	[tilespmem:s18], [sflag:$0x1] =	stream.indirect.gather [hbm4b:s4+s16], $0x80, s17, s16, $0xb8;
	[tilespmem:$0x1E880] =	vst v63  }
0xdc: {  	_ =	swait.ge [sflag:s19], $0x2800  }
0xdd: {  	[sflag:s19] =	ssyncset.done $0x0  }
0xde: {  	s23 =	sadd.s32 $0x4000, s23;
	[sflag:s19] =	ssyncadd.s32 $0xFFFFD800  }
0xdf: {  	[spmem:s1] =	stream.indirect.scatter.add.f32 [tilespmem:s18], [sflag:$0x2], $0x80, s23, s16, $0xb8;
	[tilespmem:$0x1E880] =	vst v63  }
0xe0: {  	_ =	swait.ge [sflag:s11], $0x2800  }
0xe1: {  	[sflag:s11] =	ssyncset.done $0x0  }
0xe2: {  	[sflag:s11] =	ssyncadd.s32 $0xFFFFD800  }
0xe3: {  	s24 =	simm.s32 @p0 $0x1FC2;
	s23 =	sadd.s32 @p0 $0x25800, s9;
	[bflag:$0x0] =	sbarrier.arrive $0xFFFF  }
0xe4: {  	[hbm:s23], [sflag:s24] =	dma.local @p0 [spmem:s13], $0x1900  }
0xe5: {  	s23 =	simm.s32 @p0 $0x2  }
0xe6: {  	_ =	swait.ge @p0 [sflag:s23], $0x1900  }
0xe7: {  	[sflag:s23] =	ssyncset.done @p0 $0x0  }
0xe8: {  	s22 =	sadd.s32 $0x1, s22;
	[sflag:s23] =	ssyncadd.s32 @p0 $0xFFFFE700;
	s23 =	sadd.s32 @!p0 s8, s9  }
0xe9: {  	[hbm:s23], [sflag:s14] =	dma.local @!p0 [spmem:s15], $0x2800  }
0xea: {  	p1 =	sne.s32 s22, s10;
	s23 =	simm.s32 @!p0 $0x2  }
.Ltmp2:
0xeb: {  	_ =	swait.ge @!p0 [sflag:s23], $0x2800;
	(pc) =	sbr.rel @p1 .LBB2_1-.Ltmp2, $3  }
0xec: {  	[sflag:s23] =	ssyncset.done @!p0 $0x0  }
0xed: {  	[sflag:s23] =	ssyncadd.s32 @!p0 $0xFFFFD800  }
0xee: {  	[bflag:$0x0] =	sbarrier.arrive $0xFFFF;
	_ =	sdelay $0x1  }
0xef: {  	_ =	sfence.sel $0x180000  }
0xf0: {  	[bflag:$0x0] =	sbarrier.arrive $0xFFFF  }
0xf1: {  	p0 =	sne.s32 s2, $0x0;
	_ =	strace $0x9000004A  }
0xf2: {  	s0 =	sadd.s32 @!p0 $0x100000, s0;
	[bflag:$0x2] =	sbarrier.arrive $0xFFFF  }
0xf3: {  	[sflag:s0] =	ssyncadd.tile.s32 @!p0 $0x1;
	_ =	shalt  }
.Lfunc_end2:
_tile_overlayer_lowered:
.L_overlay_start_2:
0xf4: {  	(tag) =	ssettag $0x2  }
0xf5: {  	s0 =	rddreg [dreg:$0x0];
	s2 =	stileid.u32  }
0xf6: {  	s1 =	rddreg [dreg:$0x1];
	p0 =	sne.s32 s2, $0x0  }
0xf7: {  	s3 =	rddreg [dreg:$0x2];
	[bflag:$0x3] =	sbarrier.arrive $0xFFFF;
	s2 =	simm.s32 @!p0 $0x1C02  }
0xf8: {  	[timem:s3], [sflag:s2] =	dma.local @!p0 [hbm:s0], s1  }
0xf9: {  	s0 =	simm.s32 @!p0 $0x2  }
0xfa: {  	_ =	swait.ge @!p0 [sflag:s0], s1  }
0xfb: {  	s1 =	ssub.s32 @!p0 $0x0, s1;
	[sflag:s0] =	ssyncset.done @!p0 $0x0  }
0xfc: {  	[sflag:s0] =	ssyncadd.s32 @!p0 s1  }
0xfd: {  	[bflag:$0x3] =	sbarrier.arrive $0xFFFF  }
0xfe: {  	_ =	shalt  }

// kernel: kernel.17.cloned.1.call-start
scs
__scs_entry_jumppad:
0x0: {  	(pc) =	sbr.rel $0x88, $3  }
0x1: {  	(tag) =	ssettag $0x0;
	lr =	simm.s32 $0x1  }
0x2: {  	[smem:$0x3F8B] =	sst lr;
	_ =	strace $0xD0000000  }
0x3: {  	_ = 	snop  }
0x4: {  	_ = 	snop  }
0x5: {  	_ = 	snop  }
0x6: {  	_ = 	snop  }
0x7: {  	_ = 	snop  }
__scs_overlays_trampoline_lowered:
0x8: {  	[smem:$0x3F9A] =	sst s0  }
0x9: {  	[smem:$0x3F9B] =	sst s1  }
0xa: {  	[smem:$0x3F9C] =	sst s2  }
0xb: {  	[smem:$0x3F9D] =	sst s3  }
0xc: {  	[smem:$0x3F9E] =	sst s4  }
0xd: {  	[smem:$0x3F9F] =	sst s5  }
0xe: {  	[smem:$0x3FA0] =	sst s6  }
0xf: {  	[smem:$0x3FA1] =	sst s7  }
0x10: {  	[smem:$0x3FA2] =	sst s8  }
0x11: {  	[smem:$0x3FA3] =	sst s9;
	s0 =	simm.s32 @!p0 $0x0  }
0x12: {  	s1 =	sld [smem:$0x3F89];
	s0 =	simm.s32 @p0 $0x1  }
0x13: {  	[smem:$0x3FA4] =	sst s0;
	s0 =	simm.s32 @!p1 $0x0  }
0x14: {  	s2 =	sld [smem:$0x3F88];
	s0 =	simm.s32 @p1 $0x1  }
0x15: {  	[smem:$0x3FA5] =	sst s0;
	s0 =	simm.s32 @!p2 $0x0  }
0x16: {  	s3 =	sld [smem:$0x3FDB];
	s0 =	simm.s32 @p2 $0x1  }
0x17: {  	s4 =	simm.s32 $0x1BF5;
	[smem:$0x3FA7] =	sst s0  }
0x18: {  	s0 =	sld [smem:$0x3F8A];
	_ =	swait.ge [sflag:s4], $0x0  }
0x19: {  	s7 =	sld [smem:$0x3F8B]  }
0x1a: {  	s8 =	sadd.s32 $0xFFFFE003, lr  }
0x1b: {  	s9 =	sadd.s32 $0xFFFFFEF7, lr;
	s5 =	simm.s32 $0xFFFFFFFF;
	p2 =	slt.u32 s8, $0xFFFFF086  }
0x1c: {  	p1 =	slt.u32 s9, $0xF7A;
	s5 =	simm.s32 @!p2 $0x0  }
0x1d: {  	s5 =	simm.s32 @p1 $0x1;
	p0 =	seq.s32 s7, s2  }
0x1e: {  	s7 =	smul.u32 @!p0 $0xF7A, s2;
	p2 =	seq.s32 @!p0 s5, $0x0  }
0x1f: {  	s9 =	smul.u32 $0xF7A, s1;
	s8 =	simm.s32 @!p0 $0x1BF5;
	p2 =	por !p2, p0  }
0x20: {  	[sflag:s8] =	ssyncset.s32 @!p0 $0xFFFFF086;
	s6 =	sadd.s32 @!p0 s3, s7;
	s7 =	simm.s32 @!p0 $0x108  }
0x21: {  	s3 =	sadd.s32 s3, s9;
	s6 =	sadd.s32 @!p0 $0x88, s6;
	s7 =	simm.s32 @p2 $0x1082  }
0x22: {  	[simem:s7], [sflag:s8] =	dma.local @!p0 [hbm:s6], $0xF7A  }
0x23: {  	s9 =	sor.u32 $0xD0000000, s2;
	s6 =	simm.s32 $0x108;
	_ =	swait.ge @!p0 [sflag:s8], $0x0  }
0x24: {  	s3 =	sadd.s32 $0x88, s3;
	s6 =	simm.s32 @!p1 $0x1082;
	[sflag:s4] =	ssyncset.s32 $0xFFFFF086  }
0x25: {  	[simem:s6], [sflag:s4] =	dma.local [hbm:s3], $0xF7A  }
0x26: {  	[smem:$0x3F8B] =	sst s1;
	(tag) =	ssettag s2;
	_ =	strace s9  }
0x27: {  	s1 =	sld [smem:$0x3F9B]  }
0x28: {  	s2 =	sld [smem:$0x3F9C]  }
0x29: {  	s4 =	sld [smem:$0x3F9E]  }
0x2a: {  	p0 =	seq.s32 s5, $0x0;
	s5 =	sld [smem:$0x3F9F]  }
0x2b: {  	s6 =	sld [smem:$0x3FA0]  }
0x2c: {  	s7 =	sld [smem:$0x3FA1]  }
0x2d: {  	s3 =	simm.s32 $0x108;
	s8 =	sld [smem:$0x3FA2]  }
0x2e: {  	s3 =	simm.s32 @!p0 $0x1082;
	s9 =	sld [smem:$0x3FA3]  }
0x2f: {  	lr =	sadd.s32 s0, s3;
	s0 =	sld [smem:$0x3F9A]  }
0x30: {  	s3 =	sld [smem:$0x3F9D]  }
0x31: {  	[smem:$0x3FA6] =	sst s10  }
0x32: {  	s10 =	sld [smem:$0x3FA4];
	_ =	sdelay $0x3  }
0x33: {  	p0 =	seq.s32 s10, $0x1;
	s10 =	sld [smem:$0x3FA6];
	_ =	sdelay $0x3  }
0x34: {  	[smem:$0x3FA6] =	sst s10  }
0x35: {  	s10 =	sld [smem:$0x3FA5];
	_ =	sdelay $0x3  }
0x36: {  	p1 =	seq.s32 s10, $0x1;
	s10 =	sld [smem:$0x3FA6];
	_ =	sdelay $0x3  }
0x37: {  	[smem:$0x3FA6] =	sst s10  }
0x38: {  	s10 =	sld [smem:$0x3FA7]  }
0x39: {  	_ = 	snop;
	(pc) =	sbr.ind lr, $3  }
0x3a: {  	_ = 	snop  }
0x3b: {  	_ = 	snop  }
0x3c: {  	p2 =	seq.s32 s10, $0x1;
	s10 =	sld [smem:$0x3FA6]  }
0x3d: {  	_ =	shalt  }
0x3e: {  	_ =	shalt  }
0x3f: {  	_ =	shalt  }
0x40: {  	_ =	shalt  }
0x41: {  	_ =	shalt  }
0x42: {  	_ =	shalt  }
0x43: {  	_ =	shalt  }
0x44: {  	_ =	shalt  }
0x45: {  	_ =	shalt  }
0x46: {  	_ =	shalt  }
0x47: {  	_ =	shalt  }
0x48: {  	_ =	shalt  }
0x49: {  	_ =	shalt  }
0x4a: {  	_ =	shalt  }
0x4b: {  	_ =	shalt  }
0x4c: {  	_ =	shalt  }
0x4d: {  	_ =	shalt  }
0x4e: {  	_ =	shalt  }
0x4f: {  	_ =	shalt  }
0x50: {  	_ =	shalt  }
0x51: {  	_ =	shalt  }
0x52: {  	_ =	shalt  }
0x53: {  	_ =	shalt  }
0x54: {  	_ =	shalt  }
0x55: {  	_ =	shalt  }
0x56: {  	_ =	shalt  }
0x57: {  	_ =	shalt  }
0x58: {  	_ =	shalt  }
0x59: {  	_ =	shalt  }
0x5a: {  	_ =	shalt  }
0x5b: {  	_ =	shalt  }
0x5c: {  	_ =	shalt  }
0x5d: {  	_ =	shalt  }
0x5e: {  	_ =	shalt  }
0x5f: {  	_ =	shalt  }
0x60: {  	_ =	shalt  }
0x61: {  	_ =	shalt  }
0x62: {  	_ =	shalt  }
0x63: {  	_ =	shalt  }
0x64: {  	_ =	shalt  }
0x65: {  	_ =	shalt  }
0x66: {  	_ =	shalt  }
0x67: {  	_ =	shalt  }
0x68: {  	_ =	shalt  }
0x69: {  	_ =	shalt  }
0x6a: {  	_ =	shalt  }
0x6b: {  	_ =	shalt  }
0x6c: {  	_ =	shalt  }
0x6d: {  	_ =	shalt  }
0x6e: {  	_ =	shalt  }
0x6f: {  	_ =	shalt  }
0x70: {  	_ =	shalt  }
0x71: {  	_ =	shalt  }
0x72: {  	_ =	shalt  }
0x73: {  	_ =	shalt  }
0x74: {  	_ =	shalt  }
0x75: {  	_ =	shalt  }
0x76: {  	_ =	shalt  }
0x77: {  	_ =	shalt  }
0x78: {  	_ =	shalt  }
0x79: {  	_ =	shalt  }
0x7a: {  	_ =	shalt  }
0x7b: {  	_ =	shalt  }
0x7c: {  	_ =	shalt  }
0x7d: {  	_ =	shalt  }
0x7e: {  	_ =	shalt  }
0x7f: {  	_ =	shalt  }
0x80: {  	_ =	shalt  }
0x81: {  	_ =	shalt  }
0x82: {  	_ =	shalt  }
0x83: {  	_ =	shalt  }
0x84: {  	_ =	shalt  }
0x85: {  	_ =	shalt  }
0x86: {  	_ =	shalt  }
0x87: {  	_ =	shalt  }
.Lfunc_end0:
.L_simem_size_0:
called_computation.2_lowered:
.L_overlay_start_0:
0x88: {  	s2 =	sld [smem:$0x3FD9]  }
0x89: {  	s3 =	sld [smem:$0x3FFE];
	_ =	sdelay $0x1  }
0x8a: {  	s1 =	srdreg.scid  }
0x8b: {  	s0 =	sand.u32 $0x1, s1  }
0x8c: {  	s17 =	sshll.u32 s0, $0xA;
	s2 =	sadd.s32 s3, s2  }
0x8d: {  	s2 =	sadd.s32 s2, s17  }
0x8e: {  	[smem:$0x3FB2] =	sst s2  }
0x8f: {  	_ = 	snop  }
0x90: {  	s2 =	sld [smem:$0x3FD0];
	(tm) =	ssettm $0x1  }
0x91: {  	s18 =	sld [smem:$0x3FFB];
	_ =	sdelay $0x3  }
0x92: {  	_ =	strace s18  }
0x93: {  	s3 =	sld [smem:$0x3FFC];
	_ =	sdelay $0x3  }
0x94: {  	_ =	strace s3  }
0x95: {  	s3 =	sld [smem:$0x3FFD];
	_ =	sdelay $0x3  }
0x96: {  	_ =	strace s3  }
0x97: {  	_ =	strace $0x8FFFFFFF  }
0x98: {  	s19 =	sld [smem:$0x3FDB];
	_ =	sdelay $0x1  }
0x99: {  	s4 =	simm.s32 $_scs_section_size  }
0x9a: {  	s5 =	simm.s32 $_size__tile_overlayer_lowered;
	s6 =	simm.s32 $_tile_overlayer_lowered  }
0x9b: {  	s22 =	simm.s32 $0x1BFF;
	s21 =	sshll.u32 s6, $0x1;
	s3 =	sadd.s32 s4, s19  }
0x9c: {  	s7 =	simm.s32 $0x0;
	s20 =	sshll.u32 s5, $0x1;
	s5 =	sadd.s32 s21, s3  }
0x9d: {  	[timem:s7], [sflag:s22] =	dma.local [hbm:s5], s20  }
0x9e: {  	_ =	swait.ge [sflag:s22], s20  }
0x9f: {  	s4 =	ssub.s32 $0x0, s20;
	[sflag:s22] =	ssyncset.done $0x0  }
0xa0: {  	[sflag:s22] =	ssyncadd.s32 s4;
	_ =	sdelay $0x1  }
0xa1: {  	s23 =	simm.s32 $0x1B8B  }
0xa2: {  	_ =	swait.ge [sflag:s23], $0x1  }
0xa3: {  	[sflag:s23] =	ssyncset.done $0x0  }
0xa4: {  	s25 =	simm.s32 $0x1B8E;
	s24 =	sld [smem:$0x3FFE];
	[sflag:s23] =	ssyncadd.s32 $0xFFFFFFFF  }
0xa5: {  	s26 =	simm.s32 $execute0_lowered;
	[smem:$0x3FD2] =	sst s25  }
0xa6: {  	s5 =	sshll.u32 s26, $0x1;
	_ =	strace $0x8000004C;
	[dreg:$0x1] =	wrdreg $0xFFFFFFFF  }
0xa7: {  	s28 =	simm.s32 $_size_execute0_lowered;
	s3 =	sadd.s32 s3, s5;
	[dreg:$0x0] =	wrdreg $0x0  }
0xa8: {  	s5 =	sshll.u32 s28, $0x1;
	[dreg:$0x2] =	wrdreg s3  }
0xa9: {  	[dreg:$0x3] =	wrdreg s5  }
0xaa: {  	[dreg:$0x4] =	wrdreg $0xC0  }
0xab: {  	_ =	task [dreg:s7], $0x5FFFF  }
0xac: {  	[dreg:$0x1] =	wrdreg $0xFFFFFFFF  }
0xad: {  	[dreg:$0x0] =	wrdreg $0x60  }
0xae: {  	[dreg:$0x2] =	wrdreg s24  }
0xaf: {  	[dreg:$0x3] =	wrdreg s2  }
0xb0: {  	[dreg:$0x4] =	wrdreg $0xA8800  }
0xb1: {  	[dreg:$0x5] =	wrdreg $0x9  }
0xb2: {  	_ =	task.clear_ibuf [dreg:s7], $0x6FFFF;
	_ =	strace $0x9000004C  }
0xb3: {  	s29 =	simm.s32 $0x9;
	_ =	strace $0x8000004E  }
0xb4: {  	_ =	swait.ge [sflag:s29], $0x1  }
0xb5: {  	[sflag:s29] =	ssyncadd.s32 $0xFFFFFFFF  }
0xb6: {  	_ =	strace $0x9000004E  }
0xb7: {  	_ =	sfence  }
0xb8: {  	s30 =	sld [smem:$0x0];
	_ =	sdelay $0x2  }
0xb9: {  	s31 =	sshll.u32 s1, $0xD;
	s1 =	sshrl.u32 s1, $0x2  }
0xba: {  	s3 =	sand.u32 $0x4000, s31;
	s1 =	sadd.s32 s1, s30  }
0xbb: {  	s0 =	sor.u32 s3, s0;
	s1 =	sshll.u32 s1, $0x11  }
0xbc: {  	s0 =	sor.u32 s1, s0  }
0xbd: {  	s0 =	sadd.s32 $0x8F2B, s0  }
0xbe: {  	[sflag:s0] =	ssyncadd.remote.s32 $0x1  }
0xbf: {  	_ =	sfence.sel $0xFFFF  }
0xc0: {  	[dreg:$0x0] =	wrdreg $0xFFFFFFFF;
	(pc) =	sbr.abs _section_cstart, $3  }
0xc1: {  	[dreg:$0x1] =	wrdreg $0xFFFFFFFF  }
0xc2: {  	_ =	task.clear_ibuf [dreg:s7], $0x2FFFF;
	_ =	strace $0x9FFFFFFF  }
0xc3: {  	(tm) =	ssettm $0x7FFFFFFF  }
tec
execute0_lowered:
.L_overlay_start_1:
0x0: {  	(tag) =	ssettag $0x1  }
0x1: {  	s6 =	rddreg [dreg:$0x0]  }
0x2: {  	s7 =	rddreg [dreg:$0x1]  }
0x3: {  	s1 =	rddreg [dreg:$0x2]  }
0x4: {  	s0 =	rddreg [dreg:$0x3]  }
0x5: {  	s3 =	simm.s32 $0x0;
	s4 =	srdreg.scid;
	s2 =	stileid.u32  }
0x6: {  	s16 =	simm.s32 $0x50;
	s17 =	simm.s32 $0x8000;
	s18 =	simm.s32 $0x8080  }
0x7: {  	s19 =	simm.s32 $0x1;
	[smem:$0x7FF] =	sst s3;
	s8 =	sand.u32 $0x1, s4  }
0x8: {  	s4 =	sadd.s32 $0x195C00, s6;
	s9 =	sshll.u32 s2, $0xB;
	s5 =	sadd.s32 $0x5AC00, s6  }
0x9: {  	s13 =	sadd.s32 $0x232000, s6;
	s28 =	smul.u32 $0x50000, s2;
	s14 =	sadd.s32 $0x12C000, s1  }
0xa: {  	p0 =	seq.s32 s2, $0xF;
	_ =	strace $0x8000004D;
	s10 =	ssub.s32 $0x2, s8  }
0xb: {  	s11 =	sadd.s32 s9, s6;
	s6 =	sadd.s32 s7, s9;
	s29 =	smul.u32 $0x4E200, s8  }
0xc: {  	s20 =	sshllo.u32 s8, $0x1;
	s21 =	sshll.u32 s8, $0x1;
	s8 =	smul.u32 $0x2800, s2  }
0xd: {  	s12 =	sshrl.u32 s10, $0x1;
	s7 =	sadd.s32 $0x4A00, s11;
	s30 =	sshrl.u32 s28, $0x2  }
0xe: {  	s31 =	smul.u32 $0x27100, s20;
	s11 =	simm.s32 $0x2;
	s10 =	ssub.s32 s10, s12  }
0xf: {  	s15 =	sadd.s32 s30, s1;
	s22 =	sadd.s32 s13, s29;
	s12 =	simm.s32 $0x4000  }
0x10: {  	s9 =	sadd.s32 s13, s31;
	s10 =	smax.u32 s10, $0x1;
	s13 =	sshrl.u32 @p0 s14, $0x3  }
0x11: {  	v1 =	vmov s20;
	s14 =	sshll.u32 @!p0 s2, $0x6;
	s15 =	sshrl.u32 @!p0 s15, $0x3;
	s20 =	sadd.s32 @p0 $0x25800, s22  }
0x12: {  	v0 =	vmov s21;
	s21 =	sadd.s32 @!p0 s8, s22;
	s22 =	simm.s32 $0x0;
	s14 =	sor.u32 @!p0 $0x1C02, s14  }
.LBB2_1:
0x13: {  	[tilespmem:s3], [sflag:$0x2] =	stream.linear.gather [hbm4b:s6+s3], $0x3E80, $0x38;
	[tilespmem:$0x1E880] =	vst v63  }
0x14: {  	_ =	swait.ge [sflag:s11], $0x3E80  }
0x15: {  	[sflag:s11] =	ssyncset.done $0x0  }
0x16: {  	[sflag:s11] =	ssyncadd.s32 $0xFFFFC180  }
0x17: {  	[tilespmem:s12], [sflag:$0x2] =	stream.linear.gather [hbm4b:s7+s3], $0x3E80, $0x38;
	[tilespmem:$0x1E880] =	vst v63  }
0x18: {  	_ =	swait.ge [sflag:s11], $0x3E80  }
0x19: {  	[sflag:s11] =	ssyncset.done $0x0  }
0x1a: {  	s23 =	simm.s32 @p0 $0x1FC2;
	[sflag:s11] =	ssyncadd.s32 $0xFFFFC180  }
0x1b: {  	[spmem:s13], [sflag:s23] =	dma.local @p0 [hbm:s5], $0x1900  }
0x1c: {  	s23 =	simm.s32 @p0 $0x2  }
0x1d: {  	_ =	swait.ge @p0 [sflag:s23], $0x1900  }
0x1e: {  	[sflag:s23] =	ssyncset.done @p0 $0x0  }
0x1f: {  	[sflag:s23] =	ssyncadd.s32 @p0 $0xFFFFE700;
	s23 =	simm.s32 @!p0 $0x2  }
0x20: {  	[spmem:s15], [sflag:s14] =	dma.local @!p0 [hbm:s5], $0x2800  }
0x21: {  	_ =	swait.ge @!p0 [sflag:s23], $0x2800  }
0x22: {  	[sflag:s23] =	ssyncset.done @!p0 $0x0  }
0x23: {  	[sflag:s23] =	ssyncadd.s32 @!p0 $0xFFFFD800  }
0x24: {  	s30 =	simm.s32 $0x0;
	[bflag:$0x0] =	sbarrier.arrive $0xFFFF  }
0x25: {  	v2 =	vld [tilespmem:s30+$0x0];
	_ =	sdelay $0x4  }
0x26: {  	v2 =	vshll.u32 v2, $0x2  }
0x27: {  	v2 =	vor.u32 v0, v2  }
0x28: {  	[tilespmem:$0x8000] =	vst v2  }
0x29: {  	v2 =	vld [tilespmem:s30+$0x10];
	_ =	sdelay $0x4  }
0x2a: {  	v2 =	vshll.u32 v2, $0x2  }
0x2b: {  	v2 =	vor.u32 v0, v2  }
0x2c: {  	[tilespmem:$0x8010] =	vst v2  }
0x2d: {  	v2 =	vld [tilespmem:s30+$0x20];
	_ =	sdelay $0x4  }
0x2e: {  	v2 =	vshll.u32 v2, $0x2  }
0x2f: {  	v2 =	vor.u32 v0, v2  }
0x30: {  	[tilespmem:$0x8020] =	vst v2  }
0x31: {  	v2 =	vld [tilespmem:s30+$0x30];
	_ =	sdelay $0x4  }
0x32: {  	v2 =	vshll.u32 v2, $0x2  }
0x33: {  	v2 =	vor.u32 v0, v2  }
0x34: {  	[tilespmem:$0x8030] =	vst v2  }
0x35: {  	v2 =	vld [tilespmem:s30+$0x40];
	_ =	sdelay $0x4  }
0x36: {  	v2 =	vshll.u32 v2, $0x2  }
0x37: {  	v2 =	vor.u32 v0, v2  }
0x38: {  	[tilespmem:$0x8040] =	vst v2  }
0x39: {  	[tilespmem:s18], [sflag:$0x1] =	stream.indirect.gather [hbm4b:s4+s16], $0x80, s17, s16, $0xb8;
	[tilespmem:$0x1E880] =	vst v63  }
0x3a: {  	_ =	swait.ge [sflag:s19], $0x2800  }
0x3b: {  	[sflag:s19] =	ssyncset.done $0x0  }
0x3c: {  	s31 =	simm.s32 $0x4000;
	[sflag:s19] =	ssyncadd.s32 $0xFFFFD800  }
0x3d: {  	[spmem:s1] =	stream.indirect.scatter.add.f32 [tilespmem:s18], [sflag:$0x2], $0x80, s31, s16, $0xb8;
	[tilespmem:$0x1E880] =	vst v63  }
0x3e: {  	_ =	swait.ge [sflag:s11], $0x2800  }
0x3f: {  	s26 =	simm.s32 $0x400;
	s23 =	simm.s32 $0x200;
	[sflag:s11] =	ssyncset.done $0x0  }
.LBB2_2:
0x40: {  	s25 =	sshra.s32 s23, $0x2  }
0x41: {  	[sflag:s11] =	ssyncadd.s32 $0xFFFFD800;
	s23 =	smov.u32 s26;
	s24 =	sadd.s32 $0x200, s26  }
0x42: {  	p1 =	sne.s32 s26, $0xF800;
	v2 =	vld [tilespmem:s25+$0x0];
	_ =	sdelay $0x4  }
0x43: {  	v2 =	vshll.u32 v2, $0x2  }
0x44: {  	v2 =	vor.u32 v0, v2  }
0x45: {  	[tilespmem:$0x8000] =	vst v2  }
0x46: {  	v2 =	vld [tilespmem:s25+$0x10];
	_ =	sdelay $0x4  }
0x47: {  	v2 =	vshll.u32 v2, $0x2  }
0x48: {  	v2 =	vor.u32 v0, v2  }
0x49: {  	[tilespmem:$0x8010] =	vst v2  }
0x4a: {  	v2 =	vld [tilespmem:s25+$0x20];
	_ =	sdelay $0x4  }
0x4b: {  	v2 =	vshll.u32 v2, $0x2  }
0x4c: {  	v2 =	vor.u32 v0, v2  }
0x4d: {  	[tilespmem:$0x8020] =	vst v2  }
0x4e: {  	v2 =	vld [tilespmem:s25+$0x30];
	_ =	sdelay $0x4  }
0x4f: {  	v2 =	vshll.u32 v2, $0x2  }
0x50: {  	v2 =	vor.u32 v0, v2  }
0x51: {  	[tilespmem:$0x8030] =	vst v2  }
0x52: {  	v2 =	vld [tilespmem:s25+$0x40];
	_ =	sdelay $0x4  }
0x53: {  	v2 =	vshll.u32 v2, $0x2  }
0x54: {  	v2 =	vor.u32 v0, v2  }
0x55: {  	[tilespmem:$0x8040] =	vst v2  }
0x56: {  	[tilespmem:s18], [sflag:$0x1] =	stream.indirect.gather [hbm4b:s4+s16], $0x80, s17, s16, $0xb8;
	[tilespmem:$0x1E880] =	vst v63  }
0x57: {  	_ =	swait.ge [sflag:s19], $0x2800  }
.Ltmp0:
0x58: {  	[sflag:s19] =	ssyncset.done $0x0;
	(pc) =	sbr.rel @p1 .LBB2_2-.Ltmp0, $4  }
0x59: {  	s25 =	sadd.s32 $0x4000, s25;
	[sflag:s19] =	ssyncadd.s32 $0xFFFFD800  }
0x5a: {  	[spmem:s1] =	stream.indirect.scatter.add.f32 [tilespmem:s18], [sflag:$0x2], $0x80, s25, s16, $0xb8;
	[tilespmem:$0x1E880] =	vst v63  }
0x5b: {  	_ =	swait.ge [sflag:s11], $0x2800  }
0x5c: {  	s26 =	smov.u32 s24;
	[sflag:s11] =	ssyncset.done $0x0  }
0x5d: {  	s23 =	sshra.s32 s23, $0x2;
	[sflag:s11] =	ssyncadd.s32 $0xFFFFD800  }
0x5e: {  	v2 =	vld [tilespmem:s23+$0x0];
	_ =	sdelay $0x4  }
0x5f: {  	v2 =	vshll.u32 v2, $0x2  }
0x60: {  	v2 =	vor.u32 v0, v2  }
0x61: {  	[tilespmem:$0x8000] =	vst v2  }
0x62: {  	v2 =	vld [tilespmem:s23+$0x10];
	_ =	sdelay $0x4  }
0x63: {  	v2 =	vshll.u32 v2, $0x2  }
0x64: {  	v2 =	vor.u32 v0, v2  }
0x65: {  	[tilespmem:$0x8010] =	vst v2  }
0x66: {  	v2 =	vld [tilespmem:s23+$0x20];
	_ =	sdelay $0x4  }
0x67: {  	v2 =	vshll.u32 v2, $0x2  }
0x68: {  	v2 =	vor.u32 v0, v2  }
0x69: {  	[tilespmem:$0x8020] =	vst v2  }
0x6a: {  	v2 =	vld [tilespmem:s23+$0x30];
	_ =	sdelay $0x4  }
0x6b: {  	v2 =	vshll.u32 v2, $0x2  }
0x6c: {  	v2 =	vor.u32 v0, v2  }
0x6d: {  	[tilespmem:$0x8030] =	vst v2  }
0x6e: {  	v2 =	vld [tilespmem:s23+$0x40];
	_ =	sdelay $0x4  }
0x6f: {  	v2 =	vshll.u32 v2, $0x2  }
0x70: {  	v2 =	vor.u32 v0, v2  }
0x71: {  	[tilespmem:$0x8040] =	vst v2  }
0x72: {  	[tilespmem:s18], [sflag:$0x1] =	stream.indirect.gather [hbm4b:s4+s16], $0x80, s17, s16, $0xb8;
	[tilespmem:$0x1E880] =	vst v63  }
0x73: {  	_ =	swait.ge [sflag:s19], $0x2800  }
0x74: {  	[sflag:s19] =	ssyncset.done $0x0  }
0x75: {  	s23 =	sadd.s32 $0x4000, s23;
	[sflag:s19] =	ssyncadd.s32 $0xFFFFD800  }
0x76: {  	[spmem:s1] =	stream.indirect.scatter.add.f32 [tilespmem:s18], [sflag:$0x2], $0x80, s23, s16, $0xb8;
	[tilespmem:$0x1E880] =	vst v63  }
0x77: {  	_ =	swait.ge [sflag:s11], $0x2800  }
0x78: {  	[sflag:s11] =	ssyncset.done $0x0  }
0x79: {  	[sflag:s11] =	ssyncadd.s32 $0xFFFFD800  }
0x7a: {  	s24 =	simm.s32 @p0 $0x2;
	s23 =	simm.s32 @p0 $0x1FC2;
	[bflag:$0x0] =	sbarrier.arrive $0xFFFF  }
0x7b: {  	[hbm:s20], [sflag:s23] =	dma.local @p0 [spmem:s13], $0x1900  }
0x7c: {  	_ =	swait.ge @p0 [sflag:s24], $0x1900  }
0x7d: {  	[sflag:s24] =	ssyncset.done @p0 $0x0  }
0x7e: {  	[sflag:s24] =	ssyncadd.s32 @p0 $0xFFFFE700  }
0x7f: {  	[bflag:$0x0] =	sbarrier.arrive @p0 $0xFFFF  }
0x80: {  	[spmem:s13], [sflag:s23] =	dma.local @p0 [hbm:s5], $0x1900  }
0x81: {  	_ =	swait.ge @p0 [sflag:s24], $0x1900  }
0x82: {  	[sflag:s24] =	ssyncset.done @p0 $0x0  }
0x83: {  	s23 =	simm.s32 @!p0 $0x2;
	[sflag:s24] =	ssyncadd.s32 @p0 $0xFFFFE700  }
0x84: {  	[hbm:s21], [sflag:s14] =	dma.local @!p0 [spmem:s15], $0x2800  }
0x85: {  	_ =	swait.ge @!p0 [sflag:s23], $0x2800  }
0x86: {  	[sflag:s23] =	ssyncset.done @!p0 $0x0  }
0x87: {  	[sflag:s23] =	ssyncadd.s32 @!p0 $0xFFFFD800  }
0x88: {  	[bflag:$0x0] =	sbarrier.arrive @!p0 $0xFFFF  }
0x89: {  	[spmem:s15], [sflag:s14] =	dma.local @!p0 [hbm:s5], $0x2800  }
0x8a: {  	_ =	swait.ge @!p0 [sflag:s23], $0x2800  }
0x8b: {  	[sflag:s23] =	ssyncset.done @!p0 $0x0  }
0x8c: {  	[sflag:s23] =	ssyncadd.s32 @!p0 $0xFFFFD800  }
0x8d: {  	s30 =	simm.s32 $0x0;
	[bflag:$0x0] =	sbarrier.arrive $0xFFFF  }
0x8e: {  	v2 =	vld [tilespmem:s30+$0x0];
	_ =	sdelay $0x4  }
0x8f: {  	v2 =	vshll.u32 v2, $0x2  }
0x90: {  	v2 =	vor.u32 v1, v2  }
0x91: {  	[tilespmem:$0x8000] =	vst v2  }
0x92: {  	v2 =	vld [tilespmem:s30+$0x10];
	_ =	sdelay $0x4  }
0x93: {  	v2 =	vshll.u32 v2, $0x2  }
0x94: {  	v2 =	vor.u32 v1, v2  }
0x95: {  	[tilespmem:$0x8010] =	vst v2  }
0x96: {  	v2 =	vld [tilespmem:s30+$0x20];
	_ =	sdelay $0x4  }
0x97: {  	v2 =	vshll.u32 v2, $0x2  }
0x98: {  	v2 =	vor.u32 v1, v2  }
0x99: {  	[tilespmem:$0x8020] =	vst v2  }
0x9a: {  	v2 =	vld [tilespmem:s30+$0x30];
	_ =	sdelay $0x4  }
0x9b: {  	v2 =	vshll.u32 v2, $0x2  }
0x9c: {  	v2 =	vor.u32 v1, v2  }
0x9d: {  	[tilespmem:$0x8030] =	vst v2  }
0x9e: {  	v2 =	vld [tilespmem:s30+$0x40];
	_ =	sdelay $0x4  }
0x9f: {  	v2 =	vshll.u32 v2, $0x2  }
0xa0: {  	v2 =	vor.u32 v1, v2  }
0xa1: {  	[tilespmem:$0x8040] =	vst v2  }
0xa2: {  	[tilespmem:s18], [sflag:$0x1] =	stream.indirect.gather [hbm4b:s4+s16], $0x80, s17, s16, $0xb8;
	[tilespmem:$0x1E880] =	vst v63  }
0xa3: {  	_ =	swait.ge [sflag:s19], $0x2800  }
0xa4: {  	[sflag:s19] =	ssyncset.done $0x0  }
0xa5: {  	s31 =	simm.s32 $0x4000;
	[sflag:s19] =	ssyncadd.s32 $0xFFFFD800  }
0xa6: {  	[spmem:s1] =	stream.indirect.scatter.add.f32 [tilespmem:s18], [sflag:$0x2], $0x80, s31, s16, $0xb8;
	[tilespmem:$0x1E880] =	vst v63  }
0xa7: {  	_ =	swait.ge [sflag:s11], $0x2800  }
0xa8: {  	s26 =	simm.s32 $0x400;
	s23 =	simm.s32 $0x200;
	[sflag:s11] =	ssyncset.done $0x0  }
.LBB2_4:
0xa9: {  	s25 =	sshra.s32 s23, $0x2  }
0xaa: {  	[sflag:s11] =	ssyncadd.s32 $0xFFFFD800;
	s23 =	smov.u32 s26;
	s24 =	sadd.s32 $0x200, s26  }
0xab: {  	p1 =	sne.s32 s26, $0xF800;
	v2 =	vld [tilespmem:s25+$0x0];
	_ =	sdelay $0x4  }
0xac: {  	v2 =	vshll.u32 v2, $0x2  }
0xad: {  	v2 =	vor.u32 v1, v2  }
0xae: {  	[tilespmem:$0x8000] =	vst v2  }
0xaf: {  	v2 =	vld [tilespmem:s25+$0x10];
	_ =	sdelay $0x4  }
0xb0: {  	v2 =	vshll.u32 v2, $0x2  }
0xb1: {  	v2 =	vor.u32 v1, v2  }
0xb2: {  	[tilespmem:$0x8010] =	vst v2  }
0xb3: {  	v2 =	vld [tilespmem:s25+$0x20];
	_ =	sdelay $0x4  }
0xb4: {  	v2 =	vshll.u32 v2, $0x2  }
0xb5: {  	v2 =	vor.u32 v1, v2  }
0xb6: {  	[tilespmem:$0x8020] =	vst v2  }
0xb7: {  	v2 =	vld [tilespmem:s25+$0x30];
	_ =	sdelay $0x4  }
0xb8: {  	v2 =	vshll.u32 v2, $0x2  }
0xb9: {  	v2 =	vor.u32 v1, v2  }
0xba: {  	[tilespmem:$0x8030] =	vst v2  }
0xbb: {  	v2 =	vld [tilespmem:s25+$0x40];
	_ =	sdelay $0x4  }
0xbc: {  	v2 =	vshll.u32 v2, $0x2  }
0xbd: {  	v2 =	vor.u32 v1, v2  }
0xbe: {  	[tilespmem:$0x8040] =	vst v2  }
0xbf: {  	[tilespmem:s18], [sflag:$0x1] =	stream.indirect.gather [hbm4b:s4+s16], $0x80, s17, s16, $0xb8;
	[tilespmem:$0x1E880] =	vst v63  }
0xc0: {  	_ =	swait.ge [sflag:s19], $0x2800  }
.Ltmp1:
0xc1: {  	[sflag:s19] =	ssyncset.done $0x0;
	(pc) =	sbr.rel @p1 .LBB2_4-.Ltmp1, $4  }
0xc2: {  	s25 =	sadd.s32 $0x4000, s25;
	[sflag:s19] =	ssyncadd.s32 $0xFFFFD800  }
0xc3: {  	[spmem:s1] =	stream.indirect.scatter.add.f32 [tilespmem:s18], [sflag:$0x2], $0x80, s25, s16, $0xb8;
	[tilespmem:$0x1E880] =	vst v63  }
0xc4: {  	_ =	swait.ge [sflag:s11], $0x2800  }
0xc5: {  	s26 =	smov.u32 s24;
	[sflag:s11] =	ssyncset.done $0x0  }
0xc6: {  	s23 =	sshra.s32 s23, $0x2;
	[sflag:s11] =	ssyncadd.s32 $0xFFFFD800  }
0xc7: {  	v2 =	vld [tilespmem:s23+$0x0];
	_ =	sdelay $0x4  }
0xc8: {  	v2 =	vshll.u32 v2, $0x2  }
0xc9: {  	v2 =	vor.u32 v1, v2  }
0xca: {  	[tilespmem:$0x8000] =	vst v2  }
0xcb: {  	v2 =	vld [tilespmem:s23+$0x10];
	_ =	sdelay $0x4  }
0xcc: {  	v2 =	vshll.u32 v2, $0x2  }
0xcd: {  	v2 =	vor.u32 v1, v2  }
0xce: {  	[tilespmem:$0x8010] =	vst v2  }
0xcf: {  	v2 =	vld [tilespmem:s23+$0x20];
	_ =	sdelay $0x4  }
0xd0: {  	v2 =	vshll.u32 v2, $0x2  }
0xd1: {  	v2 =	vor.u32 v1, v2  }
0xd2: {  	[tilespmem:$0x8020] =	vst v2  }
0xd3: {  	v2 =	vld [tilespmem:s23+$0x30];
	_ =	sdelay $0x4  }
0xd4: {  	v2 =	vshll.u32 v2, $0x2  }
0xd5: {  	v2 =	vor.u32 v1, v2  }
0xd6: {  	[tilespmem:$0x8030] =	vst v2  }
0xd7: {  	v2 =	vld [tilespmem:s23+$0x40];
	_ =	sdelay $0x4  }
0xd8: {  	v2 =	vshll.u32 v2, $0x2  }
0xd9: {  	v2 =	vor.u32 v1, v2  }
0xda: {  	[tilespmem:$0x8040] =	vst v2  }
0xdb: {  	[tilespmem:s18], [sflag:$0x1] =	stream.indirect.gather [hbm4b:s4+s16], $0x80, s17, s16, $0xb8;
	[tilespmem:$0x1E880] =	vst v63  }
0xdc: {  	_ =	swait.ge [sflag:s19], $0x2800  }
0xdd: {  	[sflag:s19] =	ssyncset.done $0x0  }
0xde: {  	s23 =	sadd.s32 $0x4000, s23;
	[sflag:s19] =	ssyncadd.s32 $0xFFFFD800  }
0xdf: {  	[spmem:s1] =	stream.indirect.scatter.add.f32 [tilespmem:s18], [sflag:$0x2], $0x80, s23, s16, $0xb8;
	[tilespmem:$0x1E880] =	vst v63  }
0xe0: {  	_ =	swait.ge [sflag:s11], $0x2800  }
0xe1: {  	[sflag:s11] =	ssyncset.done $0x0  }
0xe2: {  	[sflag:s11] =	ssyncadd.s32 $0xFFFFD800  }
0xe3: {  	s24 =	simm.s32 @p0 $0x1FC2;
	s23 =	sadd.s32 @p0 $0x25800, s9;
	[bflag:$0x0] =	sbarrier.arrive $0xFFFF  }
0xe4: {  	[hbm:s23], [sflag:s24] =	dma.local @p0 [spmem:s13], $0x1900  }
0xe5: {  	s23 =	simm.s32 @p0 $0x2  }
0xe6: {  	_ =	swait.ge @p0 [sflag:s23], $0x1900  }
0xe7: {  	[sflag:s23] =	ssyncset.done @p0 $0x0  }
0xe8: {  	s22 =	sadd.s32 $0x1, s22;
	[sflag:s23] =	ssyncadd.s32 @p0 $0xFFFFE700;
	s23 =	sadd.s32 @!p0 s8, s9  }
0xe9: {  	[hbm:s23], [sflag:s14] =	dma.local @!p0 [spmem:s15], $0x2800  }
0xea: {  	p1 =	sne.s32 s22, s10;
	s23 =	simm.s32 @!p0 $0x2  }
.Ltmp2:
0xeb: {  	_ =	swait.ge @!p0 [sflag:s23], $0x2800;
	(pc) =	sbr.rel @p1 .LBB2_1-.Ltmp2, $3  }
0xec: {  	[sflag:s23] =	ssyncset.done @!p0 $0x0  }
0xed: {  	[sflag:s23] =	ssyncadd.s32 @!p0 $0xFFFFD800  }
0xee: {  	[bflag:$0x0] =	sbarrier.arrive $0xFFFF;
	_ =	sdelay $0x1  }
0xef: {  	_ =	sfence.sel $0x180000  }
0xf0: {  	[bflag:$0x0] =	sbarrier.arrive $0xFFFF  }
0xf1: {  	p0 =	sne.s32 s2, $0x0;
	_ =	strace $0x9000004D  }
0xf2: {  	s0 =	sadd.s32 @!p0 $0x100000, s0;
	[bflag:$0x2] =	sbarrier.arrive $0xFFFF  }
0xf3: {  	[sflag:s0] =	ssyncadd.tile.s32 @!p0 $0x1;
	_ =	shalt  }
.Lfunc_end2:
_tile_overlayer_lowered:
.L_overlay_start_2:
0xf4: {  	(tag) =	ssettag $0x2  }
0xf5: {  	s0 =	rddreg [dreg:$0x0];
	s2 =	stileid.u32  }
0xf6: {  	s1 =	rddreg [dreg:$0x1];
	p0 =	sne.s32 s2, $0x0  }
0xf7: {  	s3 =	rddreg [dreg:$0x2];
	[bflag:$0x3] =	sbarrier.arrive $0xFFFF;
	s2 =	simm.s32 @!p0 $0x1C02  }
0xf8: {  	[timem:s3], [sflag:s2] =	dma.local @!p0 [hbm:s0], s1  }
0xf9: {  	s0 =	simm.s32 @!p0 $0x2  }
0xfa: {  	_ =	swait.ge @!p0 [sflag:s0], s1  }
0xfb: {  	s1 =	ssub.s32 @!p0 $0x0, s1;
	[sflag:s0] =	ssyncset.done @!p0 $0x0  }
0xfc: {  	[sflag:s0] =	ssyncadd.s32 @!p0 s1  }
0xfd: {  	[bflag:$0x3] =	sbarrier.arrive $0xFFFF  }
0xfe: {  	_ =	shalt  }

</sc_bundles>
